<compile_context>
chip_gen: v7x
topology: tpu7x:2x2x1
jax: 0.10.2.dev20260603
libtpu: 0.0.44.dev20260713+nightly
codegen_flags: <defaults>
</compile_context>

<pallas_src>
import dataclasses
import functools

import jax
import jax.numpy as jnp
from jax import lax
from jax.experimental import pallas as pl
from jax.experimental.pallas import tpu as pltpu
from jax.experimental.pallas import tpu_sc as plsc

N = 10000
E = 320000
D = 128

NW = 32
G = 128
H = G // 2
NE = E + N
GROUPS = -(-NE // (NW * G))
TOTAL = NW * GROUPS * G
NT = 10112
NA = 10112
JUNK = N
RPT = NA // 16


def _loop(n):
    return pl.loop(jnp.int32(0), jnp.int32(n))


def _tc_prep(x, W, att2):
    def body(x_ref, w_ref, a_ref, h_ref, aux_ref):
        h = jnp.dot(x_ref[...], w_ref[...],
                    preferred_element_type=jnp.float32,
                    precision=lax.Precision.HIGHEST)
        h_ref[...] = h
        aux = lax.dot_general(a_ref[...], h, (((1,), (1,)), ((), ())),
                              preferred_element_type=jnp.float32,
                              precision=lax.Precision.HIGHEST)
        aux_ref[...] = jnp.concatenate(
            [aux, jnp.zeros((2, NT - N), jnp.float32)], axis=1)

    return pl.pallas_call(
        body,
        out_shape=(jax.ShapeDtypeStruct((N, D), jnp.float32),
                   jax.ShapeDtypeStruct((2, NT), jnp.float32)),
    )(x, W, att2)


def _sc_edges(h, aux, idx_t):
    mesh = plsc.VectorSubcoreMesh(core_axis_name="c", subcore_axis_name="s",
                                  num_cores=2, num_subcores=16)
    cp = pltpu.CompilerParams()
    if "needs_layout_passes" in pltpu.CompilerParams.__dataclass_fields__:
        cp = dataclasses.replace(cp, needs_layout_passes=False)

    @functools.partial(
        pl.kernel,
        out_type=(jax.ShapeDtypeStruct((2, NA, D), jnp.float32),
                  jax.ShapeDtypeStruct((NW, NA), jnp.float32)),
        mesh=mesh,
        scratch_types=[
            pltpu.VMEM((NT,), jnp.float32),
            pltpu.VMEM((NT,), jnp.float32),
            pltpu.VMEM((2, G), jnp.int32),
            pltpu.VMEM((NA,), jnp.float32),
            pltpu.VMEM((G, D), jnp.float32),
            pltpu.VMEM((G,), jnp.float32),
            pltpu.VMEM_SHARED((NA, D), jnp.float32),
            pltpu.SemaphoreType.DMA,
        ],
        compiler_params=cp,
    )
    def k(h_hbm, aux_hbm, idx_hbm, acc_hbm, den_hbm,
          asrc_v, adst_v, idx_v, den_v, rows_v, p_v, acc_sh, sem_a):
        i32 = jnp.int32
        c = lax.axis_index("c").astype(i32)
        s = lax.axis_index("s").astype(i32)
        wid = c * i32(16) + s
        zv = jnp.zeros((16,), jnp.float32)

        @_loop(NA // 16)
        def _(i):
            den_v[pl.ds(pl.multiple_of(i * i32(16), 8), 16)] = zv

        @_loop(G)
        def _(r):
            for j in range(8):
                rows_v[r, pl.ds(j * 16, 16)] = zv

        @_loop(RPT // G)
        def _(i):
            pltpu.sync_copy(
                rows_v,
                acc_sh.at[pl.ds(s * i32(RPT) + i * i32(G), G)])
        rem = RPT - (RPT // G) * G
        if rem:
            pltpu.sync_copy(
                rows_v.at[pl.ds(0, rem)],
                acc_sh.at[pl.ds(s * i32(RPT) + i32(RPT - rem), rem)])

        pltpu.sync_copy(aux_hbm.at[i32(0)], asrc_v)
        pltpu.sync_copy(aux_hbm.at[i32(1)], adst_v)
        plsc.subcore_barrier()

        @_loop(GROUPS)
        def _(g):
            pltpu.sync_copy(idx_hbm.at[wid, g], idx_v)
            cp_h = pltpu.async_copy(h_hbm.at[idx_v.at[i32(0)]],
                                    rows_v, sem_a)
            for j in range(G // 16):
                sv = idx_v[0, pl.ds(j * 16, 16)]
                dv = idx_v[1, pl.ds(j * 16, 16)]
                e = (plsc.load_gather(asrc_v, [sv])
                     + plsc.load_gather(adst_v, [dv]))
                e = jnp.where(e >= 0.0, e, 0.2 * e)
                p = jnp.exp(e)
                plsc.addupdate_scatter(den_v, [dv], p)
                p_v[pl.ds(j * 16, 16)] = p
            cp_h.wait()

            @_loop(G // 4)
            def _(eb):
                e4 = eb * i32(4)
                for u in range(4):
                    av = plsc.load_gather(
                        p_v, [jnp.full((16,), e4 + i32(u), i32)])
                    for j in range(8):
                        r = rows_v[e4 + i32(u), pl.ds(j * 16, 16)]
                        rows_v[e4 + i32(u), pl.ds(j * 16, 16)] = r * av

            pltpu.sync_copy(rows_v, acc_sh.at[idx_v.at[i32(1)]],
                            add=True)

        plsc.subcore_barrier()
        pltpu.sync_copy(acc_sh.at[pl.ds(s * i32(RPT), RPT)],
                        acc_hbm.at[c, pl.ds(s * i32(RPT), RPT)])
        pltpu.sync_copy(den_v, den_hbm.at[wid])

    return k(h, aux, idx_t)


def _tc_final(acc, den, bias2):
    def body(acc_ref, den_ref, b_ref, o_ref):
        a = acc_ref[0] + acc_ref[1]
        dsum = jnp.sum(den_ref[...], axis=0)
        o_ref[...] = jnp.tanh(
            a[:N] / (dsum[:N, None] + 1e-16) + b_ref[...])

    return pl.pallas_call(
        body,
        out_shape=jax.ShapeDtypeStruct((N, D), jnp.float32),
    )(acc, den, bias2)


def kernel(x, edge_index, W, att_src, att_dst, bias):
    src = edge_index[0].astype(jnp.int32)
    dst = edge_index[1].astype(jnp.int32)
    loop = jnp.arange(N, dtype=jnp.int32)
    pad = TOTAL - NE
    src_all = jnp.concatenate(
        [src, loop, jnp.zeros((pad,), jnp.int32)])
    dst_all = jnp.concatenate(
        [dst, loop, jnp.full((pad,), JUNK, jnp.int32)])
    idx_t = jnp.concatenate(
        [src_all.reshape(NW, GROUPS, 1, G),
         dst_all.reshape(NW, GROUPS, 1, G)], axis=2)
    att2 = jnp.stack([att_src, att_dst]).astype(jnp.float32)

    h, aux = _tc_prep(x.astype(jnp.float32), W.astype(jnp.float32), att2)
    acc, den = _sc_edges(h, aux, idx_t)
    out = _tc_final(acc, den, bias.astype(jnp.float32).reshape(1, D))
    return out.astype(jnp.result_type(x.dtype, W.dtype))

# --- scband reference (transcript-rebuilt; emitter-appended) ---
"""Pipeline reference for scband-breadth-56341380989600 (READ-ONLY COPY).

The authoritative reference and input builder live on the scoring server;
editing this copy changes nothing except your own understanding.
"""

import jax
jax.config.update('jax_enable_x64', True)
import jax.numpy as jnp
import numpy as np

N = 10000
E = 320000
D = 128


def setup_inputs(seed: int = 0) -> dict:
    key = jax.random.key(seed)
    k1, k2, k3, k4, k5 = jax.random.split(key, 5)
    x = jax.random.normal(k1, (N, D), dtype=jnp.float32)
    edge_index = jax.random.randint(k2, (2, E), 0, N, dtype=jnp.int64)
    # GATConv(in_dim=128, out_dim=128, heads=1) parameters
    W = jax.random.normal(k3, (D, D), dtype=jnp.float32) / np.sqrt(D)
    att_src = jax.random.normal(k4, (D,), dtype=jnp.float32) * 0.1
    att_dst = jax.random.normal(k5, (D,), dtype=jnp.float32) * 0.1
    bias = jnp.zeros((D,), dtype=jnp.float32)
    return {"x": x, "edge_index": edge_index, "W": W, "att_src": att_src,
            "att_dst": att_dst, "bias": bias}


def reference(x, edge_index, W, att_src, att_dst, bias):
    n = x.shape[0]
    # PyG GATConv adds self-loops by default
    loop = jnp.arange(n, dtype=edge_index.dtype)
    src = jnp.concatenate([edge_index[0], loop])
    dst = jnp.concatenate([edge_index[1], loop])
    # linear projection (heads=1)
    h = x @ W  # [N, D]
    a_src = h @ att_src  # [N]
    a_dst = h @ att_dst  # [N]
    e = a_src[src] + a_dst[dst]  # [E+N]
    e = jax.nn.leaky_relu(e, 0.2)
    # softmax over incoming edges per destination node
    e_max = jax.ops.segment_max(e, dst, num_segments=n)
    e_max = jnp.where(jnp.isfinite(e_max), e_max, 0.0)
    e_exp = jnp.exp(e - e_max[dst])
    denom = jax.ops.segment_sum(e_exp, dst, num_segments=n)
    alpha = e_exp / (denom[dst] + 1e-16)
    # weighted scatter-add of source features
    out = jax.ops.segment_sum(alpha[:, None] * h[src], dst, num_segments=n)
    out = out + bias
    return jnp.tanh(out)

if __name__ == "__main__":
    import jax
    _d = setup_inputs()
    print(jax.jit(kernel)(*tuple(_d.values())))

</pallas_src>

<mosaic_0001>
#map = affine_map<(d0, d1) -> (0, 0)>
#map1 = affine_map<(d0, d1) -> (0, 0, 0, 0)>
#map2 = affine_map<(d0, d1) -> (0, 0, 0)>
module attributes {stable_mosaic.version = 14 : i64} {
  func.func @k(%arg0: i32, %arg1: i32, %arg2: memref<10000x128xf32, #tpu.memory_space<hbm>>, %arg3: memref<2x10112xf32, #tpu.memory_space<hbm>>, %arg4: memref<32x81x2x128xi32, #tpu.memory_space<hbm>>, %arg5: memref<2x10112x128xf32, #tpu.memory_space<hbm>>, %arg6: memref<32x10112xf32, #tpu.memory_space<hbm>>, %arg7: memref<10112xf32, #tpu.memory_space<vmem>>, %arg8: memref<10112xf32, #tpu.memory_space<vmem>>, %arg9: memref<2x128xi32, #tpu.memory_space<vmem>>, %arg10: memref<10112xf32, #tpu.memory_space<vmem>>, %arg11: memref<128x128xf32, #tpu.memory_space<vmem>>, %arg12: memref<128xf32, #tpu.memory_space<vmem>>, %arg13: memref<10112x128xf32, #tpu.memory_space<vmem_shared>>, %arg14: memref<!tpu.dma_semaphore, #tpu.memory_space<semaphore_mem>>) attributes {dimension_semantics = [#tpu.dimension_semantics<core_parallel>, #tpu.dimension_semantics<subcore_parallel>], iteration_bounds = array<i64: 2, 16>, scalar_prefetch = 0 : i64, scratch_operands = 8 : i64, tpu.core_type = #tpu.core_type<sc_vector_subcore>, window_params = [{transform_indices = #map}, {transform_indices = #map}, {transform_indices = #map1}, {transform_indices = #map2}, {transform_indices = #map}]} {
    %mul3A = arith.constant 16 : i32
    %mul3A_0 = arith.muli %arg0, %mul3A : i32
    %add3A = arith.addi %mul3A_0, %arg1 : i32
    %broadcast_in_dim3A = arith.constant 0.000000e+00 : f32
    %broadcast_in_dim3A_1 = vector.broadcast %broadcast_in_dim3A : f32 to vector<16xf32>
    %sub3A = arith.constant 632 : i32
    %sub3A_2 = arith.constant 0 : i32
    %sub3A_3 = arith.subi %sub3A, %sub3A_2 : i32
    %sub3A_4 = arith.constant 1 : i32
    %sub3A_5 = arith.constant 1 : i32
    %sub3A_6 = arith.subi %sub3A_4, %sub3A_5 : i32
    %add3A_7 = arith.addi %sub3A_3, %sub3A_6 : i32
    %div3A = arith.constant 1 : i32
    %div3A_8 = arith.divsi %add3A_7, %div3A : i32
    %while3A = arith.constant 1 : i32
    %while3A_9 = arith.constant 0 : i32
    %while3A_10 = arith.constant 0 : i32
    %while3A_11 = arith.subi %div3A_8, %while3A_10 : i32
    %while3A_12 = arith.addi %while3A_10, %while3A_11 : i32
    %while3A_13 = arith.constant 1 : i32
    %while3A_14 = arith.divsi %while3A_11, %while3A_13 : i32
    %while3A_15 = arith.muli %while3A_14, %while3A_13 : i32
    %while3A_16 = arith.addi %while3A_10, %while3A_15 : i32
    %while3A_17 = arith.constant 1 : i32
    scf.for %while3A_89 = %while3A_10 to %while3A_16 step %while3A_17  : i32 {
      %mul3A_90 = arith.muli %while3A_89, %while3A : i32
      %add3A_91 = arith.addi %while3A_9, %mul3A_90 : i32
      %mul3A_92 = arith.constant 16 : i32
      %mul3A_93 = arith.muli %add3A_91, %mul3A_92 : i32
      %multiple_of3A = tpu.assume_multiple %mul3A_93, 8 : i32
      %swap3A = arith.index_cast %multiple_of3A : i32 to index
      %swap3A_94 = tpu.vector_load %arg10[%swap3A] {strides = array<i32>} : memref<10112xf32, #tpu.memory_space<vmem>>, vector<16xf32>,
      tpu.vector_store %arg10[%swap3A], %broadcast_in_dim3A_1 {strides = array<i32>} : memref<10112xf32, #tpu.memory_space<vmem>>, vector<16xf32>,
    }
    %while3A_18 = arith.constant 1 : i32
    scf.for %while3A_89 = %while3A_16 to %while3A_12 step %while3A_18  : i32 {
      %mul3A_90 = arith.muli %while3A_89, %while3A : i32
      %add3A_91 = arith.addi %while3A_9, %mul3A_90 : i32
      %mul3A_92 = arith.constant 16 : i32
      %mul3A_93 = arith.muli %add3A_91, %mul3A_92 : i32
      %multiple_of3A = tpu.assume_multiple %mul3A_93, 8 : i32
      %swap3A = arith.index_cast %multiple_of3A : i32 to index
      %swap3A_94 = tpu.vector_load %arg10[%swap3A] {strides = array<i32>} : memref<10112xf32, #tpu.memory_space<vmem>>, vector<16xf32>,
      tpu.vector_store %arg10[%swap3A], %broadcast_in_dim3A_1 {strides = array<i32>} : memref<10112xf32, #tpu.memory_space<vmem>>, vector<16xf32>,
    }
    %sub3A_19 = arith.constant 128 : i32
    %sub3A_20 = arith.constant 0 : i32
    %sub3A_21 = arith.subi %sub3A_19, %sub3A_20 : i32
    %sub3A_22 = arith.constant 1 : i32
    %sub3A_23 = arith.constant 1 : i32
    %sub3A_24 = arith.subi %sub3A_22, %sub3A_23 : i32
    %add3A_25 = arith.addi %sub3A_21, %sub3A_24 : i32
    %div3A_26 = arith.constant 1 : i32
    %div3A_27 = arith.divsi %add3A_25, %div3A_26 : i32
    %while3A_28 = arith.constant 1 : i32
    %while3A_29 = arith.constant 0 : i32
    %while3A_30 = arith.constant 0 : i32
    %while3A_31 = arith.subi %div3A_27, %while3A_30 : i32
    %while3A_32 = arith.addi %while3A_30, %while3A_31 : i32
    %while3A_33 = arith.constant 1 : i32
    %while3A_34 = arith.divsi %while3A_31, %while3A_33 : i32
    %while3A_35 = arith.muli %while3A_34, %while3A_33 : i32
    %while3A_36 = arith.addi %while3A_30, %while3A_35 : i32
    %while3A_37 = arith.constant 1 : i32
    scf.for %while3A_89 = %while3A_30 to %while3A_36 step %while3A_37  : i32 {
      %mul3A_90 = arith.muli %while3A_89, %while3A_28 : i32
      %add3A_91 = arith.addi %while3A_29, %mul3A_90 : i32
      %swap3A = arith.index_cast %add3A_91 : i32 to index
      %swap3A_92 = arith.constant 0 : index
      %swap3A_93 = tpu.vector_load %arg11[%swap3A, %swap3A_92] {strides = array<i32>} : memref<128x128xf32, #tpu.memory_space<vmem>>, vector<16xf32>,
      tpu.vector_store %arg11[%swap3A, %swap3A_92], %broadcast_in_dim3A_1 {strides = array<i32>} : memref<128x128xf32, #tpu.memory_space<vmem>>, vector<16xf32>,
      %swap3A_94 = arith.index_cast %add3A_91 : i32 to index
      %swap3A_95 = arith.constant 16 : index
      %swap3A_96 = tpu.vector_load %arg11[%swap3A_94, %swap3A_95] {strides = array<i32>} : memref<128x128xf32, #tpu.memory_space<vmem>>, vector<16xf32>,
      tpu.vector_store %arg11[%swap3A_94, %swap3A_95], %broadcast_in_dim3A_1 {strides = array<i32>} : memref<128x128xf32, #tpu.memory_space<vmem>>, vector<16xf32>,
      %swap3A_97 = arith.index_cast %add3A_91 : i32 to index
      %swap3A_98 = arith.constant 32 : index
      %swap3A_99 = tpu.vector_load %arg11[%swap3A_97, %swap3A_98] {strides = array<i32>} : memref<128x128xf32, #tpu.memory_space<vmem>>, vector<16xf32>,
      tpu.vector_store %arg11[%swap3A_97, %swap3A_98], %broadcast_in_dim3A_1 {strides = array<i32>} : memref<128x128xf32, #tpu.memory_space<vmem>>, vector<16xf32>,
      %swap3A_100 = arith.index_cast %add3A_91 : i32 to index
      %swap3A_101 = arith.constant 48 : index
      %swap3A_102 = tpu.vector_load %arg11[%swap3A_100, %swap3A_101] {strides = array<i32>} : memref<128x128xf32, #tpu.memory_space<vmem>>, vector<16xf32>,
      tpu.vector_store %arg11[%swap3A_100, %swap3A_101], %broadcast_in_dim3A_1 {strides = array<i32>} : memref<128x128xf32, #tpu.memory_space<vmem>>, vector<16xf32>,
      %swap3A_103 = arith.index_cast %add3A_91 : i32 to index
      %swap3A_104 = arith.constant 64 : index
      %swap3A_105 = tpu.vector_load %arg11[%swap3A_103, %swap3A_104] {strides = array<i32>} : memref<128x128xf32, #tpu.memory_space<vmem>>, vector<16xf32>,
      tpu.vector_store %arg11[%swap3A_103, %swap3A_104], %broadcast_in_dim3A_1 {strides = array<i32>} : memref<128x128xf32, #tpu.memory_space<vmem>>, vector<16xf32>,
      %swap3A_106 = arith.index_cast %add3A_91 : i32 to index
      %swap3A_107 = arith.constant 80 : index
      %swap3A_108 = tpu.vector_load %arg11[%swap3A_106, %swap3A_107] {strides = array<i32>} : memref<128x128xf32, #tpu.memory_space<vmem>>, vector<16xf32>,
      tpu.vector_store %arg11[%swap3A_106, %swap3A_107], %broadcast_in_dim3A_1 {strides = array<i32>} : memref<128x128xf32, #tpu.memory_space<vmem>>, vector<16xf32>,
      %swap3A_109 = arith.index_cast %add3A_91 : i32 to index
      %swap3A_110 = arith.constant 96 : index
      %swap3A_111 = tpu.vector_load %arg11[%swap3A_109, %swap3A_110] {strides = array<i32>} : memref<128x128xf32, #tpu.memory_space<vmem>>, vector<16xf32>,
      tpu.vector_store %arg11[%swap3A_109, %swap3A_110], %broadcast_in_dim3A_1 {strides = array<i32>} : memref<128x128xf32, #tpu.memory_space<vmem>>, vector<16xf32>,
      %swap3A_112 = arith.index_cast %add3A_91 : i32 to index
      %swap3A_113 = arith.constant 112 : index
      %swap3A_114 = tpu.vector_load %arg11[%swap3A_112, %swap3A_113] {strides = array<i32>} : memref<128x128xf32, #tpu.memory_space<vmem>>, vector<16xf32>,
      tpu.vector_store %arg11[%swap3A_112, %swap3A_113], %broadcast_in_dim3A_1 {strides = array<i32>} : memref<128x128xf32, #tpu.memory_space<vmem>>, vector<16xf32>,
    }
    %while3A_38 = arith.constant 1 : i32
    scf.for %while3A_89 = %while3A_36 to %while3A_32 step %while3A_38  : i32 {
      %mul3A_90 = arith.muli %while3A_89, %while3A_28 : i32
      %add3A_91 = arith.addi %while3A_29, %mul3A_90 : i32
      %swap3A = arith.index_cast %add3A_91 : i32 to index
      %swap3A_92 = arith.constant 0 : index
      %swap3A_93 = tpu.vector_load %arg11[%swap3A, %swap3A_92] {strides = array<i32>} : memref<128x128xf32, #tpu.memory_space<vmem>>, vector<16xf32>,
      tpu.vector_store %arg11[%swap3A, %swap3A_92], %broadcast_in_dim3A_1 {strides = array<i32>} : memref<128x128xf32, #tpu.memory_space<vmem>>, vector<16xf32>,
      %swap3A_94 = arith.index_cast %add3A_91 : i32 to index
      %swap3A_95 = arith.constant 16 : index
      %swap3A_96 = tpu.vector_load %arg11[%swap3A_94, %swap3A_95] {strides = array<i32>} : memref<128x128xf32, #tpu.memory_space<vmem>>, vector<16xf32>,
      tpu.vector_store %arg11[%swap3A_94, %swap3A_95], %broadcast_in_dim3A_1 {strides = array<i32>} : memref<128x128xf32, #tpu.memory_space<vmem>>, vector<16xf32>,
      %swap3A_97 = arith.index_cast %add3A_91 : i32 to index
      %swap3A_98 = arith.constant 32 : index
      %swap3A_99 = tpu.vector_load %arg11[%swap3A_97, %swap3A_98] {strides = array<i32>} : memref<128x128xf32, #tpu.memory_space<vmem>>, vector<16xf32>,
      tpu.vector_store %arg11[%swap3A_97, %swap3A_98], %broadcast_in_dim3A_1 {strides = array<i32>} : memref<128x128xf32, #tpu.memory_space<vmem>>, vector<16xf32>,
      %swap3A_100 = arith.index_cast %add3A_91 : i32 to index
      %swap3A_101 = arith.constant 48 : index
      %swap3A_102 = tpu.vector_load %arg11[%swap3A_100, %swap3A_101] {strides = array<i32>} : memref<128x128xf32, #tpu.memory_space<vmem>>, vector<16xf32>,
      tpu.vector_store %arg11[%swap3A_100, %swap3A_101], %broadcast_in_dim3A_1 {strides = array<i32>} : memref<128x128xf32, #tpu.memory_space<vmem>>, vector<16xf32>,
      %swap3A_103 = arith.index_cast %add3A_91 : i32 to index
      %swap3A_104 = arith.constant 64 : index
      %swap3A_105 = tpu.vector_load %arg11[%swap3A_103, %swap3A_104] {strides = array<i32>} : memref<128x128xf32, #tpu.memory_space<vmem>>, vector<16xf32>,
      tpu.vector_store %arg11[%swap3A_103, %swap3A_104], %broadcast_in_dim3A_1 {strides = array<i32>} : memref<128x128xf32, #tpu.memory_space<vmem>>, vector<16xf32>,
      %swap3A_106 = arith.index_cast %add3A_91 : i32 to index
      %swap3A_107 = arith.constant 80 : index
      %swap3A_108 = tpu.vector_load %arg11[%swap3A_106, %swap3A_107] {strides = array<i32>} : memref<128x128xf32, #tpu.memory_space<vmem>>, vector<16xf32>,
      tpu.vector_store %arg11[%swap3A_106, %swap3A_107], %broadcast_in_dim3A_1 {strides = array<i32>} : memref<128x128xf32, #tpu.memory_space<vmem>>, vector<16xf32>,
      %swap3A_109 = arith.index_cast %add3A_91 : i32 to index
      %swap3A_110 = arith.constant 96 : index
      %swap3A_111 = tpu.vector_load %arg11[%swap3A_109, %swap3A_110] {strides = array<i32>} : memref<128x128xf32, #tpu.memory_space<vmem>>, vector<16xf32>,
      tpu.vector_store %arg11[%swap3A_109, %swap3A_110], %broadcast_in_dim3A_1 {strides = array<i32>} : memref<128x128xf32, #tpu.memory_space<vmem>>, vector<16xf32>,
      %swap3A_112 = arith.index_cast %add3A_91 : i32 to index
      %swap3A_113 = arith.constant 112 : index
      %swap3A_114 = tpu.vector_load %arg11[%swap3A_112, %swap3A_113] {strides = array<i32>} : memref<128x128xf32, #tpu.memory_space<vmem>>, vector<16xf32>,
      tpu.vector_store %arg11[%swap3A_112, %swap3A_113], %broadcast_in_dim3A_1 {strides = array<i32>} : memref<128x128xf32, #tpu.memory_space<vmem>>, vector<16xf32>,
    }
    %sub3A_39 = arith.constant 4 : i32
    %sub3A_40 = arith.constant 0 : i32
    %sub3A_41 = arith.subi %sub3A_39, %sub3A_40 : i32
    %sub3A_42 = arith.constant 1 : i32
    %sub3A_43 = arith.constant 1 : i32
    %sub3A_44 = arith.subi %sub3A_42, %sub3A_43 : i32
    %add3A_45 = arith.addi %sub3A_41, %sub3A_44 : i32
    %div3A_46 = arith.constant 1 : i32
    %div3A_47 = arith.divsi %add3A_45, %div3A_46 : i32
    %while3A_48 = arith.constant 1 : i32
    %while3A_49 = arith.constant 0 : i32
    %while3A_50 = arith.constant 0 : i32
    %while3A_51 = arith.subi %div3A_47, %while3A_50 : i32
    %while3A_52 = arith.addi %while3A_50, %while3A_51 : i32
    %while3A_53 = arith.constant 1 : i32
    %while3A_54 = arith.divsi %while3A_51, %while3A_53 : i32
    %while3A_55 = arith.muli %while3A_54, %while3A_53 : i32
    %while3A_56 = arith.addi %while3A_50, %while3A_55 : i32
    %while3A_57 = arith.constant 1 : i32
    scf.for %while3A_89 = %while3A_50 to %while3A_56 step %while3A_57  : i32 {
      %mul3A_90 = arith.muli %while3A_89, %while3A_48 : i32
      %add3A_91 = arith.addi %while3A_49, %mul3A_90 : i32
      %mul3A_92 = arith.constant 632 : i32
      %mul3A_93 = arith.muli %arg1, %mul3A_92 : i32
      %mul3A_94 = arith.constant 128 : i32
      %mul3A_95 = arith.muli %add3A_91, %mul3A_94 : i32
      %add3A_96 = arith.addi %mul3A_93, %mul3A_95 : i32
      "tpu.region"() ({
        %run_scoped3A_97 = tpu.sem_alloc : memref<!tpu.dma_semaphore, #tpu.memory_space<semaphore_mem>>
        %dma_start3A = arith.constant 0 : i32
        %dma_start3A_98 = tpu.memref_slice %arg13[%add3A_96, %dma_start3A] : memref<10112x128xf32, #tpu.memory_space<vmem_shared>> -> memref<128x128xf32, #tpu.memory_space<vmem_shared>>
        %dma_start3A_99 = arith.constant 0 : i32
        %dma_start3A_100 = tpu.memref_slice %arg13[%add3A_96, %dma_start3A_99] : memref<10112x128xf32, #tpu.memory_space<vmem_shared>> -> memref<128x128xf32, #tpu.memory_space<vmem_shared>>
        tpu.enqueue_dma source(%arg11 : memref<128x128xf32, #tpu.memory_space<vmem>>) target(%dma_start3A_100 : memref<128x128xf32, #tpu.memory_space<vmem_shared>>) target_semaphore(%run_scoped3A_97 : memref<!tpu.dma_semaphore, #tpu.memory_space<semaphore_mem>>)
        %dma_wait3A = arith.constant 0 : i32
        %dma_wait3A_101 = tpu.memref_slice %arg13[%add3A_96, %dma_wait3A] : memref<10112x128xf32, #tpu.memory_space<vmem_shared>> -> memref<128x128xf32, #tpu.memory_space<vmem_shared>>
        %dma_wait3A_102 = arith.constant 0 : i32
        %dma_wait3A_103 = tpu.memref_slice %arg13[%add3A_96, %dma_wait3A_102] : memref<10112x128xf32, #tpu.memory_space<vmem_shared>> -> memref<128x128xf32, #tpu.memory_space<vmem_shared>>
        tpu.wait_dma2 semaphore(%run_scoped3A_97 : memref<!tpu.dma_semaphore, #tpu.memory_space<semaphore_mem>>) src(%arg11 : memref<128x128xf32, #tpu.memory_space<vmem>>) dst(%dma_wait3A_103 : memref<128x128xf32, #tpu.memory_space<vmem_shared>>)
        tpu.yield
      }) : () -> ()
    }
    %while3A_58 = arith.constant 1 : i32
    scf.for %while3A_89 = %while3A_56 to %while3A_52 step %while3A_58  : i32 {
      %mul3A_90 = arith.muli %while3A_89, %while3A_48 : i32
      %add3A_91 = arith.addi %while3A_49, %mul3A_90 : i32
      %mul3A_92 = arith.constant 632 : i32
      %mul3A_93 = arith.muli %arg1, %mul3A_92 : i32
      %mul3A_94 = arith.constant 128 : i32
      %mul3A_95 = arith.muli %add3A_91, %mul3A_94 : i32
      %add3A_96 = arith.addi %mul3A_93, %mul3A_95 : i32
      "tpu.region"() ({
        %run_scoped3A_97 = tpu.sem_alloc : memref<!tpu.dma_semaphore, #tpu.memory_space<semaphore_mem>>
        %dma_start3A = arith.constant 0 : i32
        %dma_start3A_98 = tpu.memref_slice %arg13[%add3A_96, %dma_start3A] : memref<10112x128xf32, #tpu.memory_space<vmem_shared>> -> memref<128x128xf32, #tpu.memory_space<vmem_shared>>
        %dma_start3A_99 = arith.constant 0 : i32
        %dma_start3A_100 = tpu.memref_slice %arg13[%add3A_96, %dma_start3A_99] : memref<10112x128xf32, #tpu.memory_space<vmem_shared>> -> memref<128x128xf32, #tpu.memory_space<vmem_shared>>
        tpu.enqueue_dma source(%arg11 : memref<128x128xf32, #tpu.memory_space<vmem>>) target(%dma_start3A_100 : memref<128x128xf32, #tpu.memory_space<vmem_shared>>) target_semaphore(%run_scoped3A_97 : memref<!tpu.dma_semaphore, #tpu.memory_space<semaphore_mem>>)
        %dma_wait3A = arith.constant 0 : i32
        %dma_wait3A_101 = tpu.memref_slice %arg13[%add3A_96, %dma_wait3A] : memref<10112x128xf32, #tpu.memory_space<vmem_shared>> -> memref<128x128xf32, #tpu.memory_space<vmem_shared>>
        %dma_wait3A_102 = arith.constant 0 : i32
        %dma_wait3A_103 = tpu.memref_slice %arg13[%add3A_96, %dma_wait3A_102] : memref<10112x128xf32, #tpu.memory_space<vmem_shared>> -> memref<128x128xf32, #tpu.memory_space<vmem_shared>>
        tpu.wait_dma2 semaphore(%run_scoped3A_97 : memref<!tpu.dma_semaphore, #tpu.memory_space<semaphore_mem>>) src(%arg11 : memref<128x128xf32, #tpu.memory_space<vmem>>) dst(%dma_wait3A_103 : memref<128x128xf32, #tpu.memory_space<vmem_shared>>)
        tpu.yield
      }) : () -> ()
    }
    %mul3A_59 = arith.constant 632 : i32
    %mul3A_60 = arith.muli %arg1, %mul3A_59 : i32
    %add3A_61 = arith.constant 512 : i32
    %add3A_62 = arith.addi %mul3A_60, %add3A_61 : i32
    "tpu.region"() ({
      %run_scoped3A_89 = tpu.sem_alloc : memref<!tpu.dma_semaphore, #tpu.memory_space<semaphore_mem>>
      %dma_start3A = arith.constant 0 : i32
      %dma_start3A_90 = arith.constant 0 : i32
      %dma_start3A_91 = tpu.memref_slice %arg11[%dma_start3A, %dma_start3A_90] : memref<128x128xf32, #tpu.memory_space<vmem>> -> memref<120x128xf32, #tpu.memory_space<vmem>>
      %dma_start3A_92 = arith.constant 0 : i32
      %dma_start3A_93 = tpu.memref_slice %arg13[%add3A_62, %dma_start3A_92] : memref<10112x128xf32, #tpu.memory_space<vmem_shared>> -> memref<120x128xf32, #tpu.memory_space<vmem_shared>>
      %dma_start3A_94 = arith.constant 0 : i32
      %dma_start3A_95 = tpu.memref_slice %arg13[%add3A_62, %dma_start3A_94] : memref<10112x128xf32, #tpu.memory_space<vmem_shared>> -> memref<120x128xf32, #tpu.memory_space<vmem_shared>>
      %dma_start3A_96 = arith.constant 0 : i32
      %dma_start3A_97 = arith.constant 0 : i32
      %dma_start3A_98 = tpu.memref_slice %arg11[%dma_start3A_96, %dma_start3A_97] : memref<128x128xf32, #tpu.memory_space<vmem>> -> memref<120x128xf32, #tpu.memory_space<vmem>>
      tpu.enqueue_dma source(%dma_start3A_98 : memref<120x128xf32, #tpu.memory_space<vmem>>) target(%dma_start3A_95 : memref<120x128xf32, #tpu.memory_space<vmem_shared>>) target_semaphore(%run_scoped3A_89 : memref<!tpu.dma_semaphore, #tpu.memory_space<semaphore_mem>>)
      %dma_wait3A = arith.constant 0 : i32
      %dma_wait3A_99 = arith.constant 0 : i32
      %dma_wait3A_100 = tpu.memref_slice %arg11[%dma_wait3A, %dma_wait3A_99] : memref<128x128xf32, #tpu.memory_space<vmem>> -> memref<120x128xf32, #tpu.memory_space<vmem>>
      %dma_wait3A_101 = arith.constant 0 : i32
      %dma_wait3A_102 = tpu.memref_slice %arg13[%add3A_62, %dma_wait3A_101] : memref<10112x128xf32, #tpu.memory_space<vmem_shared>> -> memref<120x128xf32, #tpu.memory_space<vmem_shared>>
      %dma_wait3A_103 = arith.constant 0 : i32
      %dma_wait3A_104 = tpu.memref_slice %arg13[%add3A_62, %dma_wait3A_103] : memref<10112x128xf32, #tpu.memory_space<vmem_shared>> -> memref<120x128xf32, #tpu.memory_space<vmem_shared>>
      %dma_wait3A_105 = arith.constant 0 : i32
      %dma_wait3A_106 = arith.constant 0 : i32
      %dma_wait3A_107 = tpu.memref_slice %arg11[%dma_wait3A_105, %dma_wait3A_106] : memref<128x128xf32, #tpu.memory_space<vmem>> -> memref<120x128xf32, #tpu.memory_space<vmem>>
      tpu.wait_dma2 semaphore(%run_scoped3A_89 : memref<!tpu.dma_semaphore, #tpu.memory_space<semaphore_mem>>) src(%dma_wait3A_107 : memref<120x128xf32, #tpu.memory_space<vmem>>) dst(%dma_wait3A_104 : memref<120x128xf32, #tpu.memory_space<vmem_shared>>)
      tpu.yield
    }) : () -> ()
    %run_scoped3A = arith.constant 0 : i32
    "tpu.region"() ({
      %run_scoped3A_89 = tpu.sem_alloc : memref<!tpu.dma_semaphore, #tpu.memory_space<semaphore_mem>>
      %dma_start3A = arith.constant 0 : i32
      %dma_start3A_90 = tpu.memref_slice %arg3[%run_scoped3A, %dma_start3A] : memref<2x10112xf32, #tpu.memory_space<hbm>> -> memref<1x10112xf32, #tpu.memory_space<hbm>>
      %dma_start3A_91 = tpu.memref_squeeze %dma_start3A_90 : memref<1x10112xf32, #tpu.memory_space<hbm>> -> memref<10112xf32, #tpu.memory_space<hbm>>
      %dma_start3A_92 = arith.constant 0 : i32
      %dma_start3A_93 = tpu.memref_slice %arg3[%run_scoped3A, %dma_start3A_92] : memref<2x10112xf32, #tpu.memory_space<hbm>> -> memref<1x10112xf32, #tpu.memory_space<hbm>>
      %dma_start3A_94 = tpu.memref_squeeze %dma_start3A_93 : memref<1x10112xf32, #tpu.memory_space<hbm>> -> memref<10112xf32, #tpu.memory_space<hbm>>
      tpu.enqueue_dma source(%dma_start3A_94 : memref<10112xf32, #tpu.memory_space<hbm>>) target(%arg7 : memref<10112xf32, #tpu.memory_space<vmem>>) target_semaphore(%run_scoped3A_89 : memref<!tpu.dma_semaphore, #tpu.memory_space<semaphore_mem>>)
      %dma_wait3A = arith.constant 0 : i32
      %dma_wait3A_95 = tpu.memref_slice %arg3[%run_scoped3A, %dma_wait3A] : memref<2x10112xf32, #tpu.memory_space<hbm>> -> memref<1x10112xf32, #tpu.memory_space<hbm>>
      %dma_wait3A_96 = tpu.memref_squeeze %dma_wait3A_95 : memref<1x10112xf32, #tpu.memory_space<hbm>> -> memref<10112xf32, #tpu.memory_space<hbm>>
      %dma_wait3A_97 = arith.constant 0 : i32
      %dma_wait3A_98 = tpu.memref_slice %arg3[%run_scoped3A, %dma_wait3A_97] : memref<2x10112xf32, #tpu.memory_space<hbm>> -> memref<1x10112xf32, #tpu.memory_space<hbm>>
      %dma_wait3A_99 = tpu.memref_squeeze %dma_wait3A_98 : memref<1x10112xf32, #tpu.memory_space<hbm>> -> memref<10112xf32, #tpu.memory_space<hbm>>
      tpu.wait_dma2 semaphore(%run_scoped3A_89 : memref<!tpu.dma_semaphore, #tpu.memory_space<semaphore_mem>>) src(%dma_wait3A_99 : memref<10112xf32, #tpu.memory_space<hbm>>) dst(%arg7 : memref<10112xf32, #tpu.memory_space<vmem>>)
      tpu.yield
    }) : () -> ()
    %run_scoped3A_63 = arith.constant 1 : i32
    "tpu.region"() ({
      %run_scoped3A_89 = tpu.sem_alloc : memref<!tpu.dma_semaphore, #tpu.memory_space<semaphore_mem>>
      %dma_start3A = arith.constant 0 : i32
      %dma_start3A_90 = tpu.memref_slice %arg3[%run_scoped3A_63, %dma_start3A] : memref<2x10112xf32, #tpu.memory_space<hbm>> -> memref<1x10112xf32, #tpu.memory_space<hbm>>
      %dma_start3A_91 = tpu.memref_squeeze %dma_start3A_90 : memref<1x10112xf32, #tpu.memory_space<hbm>> -> memref<10112xf32, #tpu.memory_space<hbm>>
      %dma_start3A_92 = arith.constant 0 : i32
      %dma_start3A_93 = tpu.memref_slice %arg3[%run_scoped3A_63, %dma_start3A_92] : memref<2x10112xf32, #tpu.memory_space<hbm>> -> memref<1x10112xf32, #tpu.memory_space<hbm>>
      %dma_start3A_94 = tpu.memref_squeeze %dma_start3A_93 : memref<1x10112xf32, #tpu.memory_space<hbm>> -> memref<10112xf32, #tpu.memory_space<hbm>>
      tpu.enqueue_dma source(%dma_start3A_94 : memref<10112xf32, #tpu.memory_space<hbm>>) target(%arg8 : memref<10112xf32, #tpu.memory_space<vmem>>) target_semaphore(%run_scoped3A_89 : memref<!tpu.dma_semaphore, #tpu.memory_space<semaphore_mem>>)
      %dma_wait3A = arith.constant 0 : i32
      %dma_wait3A_95 = tpu.memref_slice %arg3[%run_scoped3A_63, %dma_wait3A] : memref<2x10112xf32, #tpu.memory_space<hbm>> -> memref<1x10112xf32, #tpu.memory_space<hbm>>
      %dma_wait3A_96 = tpu.memref_squeeze %dma_wait3A_95 : memref<1x10112xf32, #tpu.memory_space<hbm>> -> memref<10112xf32, #tpu.memory_space<hbm>>
      %dma_wait3A_97 = arith.constant 0 : i32
      %dma_wait3A_98 = tpu.memref_slice %arg3[%run_scoped3A_63, %dma_wait3A_97] : memref<2x10112xf32, #tpu.memory_space<hbm>> -> memref<1x10112xf32, #tpu.memory_space<hbm>>
      %dma_wait3A_99 = tpu.memref_squeeze %dma_wait3A_98 : memref<1x10112xf32, #tpu.memory_space<hbm>> -> memref<10112xf32, #tpu.memory_space<hbm>>
      tpu.wait_dma2 semaphore(%run_scoped3A_89 : memref<!tpu.dma_semaphore, #tpu.memory_space<semaphore_mem>>) src(%dma_wait3A_99 : memref<10112xf32, #tpu.memory_space<hbm>>) dst(%arg8 : memref<10112xf32, #tpu.memory_space<vmem>>)
      tpu.yield
    }) : () -> ()
    %barrier3A = arith.constant 0 : index
    tpu.barrier barrier_id(%barrier3A)
    %sub3A_64 = arith.constant 81 : i32
    %sub3A_65 = arith.constant 0 : i32
    %sub3A_66 = arith.subi %sub3A_64, %sub3A_65 : i32
    %sub3A_67 = arith.constant 1 : i32
    %sub3A_68 = arith.constant 1 : i32
    %sub3A_69 = arith.subi %sub3A_67, %sub3A_68 : i32
    %add3A_70 = arith.addi %sub3A_66, %sub3A_69 : i32
    %div3A_71 = arith.constant 1 : i32
    %div3A_72 = arith.divsi %add3A_70, %div3A_71 : i32
    %while3A_73 = arith.constant 1 : i32
    %while3A_74 = arith.constant 0 : i32
    %while3A_75 = arith.constant 0 : i32
    %while3A_76 = arith.subi %div3A_72, %while3A_75 : i32
    %while3A_77 = arith.addi %while3A_75, %while3A_76 : i32
    %while3A_78 = arith.constant 1 : i32
    %while3A_79 = arith.divsi %while3A_76, %while3A_78 : i32
    %while3A_80 = arith.muli %while3A_79, %while3A_78 : i32
    %while3A_81 = arith.addi %while3A_75, %while3A_80 : i32
    %while3A_82 = arith.constant 1 : i32
    scf.for %while3A_89 = %while3A_75 to %while3A_81 step %while3A_82  : i32 {
      %mul3A_90 = arith.muli %while3A_89, %while3A_73 : i32
      %add3A_91 = arith.addi %while3A_74, %mul3A_90 : i32
      "tpu.region"() ({
        %run_scoped3A_287 = tpu.sem_alloc : memref<!tpu.dma_semaphore, #tpu.memory_space<semaphore_mem>>
        %dma_start3A_288 = arith.constant 0 : i32
        %dma_start3A_289 = arith.constant 0 : i32
        %dma_start3A_290 = tpu.memref_slice %arg4[%add3A, %add3A_91, %dma_start3A_288, %dma_start3A_289] : memref<32x81x2x128xi32, #tpu.memory_space<hbm>> -> memref<1x1x2x128xi32, #tpu.memory_space<hbm>>
        %dma_start3A_291 = tpu.memref_squeeze %dma_start3A_290 : memref<1x1x2x128xi32, #tpu.memory_space<hbm>> -> memref<2x128xi32, #tpu.memory_space<hbm>>
        %dma_start3A_292 = arith.constant 0 : i32
        %dma_start3A_293 = arith.constant 0 : i32
        %dma_start3A_294 = tpu.memref_slice %arg4[%add3A, %add3A_91, %dma_start3A_292, %dma_start3A_293] : memref<32x81x2x128xi32, #tpu.memory_space<hbm>> -> memref<1x1x2x128xi32, #tpu.memory_space<hbm>>
        %dma_start3A_295 = tpu.memref_squeeze %dma_start3A_294 : memref<1x1x2x128xi32, #tpu.memory_space<hbm>> -> memref<2x128xi32, #tpu.memory_space<hbm>>
        tpu.enqueue_dma source(%dma_start3A_295 : memref<2x128xi32, #tpu.memory_space<hbm>>) target(%arg9 : memref<2x128xi32, #tpu.memory_space<vmem>>) target_semaphore(%run_scoped3A_287 : memref<!tpu.dma_semaphore, #tpu.memory_space<semaphore_mem>>)
        %dma_wait3A_296 = arith.constant 0 : i32
        %dma_wait3A_297 = arith.constant 0 : i32
        %dma_wait3A_298 = tpu.memref_slice %arg4[%add3A, %add3A_91, %dma_wait3A_296, %dma_wait3A_297] : memref<32x81x2x128xi32, #tpu.memory_space<hbm>> -> memref<1x1x2x128xi32, #tpu.memory_space<hbm>>
        %dma_wait3A_299 = tpu.memref_squeeze %dma_wait3A_298 : memref<1x1x2x128xi32, #tpu.memory_space<hbm>> -> memref<2x128xi32, #tpu.memory_space<hbm>>
        %dma_wait3A_300 = arith.constant 0 : i32
        %dma_wait3A_301 = arith.constant 0 : i32
        %dma_wait3A_302 = tpu.memref_slice %arg4[%add3A, %add3A_91, %dma_wait3A_300, %dma_wait3A_301] : memref<32x81x2x128xi32, #tpu.memory_space<hbm>> -> memref<1x1x2x128xi32, #tpu.memory_space<hbm>>
        %dma_wait3A_303 = tpu.memref_squeeze %dma_wait3A_302 : memref<1x1x2x128xi32, #tpu.memory_space<hbm>> -> memref<2x128xi32, #tpu.memory_space<hbm>>
        tpu.wait_dma2 semaphore(%run_scoped3A_287 : memref<!tpu.dma_semaphore, #tpu.memory_space<semaphore_mem>>) src(%dma_wait3A_303 : memref<2x128xi32, #tpu.memory_space<hbm>>) dst(%arg9 : memref<2x128xi32, #tpu.memory_space<vmem>>)
        tpu.yield
      }) : () -> ()
      %dma_start3A = arith.constant 0 : i32
      %dma_start3A_92 = arith.constant 0 : i32
      %dma_start3A_93 = tpu.memref_slice %arg9[%dma_start3A, %dma_start3A_92] : memref<2x128xi32, #tpu.memory_space<vmem>> -> memref<1x128xi32, #tpu.memory_space<vmem>>
      %dma_start3A_94 = tpu.memref_squeeze %dma_start3A_93 : memref<1x128xi32, #tpu.memory_space<vmem>> -> memref<128xi32, #tpu.memory_space<vmem>>
      %dma_start3A_95 = arith.constant 0 : i32
      %dma_start3A_96 = arith.constant 0 : i32
      %dma_start3A_97 = tpu.memref_slice %arg2[%dma_start3A_95, %dma_start3A_96] : memref<10000x128xf32, #tpu.memory_space<hbm>> -> memref<10000x128xf32, #tpu.memory_space<hbm>>
      tpu.enqueue_indirect_dma source(%dma_start3A_97 : memref<10000x128xf32, #tpu.memory_space<hbm>>) target(%arg11 : memref<128x128xf32, #tpu.memory_space<vmem>>) offsets(%dma_start3A_94 : memref<128xi32, #tpu.memory_space<vmem>>) semaphore(%arg14 : memref<!tpu.dma_semaphore, #tpu.memory_space<semaphore_mem>>)
      %get3A = arith.constant 0 : i64
      %get3A_98 = arith.index_cast %get3A : i64 to index
      %get3A_99 = arith.constant 0 : index
      %get3A_100 = tpu.vector_load %arg9[%get3A_98, %get3A_99] {strides = array<i32>} : memref<2x128xi32, #tpu.memory_space<vmem>>, vector<16xi32>,
      %get3A_101 = arith.constant 1 : i64
      %get3A_102 = arith.index_cast %get3A_101 : i64 to index
      %get3A_103 = arith.constant 0 : index
      %get3A_104 = tpu.vector_load %arg9[%get3A_102, %get3A_103] {strides = array<i32>} : memref<2x128xi32, #tpu.memory_space<vmem>>, vector<16xi32>,
      %gather3A = tpu.vector_load_idx %arg7[%get3A_100] : memref<10112xf32, #tpu.memory_space<vmem>>[vector<16xi32>], vector<16xf32>,
      %gather3A_105 = tpu.vector_load_idx %arg8[%get3A_104] : memref<10112xf32, #tpu.memory_space<vmem>>[vector<16xi32>], vector<16xf32>,
      %add3A_106 = arith.addf %gather3A, %gather3A_105 : vector<16xf32>
      %ge3A = arith.constant 0.000000e+00 : f32
      %ge3A_107 = vector.broadcast %ge3A : f32 to vector<16xf32>
      %ge3A_108 = arith.cmpf oge, %add3A_106, %ge3A_107 : vector<16xf32>
      %mul3A_109 = arith.constant 2.000000e-01 : f32
      %mul3A_110 = vector.broadcast %mul3A_109 : f32 to vector<16xf32>
      %mul3A_111 = arith.mulf %mul3A_110, %add3A_106 : vector<16xf32>
      %select_n3A = arith.select %ge3A_108, %add3A_106, %mul3A_111 : vector<16xi1>, vector<16xf32>
      %exp3A = math.exp %select_n3A : vector<16xf32>
      tpu.vector_store_idx %arg10[%get3A_104], %exp3A {add = true} : memref<10112xf32, #tpu.memory_space<vmem>>[vector<16xi32>], vector<16xf32>,
      %swap3A = arith.constant 0 : index
      %swap3A_112 = tpu.vector_load %arg12[%swap3A] {strides = array<i32>} : memref<128xf32, #tpu.memory_space<vmem>>, vector<16xf32>,
      tpu.vector_store %arg12[%swap3A], %exp3A {strides = array<i32>} : memref<128xf32, #tpu.memory_space<vmem>>, vector<16xf32>,
      %get3A_113 = arith.constant 0 : i64
      %get3A_114 = arith.index_cast %get3A_113 : i64 to index
      %get3A_115 = arith.constant 16 : index
      %get3A_116 = tpu.vector_load %arg9[%get3A_114, %get3A_115] {strides = array<i32>} : memref<2x128xi32, #tpu.memory_space<vmem>>, vector<16xi32>,
      %get3A_117 = arith.constant 1 : i64
      %get3A_118 = arith.index_cast %get3A_117 : i64 to index
      %get3A_119 = arith.constant 16 : index
      %get3A_120 = tpu.vector_load %arg9[%get3A_118, %get3A_119] {strides = array<i32>} : memref<2x128xi32, #tpu.memory_space<vmem>>, vector<16xi32>,
      %gather3A_121 = tpu.vector_load_idx %arg7[%get3A_116] : memref<10112xf32, #tpu.memory_space<vmem>>[vector<16xi32>], vector<16xf32>,
      %gather3A_122 = tpu.vector_load_idx %arg8[%get3A_120] : memref<10112xf32, #tpu.memory_space<vmem>>[vector<16xi32>], vector<16xf32>,
      %add3A_123 = arith.addf %gather3A_121, %gather3A_122 : vector<16xf32>
      %ge3A_124 = arith.constant 0.000000e+00 : f32
      %ge3A_125 = vector.broadcast %ge3A_124 : f32 to vector<16xf32>
      %ge3A_126 = arith.cmpf oge, %add3A_123, %ge3A_125 : vector<16xf32>
      %mul3A_127 = arith.constant 2.000000e-01 : f32
      %mul3A_128 = vector.broadcast %mul3A_127 : f32 to vector<16xf32>
      %mul3A_129 = arith.mulf %mul3A_128, %add3A_123 : vector<16xf32>
      %select_n3A_130 = arith.select %ge3A_126, %add3A_123, %mul3A_129 : vector<16xi1>, vector<16xf32>
      %exp3A_131 = math.exp %select_n3A_130 : vector<16xf32>
      tpu.vector_store_idx %arg10[%get3A_120], %exp3A_131 {add = true} : memref<10112xf32, #tpu.memory_space<vmem>>[vector<16xi32>], vector<16xf32>,
      %swap3A_132 = arith.constant 16 : index
      %swap3A_133 = tpu.vector_load %arg12[%swap3A_132] {strides = array<i32>} : memref<128xf32, #tpu.memory_space<vmem>>, vector<16xf32>,
      tpu.vector_store %arg12[%swap3A_132], %exp3A_131 {strides = array<i32>} : memref<128xf32, #tpu.memory_space<vmem>>, vector<16xf32>,
      %get3A_134 = arith.constant 0 : i64
      %get3A_135 = arith.index_cast %get3A_134 : i64 to index
      %get3A_136 = arith.constant 32 : index
      %get3A_137 = tpu.vector_load %arg9[%get3A_135, %get3A_136] {strides = array<i32>} : memref<2x128xi32, #tpu.memory_space<vmem>>, vector<16xi32>,
      %get3A_138 = arith.constant 1 : i64
      %get3A_139 = arith.index_cast %get3A_138 : i64 to index
      %get3A_140 = arith.constant 32 : index
      %get3A_141 = tpu.vector_load %arg9[%get3A_139, %get3A_140] {strides = array<i32>} : memref<2x128xi32, #tpu.memory_space<vmem>>, vector<16xi32>,
      %gather3A_142 = tpu.vector_load_idx %arg7[%get3A_137] : memref<10112xf32, #tpu.memory_space<vmem>>[vector<16xi32>], vector<16xf32>,
      %gather3A_143 = tpu.vector_load_idx %arg8[%get3A_141] : memref<10112xf32, #tpu.memory_space<vmem>>[vector<16xi32>], vector<16xf32>,
      %add3A_144 = arith.addf %gather3A_142, %gather3A_143 : vector<16xf32>
      %ge3A_145 = arith.constant 0.000000e+00 : f32
      %ge3A_146 = vector.broadcast %ge3A_145 : f32 to vector<16xf32>
      %ge3A_147 = arith.cmpf oge, %add3A_144, %ge3A_146 : vector<16xf32>
      %mul3A_148 = arith.constant 2.000000e-01 : f32
      %mul3A_149 = vector.broadcast %mul3A_148 : f32 to vector<16xf32>
      %mul3A_150 = arith.mulf %mul3A_149, %add3A_144 : vector<16xf32>
      %select_n3A_151 = arith.select %ge3A_147, %add3A_144, %mul3A_150 : vector<16xi1>, vector<16xf32>
      %exp3A_152 = math.exp %select_n3A_151 : vector<16xf32>
      tpu.vector_store_idx %arg10[%get3A_141], %exp3A_152 {add = true} : memref<10112xf32, #tpu.memory_space<vmem>>[vector<16xi32>], vector<16xf32>,
      %swap3A_153 = arith.constant 32 : index
      %swap3A_154 = tpu.vector_load %arg12[%swap3A_153] {strides = array<i32>} : memref<128xf32, #tpu.memory_space<vmem>>, vector<16xf32>,
      tpu.vector_store %arg12[%swap3A_153], %exp3A_152 {strides = array<i32>} : memref<128xf32, #tpu.memory_space<vmem>>, vector<16xf32>,
      %get3A_155 = arith.constant 0 : i64
      %get3A_156 = arith.index_cast %get3A_155 : i64 to index
      %get3A_157 = arith.constant 48 : index
      %get3A_158 = tpu.vector_load %arg9[%get3A_156, %get3A_157] {strides = array<i32>} : memref<2x128xi32, #tpu.memory_space<vmem>>, vector<16xi32>,
      %get3A_159 = arith.constant 1 : i64
      %get3A_160 = arith.index_cast %get3A_159 : i64 to index
      %get3A_161 = arith.constant 48 : index
      %get3A_162 = tpu.vector_load %arg9[%get3A_160, %get3A_161] {strides = array<i32>} : memref<2x128xi32, #tpu.memory_space<vmem>>, vector<16xi32>,
      %gather3A_163 = tpu.vector_load_idx %arg7[%get3A_158] : memref<10112xf32, #tpu.memory_space<vmem>>[vector<16xi32>], vector<16xf32>,
      %gather3A_164 = tpu.vector_load_idx %arg8[%get3A_162] : memref<10112xf32, #tpu.memory_space<vmem>>[vector<16xi32>], vector<16xf32>,
      %add3A_165 = arith.addf %gather3A_163, %gather3A_164 : vector<16xf32>
      %ge3A_166 = arith.constant 0.000000e+00 : f32
      %ge3A_167 = vector.broadcast %ge3A_166 : f32 to vector<16xf32>
      %ge3A_168 = arith.cmpf oge, %add3A_165, %ge3A_167 : vector<16xf32>
      %mul3A_169 = arith.constant 2.000000e-01 : f32
      %mul3A_170 = vector.broadcast %mul3A_169 : f32 to vector<16xf32>
      %mul3A_171 = arith.mulf %mul3A_170, %add3A_165 : vector<16xf32>
      %select_n3A_172 = arith.select %ge3A_168, %add3A_165, %mul3A_171 : vector<16xi1>, vector<16xf32>
      %exp3A_173 = math.exp %select_n3A_172 : vector<16xf32>
      tpu.vector_store_idx %arg10[%get3A_162], %exp3A_173 {add = true} : memref<10112xf32, #tpu.memory_space<vmem>>[vector<16xi32>], vector<16xf32>,
      %swap3A_174 = arith.constant 48 : index
      %swap3A_175 = tpu.vector_load %arg12[%swap3A_174] {strides = array<i32>} : memref<128xf32, #tpu.memory_space<vmem>>, vector<16xf32>,
      tpu.vector_store %arg12[%swap3A_174], %exp3A_173 {strides = array<i32>} : memref<128xf32, #tpu.memory_space<vmem>>, vector<16xf32>,
      %get3A_176 = arith.constant 0 : i64
      %get3A_177 = arith.index_cast %get3A_176 : i64 to index
      %get3A_178 = arith.constant 64 : index
      %get3A_179 = tpu.vector_load %arg9[%get3A_177, %get3A_178] {strides = array<i32>} : memref<2x128xi32, #tpu.memory_space<vmem>>, vector<16xi32>,
      %get3A_180 = arith.constant 1 : i64
      %get3A_181 = arith.index_cast %get3A_180 : i64 to index
      %get3A_182 = arith.constant 64 : index
      %get3A_183 = tpu.vector_load %arg9[%get3A_181, %get3A_182] {strides = array<i32>} : memref<2x128xi32, #tpu.memory_space<vmem>>, vector<16xi32>,
      %gather3A_184 = tpu.vector_load_idx %arg7[%get3A_179] : memref<10112xf32, #tpu.memory_space<vmem>>[vector<16xi32>], vector<16xf32>,
      %gather3A_185 = tpu.vector_load_idx %arg8[%get3A_183] : memref<10112xf32, #tpu.memory_space<vmem>>[vector<16xi32>], vector<16xf32>,
      %add3A_186 = arith.addf %gather3A_184, %gather3A_185 : vector<16xf32>
      %ge3A_187 = arith.constant 0.000000e+00 : f32
      %ge3A_188 = vector.broadcast %ge3A_187 : f32 to vector<16xf32>
      %ge3A_189 = arith.cmpf oge, %add3A_186, %ge3A_188 : vector<16xf32>
      %mul3A_190 = arith.constant 2.000000e-01 : f32
      %mul3A_191 = vector.broadcast %mul3A_190 : f32 to vector<16xf32>
      %mul3A_192 = arith.mulf %mul3A_191, %add3A_186 : vector<16xf32>
      %select_n3A_193 = arith.select %ge3A_189, %add3A_186, %mul3A_192 : vector<16xi1>, vector<16xf32>
      %exp3A_194 = math.exp %select_n3A_193 : vector<16xf32>
      tpu.vector_store_idx %arg10[%get3A_183], %exp3A_194 {add = true} : memref<10112xf32, #tpu.memory_space<vmem>>[vector<16xi32>], vector<16xf32>,
      %swap3A_195 = arith.constant 64 : index
      %swap3A_196 = tpu.vector_load %arg12[%swap3A_195] {strides = array<i32>} : memref<128xf32, #tpu.memory_space<vmem>>, vector<16xf32>,
      tpu.vector_store %arg12[%swap3A_195], %exp3A_194 {strides = array<i32>} : memref<128xf32, #tpu.memory_space<vmem>>, vector<16xf32>,
      %get3A_197 = arith.constant 0 : i64
      %get3A_198 = arith.index_cast %get3A_197 : i64 to index
      %get3A_199 = arith.constant 80 : index
      %get3A_200 = tpu.vector_load %arg9[%get3A_198, %get3A_199] {strides = array<i32>} : memref<2x128xi32, #tpu.memory_space<vmem>>, vector<16xi32>,
      %get3A_201 = arith.constant 1 : i64
      %get3A_202 = arith.index_cast %get3A_201 : i64 to index
      %get3A_203 = arith.constant 80 : index
      %get3A_204 = tpu.vector_load %arg9[%get3A_202, %get3A_203] {strides = array<i32>} : memref<2x128xi32, #tpu.memory_space<vmem>>, vector<16xi32>,
      %gather3A_205 = tpu.vector_load_idx %arg7[%get3A_200] : memref<10112xf32, #tpu.memory_space<vmem>>[vector<16xi32>], vector<16xf32>,
      %gather3A_206 = tpu.vector_load_idx %arg8[%get3A_204] : memref<10112xf32, #tpu.memory_space<vmem>>[vector<16xi32>], vector<16xf32>,
      %add3A_207 = arith.addf %gather3A_205, %gather3A_206 : vector<16xf32>
      %ge3A_208 = arith.constant 0.000000e+00 : f32
      %ge3A_209 = vector.broadcast %ge3A_208 : f32 to vector<16xf32>
      %ge3A_210 = arith.cmpf oge, %add3A_207, %ge3A_209 : vector<16xf32>
      %mul3A_211 = arith.constant 2.000000e-01 : f32
      %mul3A_212 = vector.broadcast %mul3A_211 : f32 to vector<16xf32>
      %mul3A_213 = arith.mulf %mul3A_212, %add3A_207 : vector<16xf32>
      %select_n3A_214 = arith.select %ge3A_210, %add3A_207, %mul3A_213 : vector<16xi1>, vector<16xf32>
      %exp3A_215 = math.exp %select_n3A_214 : vector<16xf32>
      tpu.vector_store_idx %arg10[%get3A_204], %exp3A_215 {add = true} : memref<10112xf32, #tpu.memory_space<vmem>>[vector<16xi32>], vector<16xf32>,
      %swap3A_216 = arith.constant 80 : index
      %swap3A_217 = tpu.vector_load %arg12[%swap3A_216] {strides = array<i32>} : memref<128xf32, #tpu.memory_space<vmem>>, vector<16xf32>,
      tpu.vector_store %arg12[%swap3A_216], %exp3A_215 {strides = array<i32>} : memref<128xf32, #tpu.memory_space<vmem>>, vector<16xf32>,
      %get3A_218 = arith.constant 0 : i64
      %get3A_219 = arith.index_cast %get3A_218 : i64 to index
      %get3A_220 = arith.constant 96 : index
      %get3A_221 = tpu.vector_load %arg9[%get3A_219, %get3A_220] {strides = array<i32>} : memref<2x128xi32, #tpu.memory_space<vmem>>, vector<16xi32>,
      %get3A_222 = arith.constant 1 : i64
      %get3A_223 = arith.index_cast %get3A_222 : i64 to index
      %get3A_224 = arith.constant 96 : index
      %get3A_225 = tpu.vector_load %arg9[%get3A_223, %get3A_224] {strides = array<i32>} : memref<2x128xi32, #tpu.memory_space<vmem>>, vector<16xi32>,
      %gather3A_226 = tpu.vector_load_idx %arg7[%get3A_221] : memref<10112xf32, #tpu.memory_space<vmem>>[vector<16xi32>], vector<16xf32>,
      %gather3A_227 = tpu.vector_load_idx %arg8[%get3A_225] : memref<10112xf32, #tpu.memory_space<vmem>>[vector<16xi32>], vector<16xf32>,
      %add3A_228 = arith.addf %gather3A_226, %gather3A_227 : vector<16xf32>
      %ge3A_229 = arith.constant 0.000000e+00 : f32
      %ge3A_230 = vector.broadcast %ge3A_229 : f32 to vector<16xf32>
      %ge3A_231 = arith.cmpf oge, %add3A_228, %ge3A_230 : vector<16xf32>
      %mul3A_232 = arith.constant 2.000000e-01 : f32
      %mul3A_233 = vector.broadcast %mul3A_232 : f32 to vector<16xf32>
      %mul3A_234 = arith.mulf %mul3A_233, %add3A_228 : vector<16xf32>
      %select_n3A_235 = arith.select %ge3A_231, %add3A_228, %mul3A_234 : vector<16xi1>, vector<16xf32>
      %exp3A_236 = math.exp %select_n3A_235 : vector<16xf32>
      tpu.vector_store_idx %arg10[%get3A_225], %exp3A_236 {add = true} : memref<10112xf32, #tpu.memory_space<vmem>>[vector<16xi32>], vector<16xf32>,
      %swap3A_237 = arith.constant 96 : index
      %swap3A_238 = tpu.vector_load %arg12[%swap3A_237] {strides = array<i32>} : memref<128xf32, #tpu.memory_space<vmem>>, vector<16xf32>,
      tpu.vector_store %arg12[%swap3A_237], %exp3A_236 {strides = array<i32>} : memref<128xf32, #tpu.memory_space<vmem>>, vector<16xf32>,
      %get3A_239 = arith.constant 0 : i64
      %get3A_240 = arith.index_cast %get3A_239 : i64 to index
      %get3A_241 = arith.constant 112 : index
      %get3A_242 = tpu.vector_load %arg9[%get3A_240, %get3A_241] {strides = array<i32>} : memref<2x128xi32, #tpu.memory_space<vmem>>, vector<16xi32>,
      %get3A_243 = arith.constant 1 : i64
      %get3A_244 = arith.index_cast %get3A_243 : i64 to index
      %get3A_245 = arith.constant 112 : index
      %get3A_246 = tpu.vector_load %arg9[%get3A_244, %get3A_245] {strides = array<i32>} : memref<2x128xi32, #tpu.memory_space<vmem>>, vector<16xi32>,
      %gather3A_247 = tpu.vector_load_idx %arg7[%get3A_242] : memref<10112xf32, #tpu.memory_space<vmem>>[vector<16xi32>], vector<16xf32>,
      %gather3A_248 = tpu.vector_load_idx %arg8[%get3A_246] : memref<10112xf32, #tpu.memory_space<vmem>>[vector<16xi32>], vector<16xf32>,
      %add3A_249 = arith.addf %gather3A_247, %gather3A_248 : vector<16xf32>
      %ge3A_250 = arith.constant 0.000000e+00 : f32
      %ge3A_251 = vector.broadcast %ge3A_250 : f32 to vector<16xf32>
      %ge3A_252 = arith.cmpf oge, %add3A_249, %ge3A_251 : vector<16xf32>
      %mul3A_253 = arith.constant 2.000000e-01 : f32
      %mul3A_254 = vector.broadcast %mul3A_253 : f32 to vector<16xf32>
      %mul3A_255 = arith.mulf %mul3A_254, %add3A_249 : vector<16xf32>
      %select_n3A_256 = arith.select %ge3A_252, %add3A_249, %mul3A_255 : vector<16xi1>, vector<16xf32>
      %exp3A_257 = math.exp %select_n3A_256 : vector<16xf32>
      tpu.vector_store_idx %arg10[%get3A_246], %exp3A_257 {add = true} : memref<10112xf32, #tpu.memory_space<vmem>>[vector<16xi32>], vector<16xf32>,
      %swap3A_258 = arith.constant 112 : index
      %swap3A_259 = tpu.vector_load %arg12[%swap3A_258] {strides = array<i32>} : memref<128xf32, #tpu.memory_space<vmem>>, vector<16xf32>,
      tpu.vector_store %arg12[%swap3A_258], %exp3A_257 {strides = array<i32>} : memref<128xf32, #tpu.memory_space<vmem>>, vector<16xf32>,
      %dma_wait3A = arith.constant 0 : i32
      %dma_wait3A_260 = arith.constant 0 : i32
      %dma_wait3A_261 = tpu.memref_slice %arg9[%dma_wait3A, %dma_wait3A_260] : memref<2x128xi32, #tpu.memory_space<vmem>> -> memref<1x128xi32, #tpu.memory_space<vmem>>
      %dma_wait3A_262 = tpu.memref_squeeze %dma_wait3A_261 : memref<1x128xi32, #tpu.memory_space<vmem>> -> memref<128xi32, #tpu.memory_space<vmem>>
      %dma_wait3A_263 = arith.constant 0 : i32
      %dma_wait3A_264 = arith.constant 0 : i32
      %dma_wait3A_265 = tpu.memref_slice %arg2[%dma_wait3A_263, %dma_wait3A_264] : memref<10000x128xf32, #tpu.memory_space<hbm>> -> memref<10000x128xf32, #tpu.memory_space<hbm>>
      tpu.wait_indirect_dma semaphore(%arg14 : memref<!tpu.dma_semaphore, #tpu.memory_space<semaphore_mem>>) src(%dma_wait3A_265 : memref<10000x128xf32, #tpu.memory_space<hbm>>) dst(%arg11 : memref<128x128xf32, #tpu.memory_space<vmem>>)
      %sub3A_266 = arith.constant 32 : i32
      %sub3A_267 = arith.constant 0 : i32
      %sub3A_268 = arith.subi %sub3A_266, %sub3A_267 : i32
      %sub3A_269 = arith.constant 1 : i32
      %sub3A_270 = arith.constant 1 : i32
      %sub3A_271 = arith.subi %sub3A_269, %sub3A_270 : i32
      %add3A_272 = arith.addi %sub3A_268, %sub3A_271 : i32
      %div3A_273 = arith.constant 1 : i32
      %div3A_274 = arith.divsi %add3A_272, %div3A_273 : i32
      %while3A_275 = arith.constant 1 : i32
      %while3A_276 = arith.constant 0 : i32
      %while3A_277 = arith.constant 0 : i32
      %while3A_278 = arith.subi %div3A_274, %while3A_277 : i32
      %while3A_279 = arith.addi %while3A_277, %while3A_278 : i32
      %while3A_280 = arith.constant 1 : i32
      %while3A_281 = arith.divsi %while3A_278, %while3A_280 : i32
      %while3A_282 = arith.muli %while3A_281, %while3A_280 : i32
      %while3A_283 = arith.addi %while3A_277, %while3A_282 : i32
      %while3A_284 = arith.constant 1 : i32
      scf.for %while3A_287 = %while3A_277 to %while3A_283 step %while3A_284  : i32 {
        %mul3A_288 = arith.muli %while3A_287, %while3A_275 : i32
        %add3A_289 = arith.addi %while3A_276, %mul3A_288 : i32
        %mul3A_290 = arith.constant 4 : i32
        %mul3A_291 = arith.muli %add3A_289, %mul3A_290 : i32
        %add3A_292 = arith.constant 0 : i32
        %add3A_293 = arith.addi %mul3A_291, %add3A_292 : i32
        %broadcast_in_dim3A_294 = vector.broadcast %add3A_293 : i32 to vector<16xi32>
        %gather3A_295 = tpu.vector_load_idx %arg12[%broadcast_in_dim3A_294] : memref<128xf32, #tpu.memory_space<vmem>>[vector<16xi32>], vector<16xf32>,
        %add3A_296 = arith.constant 0 : i32
        %add3A_297 = arith.addi %mul3A_291, %add3A_296 : i32
        %get3A_298 = arith.index_cast %add3A_297 : i32 to index
        %get3A_299 = arith.constant 0 : index
        %get3A_300 = tpu.vector_load %arg11[%get3A_298, %get3A_299] {strides = array<i32>} : memref<128x128xf32, #tpu.memory_space<vmem>>, vector<16xf32>,
        %mul3A_301 = arith.mulf %get3A_300, %gather3A_295 : vector<16xf32>
        %add3A_302 = arith.constant 0 : i32
        %add3A_303 = arith.addi %mul3A_291, %add3A_302 : i32
        %swap3A_304 = arith.index_cast %add3A_303 : i32 to index
        %swap3A_305 = arith.constant 0 : index
        %swap3A_306 = tpu.vector_load %arg11[%swap3A_304, %swap3A_305] {strides = array<i32>} : memref<128x128xf32, #tpu.memory_space<vmem>>, vector<16xf32>,
        tpu.vector_store %arg11[%swap3A_304, %swap3A_305], %mul3A_301 {strides = array<i32>} : memref<128x128xf32, #tpu.memory_space<vmem>>, vector<16xf32>,
        %add3A_307 = arith.constant 0 : i32
        %add3A_308 = arith.addi %mul3A_291, %add3A_307 : i32
        %get3A_309 = arith.index_cast %add3A_308 : i32 to index
        %get3A_310 = arith.constant 16 : index
        %get3A_311 = tpu.vector_load %arg11[%get3A_309, %get3A_310] {strides = array<i32>} : memref<128x128xf32, #tpu.memory_space<vmem>>, vector<16xf32>,
        %mul3A_312 = arith.mulf %get3A_311, %gather3A_295 : vector<16xf32>
        %add3A_313 = arith.constant 0 : i32
        %add3A_314 = arith.addi %mul3A_291, %add3A_313 : i32
        %swap3A_315 = arith.index_cast %add3A_314 : i32 to index
        %swap3A_316 = arith.constant 16 : index
        %swap3A_317 = tpu.vector_load %arg11[%swap3A_315, %swap3A_316] {strides = array<i32>} : memref<128x128xf32, #tpu.memory_space<vmem>>, vector<16xf32>,
        tpu.vector_store %arg11[%swap3A_315, %swap3A_316], %mul3A_312 {strides = array<i32>} : memref<128x128xf32, #tpu.memory_space<vmem>>, vector<16xf32>,
        %add3A_318 = arith.constant 0 : i32
        %add3A_319 = arith.addi %mul3A_291, %add3A_318 : i32
        %get3A_320 = arith.index_cast %add3A_319 : i32 to index
        %get3A_321 = arith.constant 32 : index
        %get3A_322 = tpu.vector_load %arg11[%get3A_320, %get3A_321] {strides = array<i32>} : memref<128x128xf32, #tpu.memory_space<vmem>>, vector<16xf32>,
        %mul3A_323 = arith.mulf %get3A_322, %gather3A_295 : vector<16xf32>
        %add3A_324 = arith.constant 0 : i32
        %add3A_325 = arith.addi %mul3A_291, %add3A_324 : i32
        %swap3A_326 = arith.index_cast %add3A_325 : i32 to index
        %swap3A_327 = arith.constant 32 : index
        %swap3A_328 = tpu.vector_load %arg11[%swap3A_326, %swap3A_327] {strides = array<i32>} : memref<128x128xf32, #tpu.memory_space<vmem>>, vector<16xf32>,
        tpu.vector_store %arg11[%swap3A_326, %swap3A_327], %mul3A_323 {strides = array<i32>} : memref<128x128xf32, #tpu.memory_space<vmem>>, vector<16xf32>,
        %add3A_329 = arith.constant 0 : i32
        %add3A_330 = arith.addi %mul3A_291, %add3A_329 : i32
        %get3A_331 = arith.index_cast %add3A_330 : i32 to index
        %get3A_332 = arith.constant 48 : index
        %get3A_333 = tpu.vector_load %arg11[%get3A_331, %get3A_332] {strides = array<i32>} : memref<128x128xf32, #tpu.memory_space<vmem>>, vector<16xf32>,
        %mul3A_334 = arith.mulf %get3A_333, %gather3A_295 : vector<16xf32>
        %add3A_335 = arith.constant 0 : i32
        %add3A_336 = arith.addi %mul3A_291, %add3A_335 : i32
        %swap3A_337 = arith.index_cast %add3A_336 : i32 to index
        %swap3A_338 = arith.constant 48 : index
        %swap3A_339 = tpu.vector_load %arg11[%swap3A_337, %swap3A_338] {strides = array<i32>} : memref<128x128xf32, #tpu.memory_space<vmem>>, vector<16xf32>,
        tpu.vector_store %arg11[%swap3A_337, %swap3A_338], %mul3A_334 {strides = array<i32>} : memref<128x128xf32, #tpu.memory_space<vmem>>, vector<16xf32>,
        %add3A_340 = arith.constant 0 : i32
        %add3A_341 = arith.addi %mul3A_291, %add3A_340 : i32
        %get3A_342 = arith.index_cast %add3A_341 : i32 to index
        %get3A_343 = arith.constant 64 : index
        %get3A_344 = tpu.vector_load %arg11[%get3A_342, %get3A_343] {strides = array<i32>} : memref<128x128xf32, #tpu.memory_space<vmem>>, vector<16xf32>,
        %mul3A_345 = arith.mulf %get3A_344, %gather3A_295 : vector<16xf32>
        %add3A_346 = arith.constant 0 : i32
        %add3A_347 = arith.addi %mul3A_291, %add3A_346 : i32
        %swap3A_348 = arith.index_cast %add3A_347 : i32 to index
        %swap3A_349 = arith.constant 64 : index
        %swap3A_350 = tpu.vector_load %arg11[%swap3A_348, %swap3A_349] {strides = array<i32>} : memref<128x128xf32, #tpu.memory_space<vmem>>, vector<16xf32>,
        tpu.vector_store %arg11[%swap3A_348, %swap3A_349], %mul3A_345 {strides = array<i32>} : memref<128x128xf32, #tpu.memory_space<vmem>>, vector<16xf32>,
        %add3A_351 = arith.constant 0 : i32
        %add3A_352 = arith.addi %mul3A_291, %add3A_351 : i32
        %get3A_353 = arith.index_cast %add3A_352 : i32 to index
        %get3A_354 = arith.constant 80 : index
        %get3A_355 = tpu.vector_load %arg11[%get3A_353, %get3A_354] {strides = array<i32>} : memref<128x128xf32, #tpu.memory_space<vmem>>, vector<16xf32>,
        %mul3A_356 = arith.mulf %get3A_355, %gather3A_295 : vector<16xf32>
        %add3A_357 = arith.constant 0 : i32
        %add3A_358 = arith.addi %mul3A_291, %add3A_357 : i32
        %swap3A_359 = arith.index_cast %add3A_358 : i32 to index
        %swap3A_360 = arith.constant 80 : index
        %swap3A_361 = tpu.vector_load %arg11[%swap3A_359, %swap3A_360] {strides = array<i32>} : memref<128x128xf32, #tpu.memory_space<vmem>>, vector<16xf32>,
        tpu.vector_store %arg11[%swap3A_359, %swap3A_360], %mul3A_356 {strides = array<i32>} : memref<128x128xf32, #tpu.memory_space<vmem>>, vector<16xf32>,
        %add3A_362 = arith.constant 0 : i32
        %add3A_363 = arith.addi %mul3A_291, %add3A_362 : i32
        %get3A_364 = arith.index_cast %add3A_363 : i32 to index
        %get3A_365 = arith.constant 96 : index
        %get3A_366 = tpu.vector_load %arg11[%get3A_364, %get3A_365] {strides = array<i32>} : memref<128x128xf32, #tpu.memory_space<vmem>>, vector<16xf32>,
        %mul3A_367 = arith.mulf %get3A_366, %gather3A_295 : vector<16xf32>
        %add3A_368 = arith.constant 0 : i32
        %add3A_369 = arith.addi %mul3A_291, %add3A_368 : i32
        %swap3A_370 = arith.index_cast %add3A_369 : i32 to index
        %swap3A_371 = arith.constant 96 : index
        %swap3A_372 = tpu.vector_load %arg11[%swap3A_370, %swap3A_371] {strides = array<i32>} : memref<128x128xf32, #tpu.memory_space<vmem>>, vector<16xf32>,
        tpu.vector_store %arg11[%swap3A_370, %swap3A_371], %mul3A_367 {strides = array<i32>} : memref<128x128xf32, #tpu.memory_space<vmem>>, vector<16xf32>,
        %add3A_373 = arith.constant 0 : i32
        %add3A_374 = arith.addi %mul3A_291, %add3A_373 : i32
        %get3A_375 = arith.index_cast %add3A_374 : i32 to index
        %get3A_376 = arith.constant 112 : index
        %get3A_377 = tpu.vector_load %arg11[%get3A_375, %get3A_376] {strides = array<i32>} : memref<128x128xf32, #tpu.memory_space<vmem>>, vector<16xf32>,
        %mul3A_378 = arith.mulf %get3A_377, %gather3A_295 : vector<16xf32>
        %add3A_379 = arith.constant 0 : i32
        %add3A_380 = arith.addi %mul3A_291, %add3A_379 : i32
        %swap3A_381 = arith.index_cast %add3A_380 : i32 to index
        %swap3A_382 = arith.constant 112 : index
        %swap3A_383 = tpu.vector_load %arg11[%swap3A_381, %swap3A_382] {strides = array<i32>} : memref<128x128xf32, #tpu.memory_space<vmem>>, vector<16xf32>,
        tpu.vector_store %arg11[%swap3A_381, %swap3A_382], %mul3A_378 {strides = array<i32>} : memref<128x128xf32, #tpu.memory_space<vmem>>, vector<16xf32>,
        %add3A_384 = arith.constant 1 : i32
        %add3A_385 = arith.addi %mul3A_291, %add3A_384 : i32
        %broadcast_in_dim3A_386 = vector.broadcast %add3A_385 : i32 to vector<16xi32>
        %gather3A_387 = tpu.vector_load_idx %arg12[%broadcast_in_dim3A_386] : memref<128xf32, #tpu.memory_space<vmem>>[vector<16xi32>], vector<16xf32>,
        %add3A_388 = arith.constant 1 : i32
        %add3A_389 = arith.addi %mul3A_291, %add3A_388 : i32
        %get3A_390 = arith.index_cast %add3A_389 : i32 to index
        %get3A_391 = arith.constant 0 : index
        %get3A_392 = tpu.vector_load %arg11[%get3A_390, %get3A_391] {strides = array<i32>} : memref<128x128xf32, #tpu.memory_space<vmem>>, vector<16xf32>,
        %mul3A_393 = arith.mulf %get3A_392, %gather3A_387 : vector<16xf32>
        %add3A_394 = arith.constant 1 : i32
        %add3A_395 = arith.addi %mul3A_291, %add3A_394 : i32
        %swap3A_396 = arith.index_cast %add3A_395 : i32 to index
        %swap3A_397 = arith.constant 0 : index
        %swap3A_398 = tpu.vector_load %arg11[%swap3A_396, %swap3A_397] {strides = array<i32>} : memref<128x128xf32, #tpu.memory_space<vmem>>, vector<16xf32>,
        tpu.vector_store %arg11[%swap3A_396, %swap3A_397], %mul3A_393 {strides = array<i32>} : memref<128x128xf32, #tpu.memory_space<vmem>>, vector<16xf32>,
        %add3A_399 = arith.constant 1 : i32
        %add3A_400 = arith.addi %mul3A_291, %add3A_399 : i32
        %get3A_401 = arith.index_cast %add3A_400 : i32 to index
        %get3A_402 = arith.constant 16 : index
        %get3A_403 = tpu.vector_load %arg11[%get3A_401, %get3A_402] {strides = array<i32>} : memref<128x128xf32, #tpu.memory_space<vmem>>, vector<16xf32>,
        %mul3A_404 = arith.mulf %get3A_403, %gather3A_387 : vector<16xf32>
        %add3A_405 = arith.constant 1 : i32
        %add3A_406 = arith.addi %mul3A_291, %add3A_405 : i32
        %swap3A_407 = arith.index_cast %add3A_406 : i32 to index
        %swap3A_408 = arith.constant 16 : index
        %swap3A_409 = tpu.vector_load %arg11[%swap3A_407, %swap3A_408] {strides = array<i32>} : memref<128x128xf32, #tpu.memory_space<vmem>>, vector<16xf32>,
        tpu.vector_store %arg11[%swap3A_407, %swap3A_408], %mul3A_404 {strides = array<i32>} : memref<128x128xf32, #tpu.memory_space<vmem>>, vector<16xf32>,
        %add3A_410 = arith.constant 1 : i32
        %add3A_411 = arith.addi %mul3A_291, %add3A_410 : i32
        %get3A_412 = arith.index_cast %add3A_411 : i32 to index
        %get3A_413 = arith.constant 32 : index
        %get3A_414 = tpu.vector_load %arg11[%get3A_412, %get3A_413] {strides = array<i32>} : memref<128x128xf32, #tpu.memory_space<vmem>>, vector<16xf32>,
        %mul3A_415 = arith.mulf %get3A_414, %gather3A_387 : vector<16xf32>
        %add3A_416 = arith.constant 1 : i32
        %add3A_417 = arith.addi %mul3A_291, %add3A_416 : i32
        %swap3A_418 = arith.index_cast %add3A_417 : i32 to index
        %swap3A_419 = arith.constant 32 : index
        %swap3A_420 = tpu.vector_load %arg11[%swap3A_418, %swap3A_419] {strides = array<i32>} : memref<128x128xf32, #tpu.memory_space<vmem>>, vector<16xf32>,
        tpu.vector_store %arg11[%swap3A_418, %swap3A_419], %mul3A_415 {strides = array<i32>} : memref<128x128xf32, #tpu.memory_space<vmem>>, vector<16xf32>,
        %add3A_421 = arith.constant 1 : i32
        %add3A_422 = arith.addi %mul3A_291, %add3A_421 : i32
        %get3A_423 = arith.index_cast %add3A_422 : i32 to index
        %get3A_424 = arith.constant 48 : index
        %get3A_425 = tpu.vector_load %arg11[%get3A_423, %get3A_424] {strides = array<i32>} : memref<128x128xf32, #tpu.memory_space<vmem>>, vector<16xf32>,
        %mul3A_426 = arith.mulf %get3A_425, %gather3A_387 : vector<16xf32>
        %add3A_427 = arith.constant 1 : i32
        %add3A_428 = arith.addi %mul3A_291, %add3A_427 : i32
        %swap3A_429 = arith.index_cast %add3A_428 : i32 to index
        %swap3A_430 = arith.constant 48 : index
        %swap3A_431 = tpu.vector_load %arg11[%swap3A_429, %swap3A_430] {strides = array<i32>} : memref<128x128xf32, #tpu.memory_space<vmem>>, vector<16xf32>,
        tpu.vector_store %arg11[%swap3A_429, %swap3A_430], %mul3A_426 {strides = array<i32>} : memref<128x128xf32, #tpu.memory_space<vmem>>, vector<16xf32>,
        %add3A_432 = arith.constant 1 : i32
        %add3A_433 = arith.addi %mul3A_291, %add3A_432 : i32
        %get3A_434 = arith.index_cast %add3A_433 : i32 to index
        %get3A_435 = arith.constant 64 : index
        %get3A_436 = tpu.vector_load %arg11[%get3A_434, %get3A_435] {strides = array<i32>} : memref<128x128xf32, #tpu.memory_space<vmem>>, vector<16xf32>,
        %mul3A_437 = arith.mulf %get3A_436, %gather3A_387 : vector<16xf32>
        %add3A_438 = arith.constant 1 : i32
        %add3A_439 = arith.addi %mul3A_291, %add3A_438 : i32
        %swap3A_440 = arith.index_cast %add3A_439 : i32 to index
        %swap3A_441 = arith.constant 64 : index
        %swap3A_442 = tpu.vector_load %arg11[%swap3A_440, %swap3A_441] {strides = array<i32>} : memref<128x128xf32, #tpu.memory_space<vmem>>, vector<16xf32>,
        tpu.vector_store %arg11[%swap3A_440, %swap3A_441], %mul3A_437 {strides = array<i32>} : memref<128x128xf32, #tpu.memory_space<vmem>>, vector<16xf32>,
        %add3A_443 = arith.constant 1 : i32
        %add3A_444 = arith.addi %mul3A_291, %add3A_443 : i32
        %get3A_445 = arith.index_cast %add3A_444 : i32 to index
        %get3A_446 = arith.constant 80 : index
        %get3A_447 = tpu.vector_load %arg11[%get3A_445, %get3A_446] {strides = array<i32>} : memref<128x128xf32, #tpu.memory_space<vmem>>, vector<16xf32>,
        %mul3A_448 = arith.mulf %get3A_447, %gather3A_387 : vector<16xf32>
        %add3A_449 = arith.constant 1 : i32
        %add3A_450 = arith.addi %mul3A_291, %add3A_449 : i32
        %swap3A_451 = arith.index_cast %add3A_450 : i32 to index
        %swap3A_452 = arith.constant 80 : index
        %swap3A_453 = tpu.vector_load %arg11[%swap3A_451, %swap3A_452] {strides = array<i32>} : memref<128x128xf32, #tpu.memory_space<vmem>>, vector<16xf32>,
        tpu.vector_store %arg11[%swap3A_451, %swap3A_452], %mul3A_448 {strides = array<i32>} : memref<128x128xf32, #tpu.memory_space<vmem>>, vector<16xf32>,
        %add3A_454 = arith.constant 1 : i32
        %add3A_455 = arith.addi %mul3A_291, %add3A_454 : i32
        %get3A_456 = arith.index_cast %add3A_455 : i32 to index
        %get3A_457 = arith.constant 96 : index
        %get3A_458 = tpu.vector_load %arg11[%get3A_456, %get3A_457] {strides = array<i32>} : memref<128x128xf32, #tpu.memory_space<vmem>>, vector<16xf32>,
        %mul3A_459 = arith.mulf %get3A_458, %gather3A_387 : vector<16xf32>
        %add3A_460 = arith.constant 1 : i32
        %add3A_461 = arith.addi %mul3A_291, %add3A_460 : i32
        %swap3A_462 = arith.index_cast %add3A_461 : i32 to index
        %swap3A_463 = arith.constant 96 : index
        %swap3A_464 = tpu.vector_load %arg11[%swap3A_462, %swap3A_463] {strides = array<i32>} : memref<128x128xf32, #tpu.memory_space<vmem>>, vector<16xf32>,
        tpu.vector_store %arg11[%swap3A_462, %swap3A_463], %mul3A_459 {strides = array<i32>} : memref<128x128xf32, #tpu.memory_space<vmem>>, vector<16xf32>,
        %add3A_465 = arith.constant 1 : i32
        %add3A_466 = arith.addi %mul3A_291, %add3A_465 : i32
        %get3A_467 = arith.index_cast %add3A_466 : i32 to index
        %get3A_468 = arith.constant 112 : index
        %get3A_469 = tpu.vector_load %arg11[%get3A_467, %get3A_468] {strides = array<i32>} : memref<128x128xf32, #tpu.memory_space<vmem>>, vector<16xf32>,
        %mul3A_470 = arith.mulf %get3A_469, %gather3A_387 : vector<16xf32>
        %add3A_471 = arith.constant 1 : i32
        %add3A_472 = arith.addi %mul3A_291, %add3A_471 : i32
        %swap3A_473 = arith.index_cast %add3A_472 : i32 to index
        %swap3A_474 = arith.constant 112 : index
        %swap3A_475 = tpu.vector_load %arg11[%swap3A_473, %swap3A_474] {strides = array<i32>} : memref<128x128xf32, #tpu.memory_space<vmem>>, vector<16xf32>,
        tpu.vector_store %arg11[%swap3A_473, %swap3A_474], %mul3A_470 {strides = array<i32>} : memref<128x128xf32, #tpu.memory_space<vmem>>, vector<16xf32>,
        %add3A_476 = arith.constant 2 : i32
        %add3A_477 = arith.addi %mul3A_291, %add3A_476 : i32
        %broadcast_in_dim3A_478 = vector.broadcast %add3A_477 : i32 to vector<16xi32>
        %gather3A_479 = tpu.vector_load_idx %arg12[%broadcast_in_dim3A_478] : memref<128xf32, #tpu.memory_space<vmem>>[vector<16xi32>], vector<16xf32>,
        %add3A_480 = arith.constant 2 : i32
        %add3A_481 = arith.addi %mul3A_291, %add3A_480 : i32
        %get3A_482 = arith.index_cast %add3A_481 : i32 to index
        %get3A_483 = arith.constant 0 : index
        %get3A_484 = tpu.vector_load %arg11[%get3A_482, %get3A_483] {strides = array<i32>} : memref<128x128xf32, #tpu.memory_space<vmem>>, vector<16xf32>,
        %mul3A_485 = arith.mulf %get3A_484, %gather3A_479 : vector<16xf32>
        %add3A_486 = arith.constant 2 : i32
        %add3A_487 = arith.addi %mul3A_291, %add3A_486 : i32
        %swap3A_488 = arith.index_cast %add3A_487 : i32 to index
        %swap3A_489 = arith.constant 0 : index
        %swap3A_490 = tpu.vector_load %arg11[%swap3A_488, %swap3A_489] {strides = array<i32>} : memref<128x128xf32, #tpu.memory_space<vmem>>, vector<16xf32>,
        tpu.vector_store %arg11[%swap3A_488, %swap3A_489], %mul3A_485 {strides = array<i32>} : memref<128x128xf32, #tpu.memory_space<vmem>>, vector<16xf32>,
        %add3A_491 = arith.constant 2 : i32
        %add3A_492 = arith.addi %mul3A_291, %add3A_491 : i32
        %get3A_493 = arith.index_cast %add3A_492 : i32 to index
        %get3A_494 = arith.constant 16 : index
        %get3A_495 = tpu.vector_load %arg11[%get3A_493, %get3A_494] {strides = array<i32>} : memref<128x128xf32, #tpu.memory_space<vmem>>, vector<16xf32>,
        %mul3A_496 = arith.mulf %get3A_495, %gather3A_479 : vector<16xf32>
        %add3A_497 = arith.constant 2 : i32
        %add3A_498 = arith.addi %mul3A_291, %add3A_497 : i32
        %swap3A_499 = arith.index_cast %add3A_498 : i32 to index
        %swap3A_500 = arith.constant 16 : index
        %swap3A_501 = tpu.vector_load %arg11[%swap3A_499, %swap3A_500] {strides = array<i32>} : memref<128x128xf32, #tpu.memory_space<vmem>>, vector<16xf32>,
        tpu.vector_store %arg11[%swap3A_499, %swap3A_500], %mul3A_496 {strides = array<i32>} : memref<128x128xf32, #tpu.memory_space<vmem>>, vector<16xf32>,
        %add3A_502 = arith.constant 2 : i32
        %add3A_503 = arith.addi %mul3A_291, %add3A_502 : i32
        %get3A_504 = arith.index_cast %add3A_503 : i32 to index
        %get3A_505 = arith.constant 32 : index
        %get3A_506 = tpu.vector_load %arg11[%get3A_504, %get3A_505] {strides = array<i32>} : memref<128x128xf32, #tpu.memory_space<vmem>>, vector<16xf32>,
        %mul3A_507 = arith.mulf %get3A_506, %gather3A_479 : vector<16xf32>
        %add3A_508 = arith.constant 2 : i32
        %add3A_509 = arith.addi %mul3A_291, %add3A_508 : i32
        %swap3A_510 = arith.index_cast %add3A_509 : i32 to index
        %swap3A_511 = arith.constant 32 : index
        %swap3A_512 = tpu.vector_load %arg11[%swap3A_510, %swap3A_511] {strides = array<i32>} : memref<128x128xf32, #tpu.memory_space<vmem>>, vector<16xf32>,
        tpu.vector_store %arg11[%swap3A_510, %swap3A_511], %mul3A_507 {strides = array<i32>} : memref<128x128xf32, #tpu.memory_space<vmem>>, vector<16xf32>,
        %add3A_513 = arith.constant 2 : i32
        %add3A_514 = arith.addi %mul3A_291, %add3A_513 : i32
        %get3A_515 = arith.index_cast %add3A_514 : i32 to index
        %get3A_516 = arith.constant 48 : index
        %get3A_517 = tpu.vector_load %arg11[%get3A_515, %get3A_516] {strides = array<i32>} : memref<128x128xf32, #tpu.memory_space<vmem>>, vector<16xf32>,
        %mul3A_518 = arith.mulf %get3A_517, %gather3A_479 : vector<16xf32>
        %add3A_519 = arith.constant 2 : i32
        %add3A_520 = arith.addi %mul3A_291, %add3A_519 : i32
        %swap3A_521 = arith.index_cast %add3A_520 : i32 to index
        %swap3A_522 = arith.constant 48 : index
        %swap3A_523 = tpu.vector_load %arg11[%swap3A_521, %swap3A_522] {strides = array<i32>} : memref<128x128xf32, #tpu.memory_space<vmem>>, vector<16xf32>,
        tpu.vector_store %arg11[%swap3A_521, %swap3A_522], %mul3A_518 {strides = array<i32>} : memref<128x128xf32, #tpu.memory_space<vmem>>, vector<16xf32>,
        %add3A_524 = arith.constant 2 : i32
        %add3A_525 = arith.addi %mul3A_291, %add3A_524 : i32
        %get3A_526 = arith.index_cast %add3A_525 : i32 to index
        %get3A_527 = arith.constant 64 : index
        %get3A_528 = tpu.vector_load %arg11[%get3A_526, %get3A_527] {strides = array<i32>} : memref<128x128xf32, #tpu.memory_space<vmem>>, vector<16xf32>,
        %mul3A_529 = arith.mulf %get3A_528, %gather3A_479 : vector<16xf32>
        %add3A_530 = arith.constant 2 : i32
        %add3A_531 = arith.addi %mul3A_291, %add3A_530 : i32
        %swap3A_532 = arith.index_cast %add3A_531 : i32 to index
        %swap3A_533 = arith.constant 64 : index
        %swap3A_534 = tpu.vector_load %arg11[%swap3A_532, %swap3A_533] {strides = array<i32>} : memref<128x128xf32, #tpu.memory_space<vmem>>, vector<16xf32>,
        tpu.vector_store %arg11[%swap3A_532, %swap3A_533], %mul3A_529 {strides = array<i32>} : memref<128x128xf32, #tpu.memory_space<vmem>>, vector<16xf32>,
        %add3A_535 = arith.constant 2 : i32
        %add3A_536 = arith.addi %mul3A_291, %add3A_535 : i32
        %get3A_537 = arith.index_cast %add3A_536 : i32 to index
        %get3A_538 = arith.constant 80 : index
        %get3A_539 = tpu.vector_load %arg11[%get3A_537, %get3A_538] {strides = array<i32>} : memref<128x128xf32, #tpu.memory_space<vmem>>, vector<16xf32>,
        %mul3A_540 = arith.mulf %get3A_539, %gather3A_479 : vector<16xf32>
        %add3A_541 = arith.constant 2 : i32
        %add3A_542 = arith.addi %mul3A_291, %add3A_541 : i32
        %swap3A_543 = arith.index_cast %add3A_542 : i32 to index
        %swap3A_544 = arith.constant 80 : index
        %swap3A_545 = tpu.vector_load %arg11[%swap3A_543, %swap3A_544] {strides = array<i32>} : memref<128x128xf32, #tpu.memory_space<vmem>>, vector<16xf32>,
        tpu.vector_store %arg11[%swap3A_543, %swap3A_544], %mul3A_540 {strides = array<i32>} : memref<128x128xf32, #tpu.memory_space<vmem>>, vector<16xf32>,
        %add3A_546 = arith.constant 2 : i32
        %add3A_547 = arith.addi %mul3A_291, %add3A_546 : i32
        %get3A_548 = arith.index_cast %add3A_547 : i32 to index
        %get3A_549 = arith.constant 96 : index
        %get3A_550 = tpu.vector_load %arg11[%get3A_548, %get3A_549] {strides = array<i32>} : memref<128x128xf32, #tpu.memory_space<vmem>>, vector<16xf32>,
        %mul3A_551 = arith.mulf %get3A_550, %gather3A_479 : vector<16xf32>
        %add3A_552 = arith.constant 2 : i32
        %add3A_553 = arith.addi %mul3A_291, %add3A_552 : i32
        %swap3A_554 = arith.index_cast %add3A_553 : i32 to index
        %swap3A_555 = arith.constant 96 : index
        %swap3A_556 = tpu.vector_load %arg11[%swap3A_554, %swap3A_555] {strides = array<i32>} : memref<128x128xf32, #tpu.memory_space<vmem>>, vector<16xf32>,
        tpu.vector_store %arg11[%swap3A_554, %swap3A_555], %mul3A_551 {strides = array<i32>} : memref<128x128xf32, #tpu.memory_space<vmem>>, vector<16xf32>,
        %add3A_557 = arith.constant 2 : i32
        %add3A_558 = arith.addi %mul3A_291, %add3A_557 : i32
        %get3A_559 = arith.index_cast %add3A_558 : i32 to index
        %get3A_560 = arith.constant 112 : index
        %get3A_561 = tpu.vector_load %arg11[%get3A_559, %get3A_560] {strides = array<i32>} : memref<128x128xf32, #tpu.memory_space<vmem>>, vector<16xf32>,
        %mul3A_562 = arith.mulf %get3A_561, %gather3A_479 : vector<16xf32>
        %add3A_563 = arith.constant 2 : i32
        %add3A_564 = arith.addi %mul3A_291, %add3A_563 : i32
        %swap3A_565 = arith.index_cast %add3A_564 : i32 to index
        %swap3A_566 = arith.constant 112 : index
        %swap3A_567 = tpu.vector_load %arg11[%swap3A_565, %swap3A_566] {strides = array<i32>} : memref<128x128xf32, #tpu.memory_space<vmem>>, vector<16xf32>,
        tpu.vector_store %arg11[%swap3A_565, %swap3A_566], %mul3A_562 {strides = array<i32>} : memref<128x128xf32, #tpu.memory_space<vmem>>, vector<16xf32>,
        %add3A_568 = arith.constant 3 : i32
        %add3A_569 = arith.addi %mul3A_291, %add3A_568 : i32
        %broadcast_in_dim3A_570 = vector.broadcast %add3A_569 : i32 to vector<16xi32>
        %gather3A_571 = tpu.vector_load_idx %arg12[%broadcast_in_dim3A_570] : memref<128xf32, #tpu.memory_space<vmem>>[vector<16xi32>], vector<16xf32>,
        %add3A_572 = arith.constant 3 : i32
        %add3A_573 = arith.addi %mul3A_291, %add3A_572 : i32
        %get3A_574 = arith.index_cast %add3A_573 : i32 to index
        %get3A_575 = arith.constant 0 : index
        %get3A_576 = tpu.vector_load %arg11[%get3A_574, %get3A_575] {strides = array<i32>} : memref<128x128xf32, #tpu.memory_space<vmem>>, vector<16xf32>,
        %mul3A_577 = arith.mulf %get3A_576, %gather3A_571 : vector<16xf32>
        %add3A_578 = arith.constant 3 : i32
        %add3A_579 = arith.addi %mul3A_291, %add3A_578 : i32
        %swap3A_580 = arith.index_cast %add3A_579 : i32 to index
        %swap3A_581 = arith.constant 0 : index
        %swap3A_582 = tpu.vector_load %arg11[%swap3A_580, %swap3A_581] {strides = array<i32>} : memref<128x128xf32, #tpu.memory_space<vmem>>, vector<16xf32>,
        tpu.vector_store %arg11[%swap3A_580, %swap3A_581], %mul3A_577 {strides = array<i32>} : memref<128x128xf32, #tpu.memory_space<vmem>>, vector<16xf32>,
        %add3A_583 = arith.constant 3 : i32
        %add3A_584 = arith.addi %mul3A_291, %add3A_583 : i32
        %get3A_585 = arith.index_cast %add3A_584 : i32 to index
        %get3A_586 = arith.constant 16 : index
        %get3A_587 = tpu.vector_load %arg11[%get3A_585, %get3A_586] {strides = array<i32>} : memref<128x128xf32, #tpu.memory_space<vmem>>, vector<16xf32>,
        %mul3A_588 = arith.mulf %get3A_587, %gather3A_571 : vector<16xf32>
        %add3A_589 = arith.constant 3 : i32
        %add3A_590 = arith.addi %mul3A_291, %add3A_589 : i32
        %swap3A_591 = arith.index_cast %add3A_590 : i32 to index
        %swap3A_592 = arith.constant 16 : index
        %swap3A_593 = tpu.vector_load %arg11[%swap3A_591, %swap3A_592] {strides = array<i32>} : memref<128x128xf32, #tpu.memory_space<vmem>>, vector<16xf32>,
        tpu.vector_store %arg11[%swap3A_591, %swap3A_592], %mul3A_588 {strides = array<i32>} : memref<128x128xf32, #tpu.memory_space<vmem>>, vector<16xf32>,
        %add3A_594 = arith.constant 3 : i32
        %add3A_595 = arith.addi %mul3A_291, %add3A_594 : i32
        %get3A_596 = arith.index_cast %add3A_595 : i32 to index
        %get3A_597 = arith.constant 32 : index
        %get3A_598 = tpu.vector_load %arg11[%get3A_596, %get3A_597] {strides = array<i32>} : memref<128x128xf32, #tpu.memory_space<vmem>>, vector<16xf32>,
        %mul3A_599 = arith.mulf %get3A_598, %gather3A_571 : vector<16xf32>
        %add3A_600 = arith.constant 3 : i32
        %add3A_601 = arith.addi %mul3A_291, %add3A_600 : i32
        %swap3A_602 = arith.index_cast %add3A_601 : i32 to index
        %swap3A_603 = arith.constant 32 : index
        %swap3A_604 = tpu.vector_load %arg11[%swap3A_602, %swap3A_603] {strides = array<i32>} : memref<128x128xf32, #tpu.memory_space<vmem>>, vector<16xf32>,
        tpu.vector_store %arg11[%swap3A_602, %swap3A_603], %mul3A_599 {strides = array<i32>} : memref<128x128xf32, #tpu.memory_space<vmem>>, vector<16xf32>,
        %add3A_605 = arith.constant 3 : i32
        %add3A_606 = arith.addi %mul3A_291, %add3A_605 : i32
        %get3A_607 = arith.index_cast %add3A_606 : i32 to index
        %get3A_608 = arith.constant 48 : index
        %get3A_609 = tpu.vector_load %arg11[%get3A_607, %get3A_608] {strides = array<i32>} : memref<128x128xf32, #tpu.memory_space<vmem>>, vector<16xf32>,
        %mul3A_610 = arith.mulf %get3A_609, %gather3A_571 : vector<16xf32>
        %add3A_611 = arith.constant 3 : i32
        %add3A_612 = arith.addi %mul3A_291, %add3A_611 : i32
        %swap3A_613 = arith.index_cast %add3A_612 : i32 to index
        %swap3A_614 = arith.constant 48 : index
        %swap3A_615 = tpu.vector_load %arg11[%swap3A_613, %swap3A_614] {strides = array<i32>} : memref<128x128xf32, #tpu.memory_space<vmem>>, vector<16xf32>,
        tpu.vector_store %arg11[%swap3A_613, %swap3A_614], %mul3A_610 {strides = array<i32>} : memref<128x128xf32, #tpu.memory_space<vmem>>, vector<16xf32>,
        %add3A_616 = arith.constant 3 : i32
        %add3A_617 = arith.addi %mul3A_291, %add3A_616 : i32
        %get3A_618 = arith.index_cast %add3A_617 : i32 to index
        %get3A_619 = arith.constant 64 : index
        %get3A_620 = tpu.vector_load %arg11[%get3A_618, %get3A_619] {strides = array<i32>} : memref<128x128xf32, #tpu.memory_space<vmem>>, vector<16xf32>,
        %mul3A_621 = arith.mulf %get3A_620, %gather3A_571 : vector<16xf32>
        %add3A_622 = arith.constant 3 : i32
        %add3A_623 = arith.addi %mul3A_291, %add3A_622 : i32
        %swap3A_624 = arith.index_cast %add3A_623 : i32 to index
        %swap3A_625 = arith.constant 64 : index
        %swap3A_626 = tpu.vector_load %arg11[%swap3A_624, %swap3A_625] {strides = array<i32>} : memref<128x128xf32, #tpu.memory_space<vmem>>, vector<16xf32>,
        tpu.vector_store %arg11[%swap3A_624, %swap3A_625], %mul3A_621 {strides = array<i32>} : memref<128x128xf32, #tpu.memory_space<vmem>>, vector<16xf32>,
        %add3A_627 = arith.constant 3 : i32
        %add3A_628 = arith.addi %mul3A_291, %add3A_627 : i32
        %get3A_629 = arith.index_cast %add3A_628 : i32 to index
        %get3A_630 = arith.constant 80 : index
        %get3A_631 = tpu.vector_load %arg11[%get3A_629, %get3A_630] {strides = array<i32>} : memref<128x128xf32, #tpu.memory_space<vmem>>, vector<16xf32>,
        %mul3A_632 = arith.mulf %get3A_631, %gather3A_571 : vector<16xf32>
        %add3A_633 = arith.constant 3 : i32
        %add3A_634 = arith.addi %mul3A_291, %add3A_633 : i32
        %swap3A_635 = arith.index_cast %add3A_634 : i32 to index
        %swap3A_636 = arith.constant 80 : index
        %swap3A_637 = tpu.vector_load %arg11[%swap3A_635, %swap3A_636] {strides = array<i32>} : memref<128x128xf32, #tpu.memory_space<vmem>>, vector<16xf32>,
        tpu.vector_store %arg11[%swap3A_635, %swap3A_636], %mul3A_632 {strides = array<i32>} : memref<128x128xf32, #tpu.memory_space<vmem>>, vector<16xf32>,
        %add3A_638 = arith.constant 3 : i32
        %add3A_639 = arith.addi %mul3A_291, %add3A_638 : i32
        %get3A_640 = arith.index_cast %add3A_639 : i32 to index
        %get3A_641 = arith.constant 96 : index
        %get3A_642 = tpu.vector_load %arg11[%get3A_640, %get3A_641] {strides = array<i32>} : memref<128x128xf32, #tpu.memory_space<vmem>>, vector<16xf32>,
        %mul3A_643 = arith.mulf %get3A_642, %gather3A_571 : vector<16xf32>
        %add3A_644 = arith.constant 3 : i32
        %add3A_645 = arith.addi %mul3A_291, %add3A_644 : i32
        %swap3A_646 = arith.index_cast %add3A_645 : i32 to index
        %swap3A_647 = arith.constant 96 : index
        %swap3A_648 = tpu.vector_load %arg11[%swap3A_646, %swap3A_647] {strides = array<i32>} : memref<128x128xf32, #tpu.memory_space<vmem>>, vector<16xf32>,
        tpu.vector_store %arg11[%swap3A_646, %swap3A_647], %mul3A_643 {strides = array<i32>} : memref<128x128xf32, #tpu.memory_space<vmem>>, vector<16xf32>,
        %add3A_649 = arith.constant 3 : i32
        %add3A_650 = arith.addi %mul3A_291, %add3A_649 : i32
        %get3A_651 = arith.index_cast %add3A_650 : i32 to index
        %get3A_652 = arith.constant 112 : index
        %get3A_653 = tpu.vector_load %arg11[%get3A_651, %get3A_652] {strides = array<i32>} : memref<128x128xf32, #tpu.memory_space<vmem>>, vector<16xf32>,
        %mul3A_654 = arith.mulf %get3A_653, %gather3A_571 : vector<16xf32>
        %add3A_655 = arith.constant 3 : i32
        %add3A_656 = arith.addi %mul3A_291, %add3A_655 : i32
        %swap3A_657 = arith.index_cast %add3A_656 : i32 to index
        %swap3A_658 = arith.constant 112 : index
        %swap3A_659 = tpu.vector_load %arg11[%swap3A_657, %swap3A_658] {strides = array<i32>} : memref<128x128xf32, #tpu.memory_space<vmem>>, vector<16xf32>,
        tpu.vector_store %arg11[%swap3A_657, %swap3A_658], %mul3A_654 {strides = array<i32>} : memref<128x128xf32, #tpu.memory_space<vmem>>, vector<16xf32>,
      }
      %while3A_285 = arith.constant 1 : i32
      scf.for %while3A_287 = %while3A_283 to %while3A_279 step %while3A_285  : i32 {
        %mul3A_288 = arith.muli %while3A_287, %while3A_275 : i32
        %add3A_289 = arith.addi %while3A_276, %mul3A_288 : i32
        %mul3A_290 = arith.constant 4 : i32
        %mul3A_291 = arith.muli %add3A_289, %mul3A_290 : i32
        %add3A_292 = arith.constant 0 : i32
        %add3A_293 = arith.addi %mul3A_291, %add3A_292 : i32
        %broadcast_in_dim3A_294 = vector.broadcast %add3A_293 : i32 to vector<16xi32>
        %gather3A_295 = tpu.vector_load_idx %arg12[%broadcast_in_dim3A_294] : memref<128xf32, #tpu.memory_space<vmem>>[vector<16xi32>], vector<16xf32>,
        %add3A_296 = arith.constant 0 : i32
        %add3A_297 = arith.addi %mul3A_291, %add3A_296 : i32
        %get3A_298 = arith.index_cast %add3A_297 : i32 to index
        %get3A_299 = arith.constant 0 : index
        %get3A_300 = tpu.vector_load %arg11[%get3A_298, %get3A_299] {strides = array<i32>} : memref<128x128xf32, #tpu.memory_space<vmem>>, vector<16xf32>,
        %mul3A_301 = arith.mulf %get3A_300, %gather3A_295 : vector<16xf32>
        %add3A_302 = arith.constant 0 : i32
        %add3A_303 = arith.addi %mul3A_291, %add3A_302 : i32
        %swap3A_304 = arith.index_cast %add3A_303 : i32 to index
        %swap3A_305 = arith.constant 0 : index
        %swap3A_306 = tpu.vector_load %arg11[%swap3A_304, %swap3A_305] {strides = array<i32>} : memref<128x128xf32, #tpu.memory_space<vmem>>, vector<16xf32>,
        tpu.vector_store %arg11[%swap3A_304, %swap3A_305], %mul3A_301 {strides = array<i32>} : memref<128x128xf32, #tpu.memory_space<vmem>>, vector<16xf32>,
        %add3A_307 = arith.constant 0 : i32
        %add3A_308 = arith.addi %mul3A_291, %add3A_307 : i32
        %get3A_309 = arith.index_cast %add3A_308 : i32 to index
        %get3A_310 = arith.constant 16 : index
        %get3A_311 = tpu.vector_load %arg11[%get3A_309, %get3A_310] {strides = array<i32>} : memref<128x128xf32, #tpu.memory_space<vmem>>, vector<16xf32>,
        %mul3A_312 = arith.mulf %get3A_311, %gather3A_295 : vector<16xf32>
        %add3A_313 = arith.constant 0 : i32
        %add3A_314 = arith.addi %mul3A_291, %add3A_313 : i32
        %swap3A_315 = arith.index_cast %add3A_314 : i32 to index
        %swap3A_316 = arith.constant 16 : index
        %swap3A_317 = tpu.vector_load %arg11[%swap3A_315, %swap3A_316] {strides = array<i32>} : memref<128x128xf32, #tpu.memory_space<vmem>>, vector<16xf32>,
        tpu.vector_store %arg11[%swap3A_315, %swap3A_316], %mul3A_312 {strides = array<i32>} : memref<128x128xf32, #tpu.memory_space<vmem>>, vector<16xf32>,
        %add3A_318 = arith.constant 0 : i32
        %add3A_319 = arith.addi %mul3A_291, %add3A_318 : i32
        %get3A_320 = arith.index_cast %add3A_319 : i32 to index
        %get3A_321 = arith.constant 32 : index
        %get3A_322 = tpu.vector_load %arg11[%get3A_320, %get3A_321] {strides = array<i32>} : memref<128x128xf32, #tpu.memory_space<vmem>>, vector<16xf32>,
        %mul3A_323 = arith.mulf %get3A_322, %gather3A_295 : vector<16xf32>
        %add3A_324 = arith.constant 0 : i32
        %add3A_325 = arith.addi %mul3A_291, %add3A_324 : i32
        %swap3A_326 = arith.index_cast %add3A_325 : i32 to index
        %swap3A_327 = arith.constant 32 : index
        %swap3A_328 = tpu.vector_load %arg11[%swap3A_326, %swap3A_327] {strides = array<i32>} : memref<128x128xf32, #tpu.memory_space<vmem>>, vector<16xf32>,
        tpu.vector_store %arg11[%swap3A_326, %swap3A_327], %mul3A_323 {strides = array<i32>} : memref<128x128xf32, #tpu.memory_space<vmem>>, vector<16xf32>,
        %add3A_329 = arith.constant 0 : i32
        %add3A_330 = arith.addi %mul3A_291, %add3A_329 : i32
        %get3A_331 = arith.index_cast %add3A_330 : i32 to index
        %get3A_332 = arith.constant 48 : index
        %get3A_333 = tpu.vector_load %arg11[%get3A_331, %get3A_332] {strides = array<i32>} : memref<128x128xf32, #tpu.memory_space<vmem>>, vector<16xf32>,
        %mul3A_334 = arith.mulf %get3A_333, %gather3A_295 : vector<16xf32>
        %add3A_335 = arith.constant 0 : i32
        %add3A_336 = arith.addi %mul3A_291, %add3A_335 : i32
        %swap3A_337 = arith.index_cast %add3A_336 : i32 to index
        %swap3A_338 = arith.constant 48 : index
        %swap3A_339 = tpu.vector_load %arg11[%swap3A_337, %swap3A_338] {strides = array<i32>} : memref<128x128xf32, #tpu.memory_space<vmem>>, vector<16xf32>,
        tpu.vector_store %arg11[%swap3A_337, %swap3A_338], %mul3A_334 {strides = array<i32>} : memref<128x128xf32, #tpu.memory_space<vmem>>, vector<16xf32>,
        %add3A_340 = arith.constant 0 : i32
        %add3A_341 = arith.addi %mul3A_291, %add3A_340 : i32
        %get3A_342 = arith.index_cast %add3A_341 : i32 to index
        %get3A_343 = arith.constant 64 : index
        %get3A_344 = tpu.vector_load %arg11[%get3A_342, %get3A_343] {strides = array<i32>} : memref<128x128xf32, #tpu.memory_space<vmem>>, vector<16xf32>,
        %mul3A_345 = arith.mulf %get3A_344, %gather3A_295 : vector<16xf32>
        %add3A_346 = arith.constant 0 : i32
        %add3A_347 = arith.addi %mul3A_291, %add3A_346 : i32
        %swap3A_348 = arith.index_cast %add3A_347 : i32 to index
        %swap3A_349 = arith.constant 64 : index
        %swap3A_350 = tpu.vector_load %arg11[%swap3A_348, %swap3A_349] {strides = array<i32>} : memref<128x128xf32, #tpu.memory_space<vmem>>, vector<16xf32>,
        tpu.vector_store %arg11[%swap3A_348, %swap3A_349], %mul3A_345 {strides = array<i32>} : memref<128x128xf32, #tpu.memory_space<vmem>>, vector<16xf32>,
        %add3A_351 = arith.constant 0 : i32
        %add3A_352 = arith.addi %mul3A_291, %add3A_351 : i32
        %get3A_353 = arith.index_cast %add3A_352 : i32 to index
        %get3A_354 = arith.constant 80 : index
        %get3A_355 = tpu.vector_load %arg11[%get3A_353, %get3A_354] {strides = array<i32>} : memref<128x128xf32, #tpu.memory_space<vmem>>, vector<16xf32>,
        %mul3A_356 = arith.mulf %get3A_355, %gather3A_295 : vector<16xf32>
        %add3A_357 = arith.constant 0 : i32
        %add3A_358 = arith.addi %mul3A_291, %add3A_357 : i32
        %swap3A_359 = arith.index_cast %add3A_358 : i32 to index
        %swap3A_360 = arith.constant 80 : index
        %swap3A_361 = tpu.vector_load %arg11[%swap3A_359, %swap3A_360] {strides = array<i32>} : memref<128x128xf32, #tpu.memory_space<vmem>>, vector<16xf32>,
        tpu.vector_store %arg11[%swap3A_359, %swap3A_360], %mul3A_356 {strides = array<i32>} : memref<128x128xf32, #tpu.memory_space<vmem>>, vector<16xf32>,
        %add3A_362 = arith.constant 0 : i32
        %add3A_363 = arith.addi %mul3A_291, %add3A_362 : i32
        %get3A_364 = arith.index_cast %add3A_363 : i32 to index
        %get3A_365 = arith.constant 96 : index
        %get3A_366 = tpu.vector_load %arg11[%get3A_364, %get3A_365] {strides = array<i32>} : memref<128x128xf32, #tpu.memory_space<vmem>>, vector<16xf32>,
        %mul3A_367 = arith.mulf %get3A_366, %gather3A_295 : vector<16xf32>
        %add3A_368 = arith.constant 0 : i32
        %add3A_369 = arith.addi %mul3A_291, %add3A_368 : i32
        %swap3A_370 = arith.index_cast %add3A_369 : i32 to index
        %swap3A_371 = arith.constant 96 : index
        %swap3A_372 = tpu.vector_load %arg11[%swap3A_370, %swap3A_371] {strides = array<i32>} : memref<128x128xf32, #tpu.memory_space<vmem>>, vector<16xf32>,
        tpu.vector_store %arg11[%swap3A_370, %swap3A_371], %mul3A_367 {strides = array<i32>} : memref<128x128xf32, #tpu.memory_space<vmem>>, vector<16xf32>,
        %add3A_373 = arith.constant 0 : i32
        %add3A_374 = arith.addi %mul3A_291, %add3A_373 : i32
        %get3A_375 = arith.index_cast %add3A_374 : i32 to index
        %get3A_376 = arith.constant 112 : index
        %get3A_377 = tpu.vector_load %arg11[%get3A_375, %get3A_376] {strides = array<i32>} : memref<128x128xf32, #tpu.memory_space<vmem>>, vector<16xf32>,
        %mul3A_378 = arith.mulf %get3A_377, %gather3A_295 : vector<16xf32>
        %add3A_379 = arith.constant 0 : i32
        %add3A_380 = arith.addi %mul3A_291, %add3A_379 : i32
        %swap3A_381 = arith.index_cast %add3A_380 : i32 to index
        %swap3A_382 = arith.constant 112 : index
        %swap3A_383 = tpu.vector_load %arg11[%swap3A_381, %swap3A_382] {strides = array<i32>} : memref<128x128xf32, #tpu.memory_space<vmem>>, vector<16xf32>,
        tpu.vector_store %arg11[%swap3A_381, %swap3A_382], %mul3A_378 {strides = array<i32>} : memref<128x128xf32, #tpu.memory_space<vmem>>, vector<16xf32>,
        %add3A_384 = arith.constant 1 : i32
        %add3A_385 = arith.addi %mul3A_291, %add3A_384 : i32
        %broadcast_in_dim3A_386 = vector.broadcast %add3A_385 : i32 to vector<16xi32>
        %gather3A_387 = tpu.vector_load_idx %arg12[%broadcast_in_dim3A_386] : memref<128xf32, #tpu.memory_space<vmem>>[vector<16xi32>], vector<16xf32>,
        %add3A_388 = arith.constant 1 : i32
        %add3A_389 = arith.addi %mul3A_291, %add3A_388 : i32
        %get3A_390 = arith.index_cast %add3A_389 : i32 to index
        %get3A_391 = arith.constant 0 : index
        %get3A_392 = tpu.vector_load %arg11[%get3A_390, %get3A_391] {strides = array<i32>} : memref<128x128xf32, #tpu.memory_space<vmem>>, vector<16xf32>,
        %mul3A_393 = arith.mulf %get3A_392, %gather3A_387 : vector<16xf32>
        %add3A_394 = arith.constant 1 : i32
        %add3A_395 = arith.addi %mul3A_291, %add3A_394 : i32
        %swap3A_396 = arith.index_cast %add3A_395 : i32 to index
        %swap3A_397 = arith.constant 0 : index
        %swap3A_398 = tpu.vector_load %arg11[%swap3A_396, %swap3A_397] {strides = array<i32>} : memref<128x128xf32, #tpu.memory_space<vmem>>, vector<16xf32>,
        tpu.vector_store %arg11[%swap3A_396, %swap3A_397], %mul3A_393 {strides = array<i32>} : memref<128x128xf32, #tpu.memory_space<vmem>>, vector<16xf32>,
        %add3A_399 = arith.constant 1 : i32
        %add3A_400 = arith.addi %mul3A_291, %add3A_399 : i32
        %get3A_401 = arith.index_cast %add3A_400 : i32 to index
        %get3A_402 = arith.constant 16 : index
        %get3A_403 = tpu.vector_load %arg11[%get3A_401, %get3A_402] {strides = array<i32>} : memref<128x128xf32, #tpu.memory_space<vmem>>, vector<16xf32>,
        %mul3A_404 = arith.mulf %get3A_403, %gather3A_387 : vector<16xf32>
        %add3A_405 = arith.constant 1 : i32
        %add3A_406 = arith.addi %mul3A_291, %add3A_405 : i32
        %swap3A_407 = arith.index_cast %add3A_406 : i32 to index
        %swap3A_408 = arith.constant 16 : index
        %swap3A_409 = tpu.vector_load %arg11[%swap3A_407, %swap3A_408] {strides = array<i32>} : memref<128x128xf32, #tpu.memory_space<vmem>>, vector<16xf32>,
        tpu.vector_store %arg11[%swap3A_407, %swap3A_408], %mul3A_404 {strides = array<i32>} : memref<128x128xf32, #tpu.memory_space<vmem>>, vector<16xf32>,
        %add3A_410 = arith.constant 1 : i32
        %add3A_411 = arith.addi %mul3A_291, %add3A_410 : i32
        %get3A_412 = arith.index_cast %add3A_411 : i32 to index
        %get3A_413 = arith.constant 32 : index
        %get3A_414 = tpu.vector_load %arg11[%get3A_412, %get3A_413] {strides = array<i32>} : memref<128x128xf32, #tpu.memory_space<vmem>>, vector<16xf32>,
        %mul3A_415 = arith.mulf %get3A_414, %gather3A_387 : vector<16xf32>
        %add3A_416 = arith.constant 1 : i32
        %add3A_417 = arith.addi %mul3A_291, %add3A_416 : i32
        %swap3A_418 = arith.index_cast %add3A_417 : i32 to index
        %swap3A_419 = arith.constant 32 : index
        %swap3A_420 = tpu.vector_load %arg11[%swap3A_418, %swap3A_419] {strides = array<i32>} : memref<128x128xf32, #tpu.memory_space<vmem>>, vector<16xf32>,
        tpu.vector_store %arg11[%swap3A_418, %swap3A_419], %mul3A_415 {strides = array<i32>} : memref<128x128xf32, #tpu.memory_space<vmem>>, vector<16xf32>,
        %add3A_421 = arith.constant 1 : i32
        %add3A_422 = arith.addi %mul3A_291, %add3A_421 : i32
        %get3A_423 = arith.index_cast %add3A_422 : i32 to index
        %get3A_424 = arith.constant 48 : index
        %get3A_425 = tpu.vector_load %arg11[%get3A_423, %get3A_424] {strides = array<i32>} : memref<128x128xf32, #tpu.memory_space<vmem>>, vector<16xf32>,
        %mul3A_426 = arith.mulf %get3A_425, %gather3A_387 : vector<16xf32>
        %add3A_427 = arith.constant 1 : i32
        %add3A_428 = arith.addi %mul3A_291, %add3A_427 : i32
        %swap3A_429 = arith.index_cast %add3A_428 : i32 to index
        %swap3A_430 = arith.constant 48 : index
        %swap3A_431 = tpu.vector_load %arg11[%swap3A_429, %swap3A_430] {strides = array<i32>} : memref<128x128xf32, #tpu.memory_space<vmem>>, vector<16xf32>,
        tpu.vector_store %arg11[%swap3A_429, %swap3A_430], %mul3A_426 {strides = array<i32>} : memref<128x128xf32, #tpu.memory_space<vmem>>, vector<16xf32>,
        %add3A_432 = arith.constant 1 : i32
        %add3A_433 = arith.addi %mul3A_291, %add3A_432 : i32
        %get3A_434 = arith.index_cast %add3A_433 : i32 to index
        %get3A_435 = arith.constant 64 : index
        %get3A_436 = tpu.vector_load %arg11[%get3A_434, %get3A_435] {strides = array<i32>} : memref<128x128xf32, #tpu.memory_space<vmem>>, vector<16xf32>,
        %mul3A_437 = arith.mulf %get3A_436, %gather3A_387 : vector<16xf32>
        %add3A_438 = arith.constant 1 : i32
        %add3A_439 = arith.addi %mul3A_291, %add3A_438 : i32
        %swap3A_440 = arith.index_cast %add3A_439 : i32 to index
        %swap3A_441 = arith.constant 64 : index
        %swap3A_442 = tpu.vector_load %arg11[%swap3A_440, %swap3A_441] {strides = array<i32>} : memref<128x128xf32, #tpu.memory_space<vmem>>, vector<16xf32>,
        tpu.vector_store %arg11[%swap3A_440, %swap3A_441], %mul3A_437 {strides = array<i32>} : memref<128x128xf32, #tpu.memory_space<vmem>>, vector<16xf32>,
        %add3A_443 = arith.constant 1 : i32
        %add3A_444 = arith.addi %mul3A_291, %add3A_443 : i32
        %get3A_445 = arith.index_cast %add3A_444 : i32 to index
        %get3A_446 = arith.constant 80 : index
        %get3A_447 = tpu.vector_load %arg11[%get3A_445, %get3A_446] {strides = array<i32>} : memref<128x128xf32, #tpu.memory_space<vmem>>, vector<16xf32>,
        %mul3A_448 = arith.mulf %get3A_447, %gather3A_387 : vector<16xf32>
        %add3A_449 = arith.constant 1 : i32
        %add3A_450 = arith.addi %mul3A_291, %add3A_449 : i32
        %swap3A_451 = arith.index_cast %add3A_450 : i32 to index
        %swap3A_452 = arith.constant 80 : index
        %swap3A_453 = tpu.vector_load %arg11[%swap3A_451, %swap3A_452] {strides = array<i32>} : memref<128x128xf32, #tpu.memory_space<vmem>>, vector<16xf32>,
        tpu.vector_store %arg11[%swap3A_451, %swap3A_452], %mul3A_448 {strides = array<i32>} : memref<128x128xf32, #tpu.memory_space<vmem>>, vector<16xf32>,
        %add3A_454 = arith.constant 1 : i32
        %add3A_455 = arith.addi %mul3A_291, %add3A_454 : i32
        %get3A_456 = arith.index_cast %add3A_455 : i32 to index
        %get3A_457 = arith.constant 96 : index
        %get3A_458 = tpu.vector_load %arg11[%get3A_456, %get3A_457] {strides = array<i32>} : memref<128x128xf32, #tpu.memory_space<vmem>>, vector<16xf32>,
        %mul3A_459 = arith.mulf %get3A_458, %gather3A_387 : vector<16xf32>
        %add3A_460 = arith.constant 1 : i32
        %add3A_461 = arith.addi %mul3A_291, %add3A_460 : i32
        %swap3A_462 = arith.index_cast %add3A_461 : i32 to index
        %swap3A_463 = arith.constant 96 : index
        %swap3A_464 = tpu.vector_load %arg11[%swap3A_462, %swap3A_463] {strides = array<i32>} : memref<128x128xf32, #tpu.memory_space<vmem>>, vector<16xf32>,
        tpu.vector_store %arg11[%swap3A_462, %swap3A_463], %mul3A_459 {strides = array<i32>} : memref<128x128xf32, #tpu.memory_space<vmem>>, vector<16xf32>,
        %add3A_465 = arith.constant 1 : i32
        %add3A_466 = arith.addi %mul3A_291, %add3A_465 : i32
        %get3A_467 = arith.index_cast %add3A_466 : i32 to index
        %get3A_468 = arith.constant 112 : index
        %get3A_469 = tpu.vector_load %arg11[%get3A_467, %get3A_468] {strides = array<i32>} : memref<128x128xf32, #tpu.memory_space<vmem>>, vector<16xf32>,
        %mul3A_470 = arith.mulf %get3A_469, %gather3A_387 : vector<16xf32>
        %add3A_471 = arith.constant 1 : i32
        %add3A_472 = arith.addi %mul3A_291, %add3A_471 : i32
        %swap3A_473 = arith.index_cast %add3A_472 : i32 to index
        %swap3A_474 = arith.constant 112 : index
        %swap3A_475 = tpu.vector_load %arg11[%swap3A_473, %swap3A_474] {strides = array<i32>} : memref<128x128xf32, #tpu.memory_space<vmem>>, vector<16xf32>,
        tpu.vector_store %arg11[%swap3A_473, %swap3A_474], %mul3A_470 {strides = array<i32>} : memref<128x128xf32, #tpu.memory_space<vmem>>, vector<16xf32>,
        %add3A_476 = arith.constant 2 : i32
        %add3A_477 = arith.addi %mul3A_291, %add3A_476 : i32
        %broadcast_in_dim3A_478 = vector.broadcast %add3A_477 : i32 to vector<16xi32>
        %gather3A_479 = tpu.vector_load_idx %arg12[%broadcast_in_dim3A_478] : memref<128xf32, #tpu.memory_space<vmem>>[vector<16xi32>], vector<16xf32>,
        %add3A_480 = arith.constant 2 : i32
        %add3A_481 = arith.addi %mul3A_291, %add3A_480 : i32
        %get3A_482 = arith.index_cast %add3A_481 : i32 to index
        %get3A_483 = arith.constant 0 : index
        %get3A_484 = tpu.vector_load %arg11[%get3A_482, %get3A_483] {strides = array<i32>} : memref<128x128xf32, #tpu.memory_space<vmem>>, vector<16xf32>,
        %mul3A_485 = arith.mulf %get3A_484, %gather3A_479 : vector<16xf32>
        %add3A_486 = arith.constant 2 : i32
        %add3A_487 = arith.addi %mul3A_291, %add3A_486 : i32
        %swap3A_488 = arith.index_cast %add3A_487 : i32 to index
        %swap3A_489 = arith.constant 0 : index
        %swap3A_490 = tpu.vector_load %arg11[%swap3A_488, %swap3A_489] {strides = array<i32>} : memref<128x128xf32, #tpu.memory_space<vmem>>, vector<16xf32>,
        tpu.vector_store %arg11[%swap3A_488, %swap3A_489], %mul3A_485 {strides = array<i32>} : memref<128x128xf32, #tpu.memory_space<vmem>>, vector<16xf32>,
        %add3A_491 = arith.constant 2 : i32
        %add3A_492 = arith.addi %mul3A_291, %add3A_491 : i32
        %get3A_493 = arith.index_cast %add3A_492 : i32 to index
        %get3A_494 = arith.constant 16 : index
        %get3A_495 = tpu.vector_load %arg11[%get3A_493, %get3A_494] {strides = array<i32>} : memref<128x128xf32, #tpu.memory_space<vmem>>, vector<16xf32>,
        %mul3A_496 = arith.mulf %get3A_495, %gather3A_479 : vector<16xf32>
        %add3A_497 = arith.constant 2 : i32
        %add3A_498 = arith.addi %mul3A_291, %add3A_497 : i32
        %swap3A_499 = arith.index_cast %add3A_498 : i32 to index
        %swap3A_500 = arith.constant 16 : index
        %swap3A_501 = tpu.vector_load %arg11[%swap3A_499, %swap3A_500] {strides = array<i32>} : memref<128x128xf32, #tpu.memory_space<vmem>>, vector<16xf32>,
        tpu.vector_store %arg11[%swap3A_499, %swap3A_500], %mul3A_496 {strides = array<i32>} : memref<128x128xf32, #tpu.memory_space<vmem>>, vector<16xf32>,
        %add3A_502 = arith.constant 2 : i32
        %add3A_503 = arith.addi %mul3A_291, %add3A_502 : i32
        %get3A_504 = arith.index_cast %add3A_503 : i32 to index
        %get3A_505 = arith.constant 32 : index
        %get3A_506 = tpu.vector_load %arg11[%get3A_504, %get3A_505] {strides = array<i32>} : memref<128x128xf32, #tpu.memory_space<vmem>>, vector<16xf32>,
        %mul3A_507 = arith.mulf %get3A_506, %gather3A_479 : vector<16xf32>
        %add3A_508 = arith.constant 2 : i32
        %add3A_509 = arith.addi %mul3A_291, %add3A_508 : i32
        %swap3A_510 = arith.index_cast %add3A_509 : i32 to index
        %swap3A_511 = arith.constant 32 : index
        %swap3A_512 = tpu.vector_load %arg11[%swap3A_510, %swap3A_511] {strides = array<i32>} : memref<128x128xf32, #tpu.memory_space<vmem>>, vector<16xf32>,
        tpu.vector_store %arg11[%swap3A_510, %swap3A_511], %mul3A_507 {strides = array<i32>} : memref<128x128xf32, #tpu.memory_space<vmem>>, vector<16xf32>,
        %add3A_513 = arith.constant 2 : i32
        %add3A_514 = arith.addi %mul3A_291, %add3A_513 : i32
        %get3A_515 = arith.index_cast %add3A_514 : i32 to index
        %get3A_516 = arith.constant 48 : index
        %get3A_517 = tpu.vector_load %arg11[%get3A_515, %get3A_516] {strides = array<i32>} : memref<128x128xf32, #tpu.memory_space<vmem>>, vector<16xf32>,
        %mul3A_518 = arith.mulf %get3A_517, %gather3A_479 : vector<16xf32>
        %add3A_519 = arith.constant 2 : i32
        %add3A_520 = arith.addi %mul3A_291, %add3A_519 : i32
        %swap3A_521 = arith.index_cast %add3A_520 : i32 to index
        %swap3A_522 = arith.constant 48 : index
        %swap3A_523 = tpu.vector_load %arg11[%swap3A_521, %swap3A_522] {strides = array<i32>} : memref<128x128xf32, #tpu.memory_space<vmem>>, vector<16xf32>,
        tpu.vector_store %arg11[%swap3A_521, %swap3A_522], %mul3A_518 {strides = array<i32>} : memref<128x128xf32, #tpu.memory_space<vmem>>, vector<16xf32>,
        %add3A_524 = arith.constant 2 : i32
        %add3A_525 = arith.addi %mul3A_291, %add3A_524 : i32
        %get3A_526 = arith.index_cast %add3A_525 : i32 to index
        %get3A_527 = arith.constant 64 : index
        %get3A_528 = tpu.vector_load %arg11[%get3A_526, %get3A_527] {strides = array<i32>} : memref<128x128xf32, #tpu.memory_space<vmem>>, vector<16xf32>,
        %mul3A_529 = arith.mulf %get3A_528, %gather3A_479 : vector<16xf32>
        %add3A_530 = arith.constant 2 : i32
        %add3A_531 = arith.addi %mul3A_291, %add3A_530 : i32
        %swap3A_532 = arith.index_cast %add3A_531 : i32 to index
        %swap3A_533 = arith.constant 64 : index
        %swap3A_534 = tpu.vector_load %arg11[%swap3A_532, %swap3A_533] {strides = array<i32>} : memref<128x128xf32, #tpu.memory_space<vmem>>, vector<16xf32>,
        tpu.vector_store %arg11[%swap3A_532, %swap3A_533], %mul3A_529 {strides = array<i32>} : memref<128x128xf32, #tpu.memory_space<vmem>>, vector<16xf32>,
        %add3A_535 = arith.constant 2 : i32
        %add3A_536 = arith.addi %mul3A_291, %add3A_535 : i32
        %get3A_537 = arith.index_cast %add3A_536 : i32 to index
        %get3A_538 = arith.constant 80 : index
        %get3A_539 = tpu.vector_load %arg11[%get3A_537, %get3A_538] {strides = array<i32>} : memref<128x128xf32, #tpu.memory_space<vmem>>, vector<16xf32>,
        %mul3A_540 = arith.mulf %get3A_539, %gather3A_479 : vector<16xf32>
        %add3A_541 = arith.constant 2 : i32
        %add3A_542 = arith.addi %mul3A_291, %add3A_541 : i32
        %swap3A_543 = arith.index_cast %add3A_542 : i32 to index
        %swap3A_544 = arith.constant 80 : index
        %swap3A_545 = tpu.vector_load %arg11[%swap3A_543, %swap3A_544] {strides = array<i32>} : memref<128x128xf32, #tpu.memory_space<vmem>>, vector<16xf32>,
        tpu.vector_store %arg11[%swap3A_543, %swap3A_544], %mul3A_540 {strides = array<i32>} : memref<128x128xf32, #tpu.memory_space<vmem>>, vector<16xf32>,
        %add3A_546 = arith.constant 2 : i32
        %add3A_547 = arith.addi %mul3A_291, %add3A_546 : i32
        %get3A_548 = arith.index_cast %add3A_547 : i32 to index
        %get3A_549 = arith.constant 96 : index
        %get3A_550 = tpu.vector_load %arg11[%get3A_548, %get3A_549] {strides = array<i32>} : memref<128x128xf32, #tpu.memory_space<vmem>>, vector<16xf32>,
        %mul3A_551 = arith.mulf %get3A_550, %gather3A_479 : vector<16xf32>
        %add3A_552 = arith.constant 2 : i32
        %add3A_553 = arith.addi %mul3A_291, %add3A_552 : i32
        %swap3A_554 = arith.index_cast %add3A_553 : i32 to index
        %swap3A_555 = arith.constant 96 : index
        %swap3A_556 = tpu.vector_load %arg11[%swap3A_554, %swap3A_555] {strides = array<i32>} : memref<128x128xf32, #tpu.memory_space<vmem>>, vector<16xf32>,
        tpu.vector_store %arg11[%swap3A_554, %swap3A_555], %mul3A_551 {strides = array<i32>} : memref<128x128xf32, #tpu.memory_space<vmem>>, vector<16xf32>,
        %add3A_557 = arith.constant 2 : i32
        %add3A_558 = arith.addi %mul3A_291, %add3A_557 : i32
        %get3A_559 = arith.index_cast %add3A_558 : i32 to index
        %get3A_560 = arith.constant 112 : index
        %get3A_561 = tpu.vector_load %arg11[%get3A_559, %get3A_560] {strides = array<i32>} : memref<128x128xf32, #tpu.memory_space<vmem>>, vector<16xf32>,
        %mul3A_562 = arith.mulf %get3A_561, %gather3A_479 : vector<16xf32>
        %add3A_563 = arith.constant 2 : i32
        %add3A_564 = arith.addi %mul3A_291, %add3A_563 : i32
        %swap3A_565 = arith.index_cast %add3A_564 : i32 to index
        %swap3A_566 = arith.constant 112 : index
        %swap3A_567 = tpu.vector_load %arg11[%swap3A_565, %swap3A_566] {strides = array<i32>} : memref<128x128xf32, #tpu.memory_space<vmem>>, vector<16xf32>,
        tpu.vector_store %arg11[%swap3A_565, %swap3A_566], %mul3A_562 {strides = array<i32>} : memref<128x128xf32, #tpu.memory_space<vmem>>, vector<16xf32>,
        %add3A_568 = arith.constant 3 : i32
        %add3A_569 = arith.addi %mul3A_291, %add3A_568 : i32
        %broadcast_in_dim3A_570 = vector.broadcast %add3A_569 : i32 to vector<16xi32>
        %gather3A_571 = tpu.vector_load_idx %arg12[%broadcast_in_dim3A_570] : memref<128xf32, #tpu.memory_space<vmem>>[vector<16xi32>], vector<16xf32>,
        %add3A_572 = arith.constant 3 : i32
        %add3A_573 = arith.addi %mul3A_291, %add3A_572 : i32
        %get3A_574 = arith.index_cast %add3A_573 : i32 to index
        %get3A_575 = arith.constant 0 : index
        %get3A_576 = tpu.vector_load %arg11[%get3A_574, %get3A_575] {strides = array<i32>} : memref<128x128xf32, #tpu.memory_space<vmem>>, vector<16xf32>,
        %mul3A_577 = arith.mulf %get3A_576, %gather3A_571 : vector<16xf32>
        %add3A_578 = arith.constant 3 : i32
        %add3A_579 = arith.addi %mul3A_291, %add3A_578 : i32
        %swap3A_580 = arith.index_cast %add3A_579 : i32 to index
        %swap3A_581 = arith.constant 0 : index
        %swap3A_582 = tpu.vector_load %arg11[%swap3A_580, %swap3A_581] {strides = array<i32>} : memref<128x128xf32, #tpu.memory_space<vmem>>, vector<16xf32>,
        tpu.vector_store %arg11[%swap3A_580, %swap3A_581], %mul3A_577 {strides = array<i32>} : memref<128x128xf32, #tpu.memory_space<vmem>>, vector<16xf32>,
        %add3A_583 = arith.constant 3 : i32
        %add3A_584 = arith.addi %mul3A_291, %add3A_583 : i32
        %get3A_585 = arith.index_cast %add3A_584 : i32 to index
        %get3A_586 = arith.constant 16 : index
        %get3A_587 = tpu.vector_load %arg11[%get3A_585, %get3A_586] {strides = array<i32>} : memref<128x128xf32, #tpu.memory_space<vmem>>, vector<16xf32>,
        %mul3A_588 = arith.mulf %get3A_587, %gather3A_571 : vector<16xf32>
        %add3A_589 = arith.constant 3 : i32
        %add3A_590 = arith.addi %mul3A_291, %add3A_589 : i32
        %swap3A_591 = arith.index_cast %add3A_590 : i32 to index
        %swap3A_592 = arith.constant 16 : index
        %swap3A_593 = tpu.vector_load %arg11[%swap3A_591, %swap3A_592] {strides = array<i32>} : memref<128x128xf32, #tpu.memory_space<vmem>>, vector<16xf32>,
        tpu.vector_store %arg11[%swap3A_591, %swap3A_592], %mul3A_588 {strides = array<i32>} : memref<128x128xf32, #tpu.memory_space<vmem>>, vector<16xf32>,
        %add3A_594 = arith.constant 3 : i32
        %add3A_595 = arith.addi %mul3A_291, %add3A_594 : i32
        %get3A_596 = arith.index_cast %add3A_595 : i32 to index
        %get3A_597 = arith.constant 32 : index
        %get3A_598 = tpu.vector_load %arg11[%get3A_596, %get3A_597] {strides = array<i32>} : memref<128x128xf32, #tpu.memory_space<vmem>>, vector<16xf32>,
        %mul3A_599 = arith.mulf %get3A_598, %gather3A_571 : vector<16xf32>
        %add3A_600 = arith.constant 3 : i32
        %add3A_601 = arith.addi %mul3A_291, %add3A_600 : i32
        %swap3A_602 = arith.index_cast %add3A_601 : i32 to index
        %swap3A_603 = arith.constant 32 : index
        %swap3A_604 = tpu.vector_load %arg11[%swap3A_602, %swap3A_603] {strides = array<i32>} : memref<128x128xf32, #tpu.memory_space<vmem>>, vector<16xf32>,
        tpu.vector_store %arg11[%swap3A_602, %swap3A_603], %mul3A_599 {strides = array<i32>} : memref<128x128xf32, #tpu.memory_space<vmem>>, vector<16xf32>,
        %add3A_605 = arith.constant 3 : i32
        %add3A_606 = arith.addi %mul3A_291, %add3A_605 : i32
        %get3A_607 = arith.index_cast %add3A_606 : i32 to index
        %get3A_608 = arith.constant 48 : index
        %get3A_609 = tpu.vector_load %arg11[%get3A_607, %get3A_608] {strides = array<i32>} : memref<128x128xf32, #tpu.memory_space<vmem>>, vector<16xf32>,
        %mul3A_610 = arith.mulf %get3A_609, %gather3A_571 : vector<16xf32>
        %add3A_611 = arith.constant 3 : i32
        %add3A_612 = arith.addi %mul3A_291, %add3A_611 : i32
        %swap3A_613 = arith.index_cast %add3A_612 : i32 to index
        %swap3A_614 = arith.constant 48 : index
        %swap3A_615 = tpu.vector_load %arg11[%swap3A_613, %swap3A_614] {strides = array<i32>} : memref<128x128xf32, #tpu.memory_space<vmem>>, vector<16xf32>,
        tpu.vector_store %arg11[%swap3A_613, %swap3A_614], %mul3A_610 {strides = array<i32>} : memref<128x128xf32, #tpu.memory_space<vmem>>, vector<16xf32>,
        %add3A_616 = arith.constant 3 : i32
        %add3A_617 = arith.addi %mul3A_291, %add3A_616 : i32
        %get3A_618 = arith.index_cast %add3A_617 : i32 to index
        %get3A_619 = arith.constant 64 : index
        %get3A_620 = tpu.vector_load %arg11[%get3A_618, %get3A_619] {strides = array<i32>} : memref<128x128xf32, #tpu.memory_space<vmem>>, vector<16xf32>,
        %mul3A_621 = arith.mulf %get3A_620, %gather3A_571 : vector<16xf32>
        %add3A_622 = arith.constant 3 : i32
        %add3A_623 = arith.addi %mul3A_291, %add3A_622 : i32
        %swap3A_624 = arith.index_cast %add3A_623 : i32 to index
        %swap3A_625 = arith.constant 64 : index
        %swap3A_626 = tpu.vector_load %arg11[%swap3A_624, %swap3A_625] {strides = array<i32>} : memref<128x128xf32, #tpu.memory_space<vmem>>, vector<16xf32>,
        tpu.vector_store %arg11[%swap3A_624, %swap3A_625], %mul3A_621 {strides = array<i32>} : memref<128x128xf32, #tpu.memory_space<vmem>>, vector<16xf32>,
        %add3A_627 = arith.constant 3 : i32
        %add3A_628 = arith.addi %mul3A_291, %add3A_627 : i32
        %get3A_629 = arith.index_cast %add3A_628 : i32 to index
        %get3A_630 = arith.constant 80 : index
        %get3A_631 = tpu.vector_load %arg11[%get3A_629, %get3A_630] {strides = array<i32>} : memref<128x128xf32, #tpu.memory_space<vmem>>, vector<16xf32>,
        %mul3A_632 = arith.mulf %get3A_631, %gather3A_571 : vector<16xf32>
        %add3A_633 = arith.constant 3 : i32
        %add3A_634 = arith.addi %mul3A_291, %add3A_633 : i32
        %swap3A_635 = arith.index_cast %add3A_634 : i32 to index
        %swap3A_636 = arith.constant 80 : index
        %swap3A_637 = tpu.vector_load %arg11[%swap3A_635, %swap3A_636] {strides = array<i32>} : memref<128x128xf32, #tpu.memory_space<vmem>>, vector<16xf32>,
        tpu.vector_store %arg11[%swap3A_635, %swap3A_636], %mul3A_632 {strides = array<i32>} : memref<128x128xf32, #tpu.memory_space<vmem>>, vector<16xf32>,
        %add3A_638 = arith.constant 3 : i32
        %add3A_639 = arith.addi %mul3A_291, %add3A_638 : i32
        %get3A_640 = arith.index_cast %add3A_639 : i32 to index
        %get3A_641 = arith.constant 96 : index
        %get3A_642 = tpu.vector_load %arg11[%get3A_640, %get3A_641] {strides = array<i32>} : memref<128x128xf32, #tpu.memory_space<vmem>>, vector<16xf32>,
        %mul3A_643 = arith.mulf %get3A_642, %gather3A_571 : vector<16xf32>
        %add3A_644 = arith.constant 3 : i32
        %add3A_645 = arith.addi %mul3A_291, %add3A_644 : i32
        %swap3A_646 = arith.index_cast %add3A_645 : i32 to index
        %swap3A_647 = arith.constant 96 : index
        %swap3A_648 = tpu.vector_load %arg11[%swap3A_646, %swap3A_647] {strides = array<i32>} : memref<128x128xf32, #tpu.memory_space<vmem>>, vector<16xf32>,
        tpu.vector_store %arg11[%swap3A_646, %swap3A_647], %mul3A_643 {strides = array<i32>} : memref<128x128xf32, #tpu.memory_space<vmem>>, vector<16xf32>,
        %add3A_649 = arith.constant 3 : i32
        %add3A_650 = arith.addi %mul3A_291, %add3A_649 : i32
        %get3A_651 = arith.index_cast %add3A_650 : i32 to index
        %get3A_652 = arith.constant 112 : index
        %get3A_653 = tpu.vector_load %arg11[%get3A_651, %get3A_652] {strides = array<i32>} : memref<128x128xf32, #tpu.memory_space<vmem>>, vector<16xf32>,
        %mul3A_654 = arith.mulf %get3A_653, %gather3A_571 : vector<16xf32>
        %add3A_655 = arith.constant 3 : i32
        %add3A_656 = arith.addi %mul3A_291, %add3A_655 : i32
        %swap3A_657 = arith.index_cast %add3A_656 : i32 to index
        %swap3A_658 = arith.constant 112 : index
        %swap3A_659 = tpu.vector_load %arg11[%swap3A_657, %swap3A_658] {strides = array<i32>} : memref<128x128xf32, #tpu.memory_space<vmem>>, vector<16xf32>,
        tpu.vector_store %arg11[%swap3A_657, %swap3A_658], %mul3A_654 {strides = array<i32>} : memref<128x128xf32, #tpu.memory_space<vmem>>, vector<16xf32>,
      }
      %run_scoped3A_286 = arith.constant 1 : i32
      "tpu.region"() ({
        %run_scoped3A_287 = tpu.sem_alloc : memref<!tpu.dma_semaphore, #tpu.memory_space<semaphore_mem>>
        %dma_start3A_288 = arith.constant 0 : i32
        %dma_start3A_289 = tpu.memref_slice %arg9[%run_scoped3A_286, %dma_start3A_288] : memref<2x128xi32, #tpu.memory_space<vmem>> -> memref<1x128xi32, #tpu.memory_space<vmem>>
        %dma_start3A_290 = tpu.memref_squeeze %dma_start3A_289 : memref<1x128xi32, #tpu.memory_space<vmem>> -> memref<128xi32, #tpu.memory_space<vmem>>
        %dma_start3A_291 = arith.constant 0 : i32
        %dma_start3A_292 = arith.constant 0 : i32
        %dma_start3A_293 = tpu.memref_slice %arg13[%dma_start3A_291, %dma_start3A_292] : memref<10112x128xf32, #tpu.memory_space<vmem_shared>> -> memref<10112x128xf32, #tpu.memory_space<vmem_shared>>
        tpu.enqueue_indirect_dma source(%arg11 : memref<128x128xf32, #tpu.memory_space<vmem>>) target(%dma_start3A_293 : memref<10112x128xf32, #tpu.memory_space<vmem_shared>>) offsets(%dma_start3A_290 : memref<128xi32, #tpu.memory_space<vmem>>) semaphore(%run_scoped3A_287 : memref<!tpu.dma_semaphore, #tpu.memory_space<semaphore_mem>>) {add = true}
        %dma_wait3A_294 = arith.constant 0 : i32
        %dma_wait3A_295 = tpu.memref_slice %arg9[%run_scoped3A_286, %dma_wait3A_294] : memref<2x128xi32, #tpu.memory_space<vmem>> -> memref<1x128xi32, #tpu.memory_space<vmem>>
        %dma_wait3A_296 = tpu.memref_squeeze %dma_wait3A_295 : memref<1x128xi32, #tpu.memory_space<vmem>> -> memref<128xi32, #tpu.memory_space<vmem>>
        %dma_wait3A_297 = arith.constant 0 : i32
        %dma_wait3A_298 = arith.constant 0 : i32
        %dma_wait3A_299 = tpu.memref_slice %arg13[%dma_wait3A_297, %dma_wait3A_298] : memref<10112x128xf32, #tpu.memory_space<vmem_shared>> -> memref<10112x128xf32, #tpu.memory_space<vmem_shared>>
        tpu.wait_indirect_dma semaphore(%run_scoped3A_287 : memref<!tpu.dma_semaphore, #tpu.memory_space<semaphore_mem>>) src(%arg11 : memref<128x128xf32, #tpu.memory_space<vmem>>) dst(%dma_wait3A_299 : memref<10112x128xf32, #tpu.memory_space<vmem_shared>>)
        tpu.yield
      }) : () -> ()
    }
    %while3A_83 = arith.constant 1 : i32
    scf.for %while3A_89 = %while3A_81 to %while3A_77 step %while3A_83  : i32 {
      %mul3A_90 = arith.muli %while3A_89, %while3A_73 : i32
      %add3A_91 = arith.addi %while3A_74, %mul3A_90 : i32
      "tpu.region"() ({
        %run_scoped3A_287 = tpu.sem_alloc : memref<!tpu.dma_semaphore, #tpu.memory_space<semaphore_mem>>
        %dma_start3A_288 = arith.constant 0 : i32
        %dma_start3A_289 = arith.constant 0 : i32
        %dma_start3A_290 = tpu.memref_slice %arg4[%add3A, %add3A_91, %dma_start3A_288, %dma_start3A_289] : memref<32x81x2x128xi32, #tpu.memory_space<hbm>> -> memref<1x1x2x128xi32, #tpu.memory_space<hbm>>
        %dma_start3A_291 = tpu.memref_squeeze %dma_start3A_290 : memref<1x1x2x128xi32, #tpu.memory_space<hbm>> -> memref<2x128xi32, #tpu.memory_space<hbm>>
        %dma_start3A_292 = arith.constant 0 : i32
        %dma_start3A_293 = arith.constant 0 : i32
        %dma_start3A_294 = tpu.memref_slice %arg4[%add3A, %add3A_91, %dma_start3A_292, %dma_start3A_293] : memref<32x81x2x128xi32, #tpu.memory_space<hbm>> -> memref<1x1x2x128xi32, #tpu.memory_space<hbm>>
        %dma_start3A_295 = tpu.memref_squeeze %dma_start3A_294 : memref<1x1x2x128xi32, #tpu.memory_space<hbm>> -> memref<2x128xi32, #tpu.memory_space<hbm>>
        tpu.enqueue_dma source(%dma_start3A_295 : memref<2x128xi32, #tpu.memory_space<hbm>>) target(%arg9 : memref<2x128xi32, #tpu.memory_space<vmem>>) target_semaphore(%run_scoped3A_287 : memref<!tpu.dma_semaphore, #tpu.memory_space<semaphore_mem>>)
        %dma_wait3A_296 = arith.constant 0 : i32
        %dma_wait3A_297 = arith.constant 0 : i32
        %dma_wait3A_298 = tpu.memref_slice %arg4[%add3A, %add3A_91, %dma_wait3A_296, %dma_wait3A_297] : memref<32x81x2x128xi32, #tpu.memory_space<hbm>> -> memref<1x1x2x128xi32, #tpu.memory_space<hbm>>
        %dma_wait3A_299 = tpu.memref_squeeze %dma_wait3A_298 : memref<1x1x2x128xi32, #tpu.memory_space<hbm>> -> memref<2x128xi32, #tpu.memory_space<hbm>>
        %dma_wait3A_300 = arith.constant 0 : i32
        %dma_wait3A_301 = arith.constant 0 : i32
        %dma_wait3A_302 = tpu.memref_slice %arg4[%add3A, %add3A_91, %dma_wait3A_300, %dma_wait3A_301] : memref<32x81x2x128xi32, #tpu.memory_space<hbm>> -> memref<1x1x2x128xi32, #tpu.memory_space<hbm>>
        %dma_wait3A_303 = tpu.memref_squeeze %dma_wait3A_302 : memref<1x1x2x128xi32, #tpu.memory_space<hbm>> -> memref<2x128xi32, #tpu.memory_space<hbm>>
        tpu.wait_dma2 semaphore(%run_scoped3A_287 : memref<!tpu.dma_semaphore, #tpu.memory_space<semaphore_mem>>) src(%dma_wait3A_303 : memref<2x128xi32, #tpu.memory_space<hbm>>) dst(%arg9 : memref<2x128xi32, #tpu.memory_space<vmem>>)
        tpu.yield
      }) : () -> ()
      %dma_start3A = arith.constant 0 : i32
      %dma_start3A_92 = arith.constant 0 : i32
      %dma_start3A_93 = tpu.memref_slice %arg9[%dma_start3A, %dma_start3A_92] : memref<2x128xi32, #tpu.memory_space<vmem>> -> memref<1x128xi32, #tpu.memory_space<vmem>>
      %dma_start3A_94 = tpu.memref_squeeze %dma_start3A_93 : memref<1x128xi32, #tpu.memory_space<vmem>> -> memref<128xi32, #tpu.memory_space<vmem>>
      %dma_start3A_95 = arith.constant 0 : i32
      %dma_start3A_96 = arith.constant 0 : i32
      %dma_start3A_97 = tpu.memref_slice %arg2[%dma_start3A_95, %dma_start3A_96] : memref<10000x128xf32, #tpu.memory_space<hbm>> -> memref<10000x128xf32, #tpu.memory_space<hbm>>
      tpu.enqueue_indirect_dma source(%dma_start3A_97 : memref<10000x128xf32, #tpu.memory_space<hbm>>) target(%arg11 : memref<128x128xf32, #tpu.memory_space<vmem>>) offsets(%dma_start3A_94 : memref<128xi32, #tpu.memory_space<vmem>>) semaphore(%arg14 : memref<!tpu.dma_semaphore, #tpu.memory_space<semaphore_mem>>)
      %get3A = arith.constant 0 : i64
      %get3A_98 = arith.index_cast %get3A : i64 to index
      %get3A_99 = arith.constant 0 : index
      %get3A_100 = tpu.vector_load %arg9[%get3A_98, %get3A_99] {strides = array<i32>} : memref<2x128xi32, #tpu.memory_space<vmem>>, vector<16xi32>,
      %get3A_101 = arith.constant 1 : i64
      %get3A_102 = arith.index_cast %get3A_101 : i64 to index
      %get3A_103 = arith.constant 0 : index
      %get3A_104 = tpu.vector_load %arg9[%get3A_102, %get3A_103] {strides = array<i32>} : memref<2x128xi32, #tpu.memory_space<vmem>>, vector<16xi32>,
      %gather3A = tpu.vector_load_idx %arg7[%get3A_100] : memref<10112xf32, #tpu.memory_space<vmem>>[vector<16xi32>], vector<16xf32>,
      %gather3A_105 = tpu.vector_load_idx %arg8[%get3A_104] : memref<10112xf32, #tpu.memory_space<vmem>>[vector<16xi32>], vector<16xf32>,
      %add3A_106 = arith.addf %gather3A, %gather3A_105 : vector<16xf32>
      %ge3A = arith.constant 0.000000e+00 : f32
      %ge3A_107 = vector.broadcast %ge3A : f32 to vector<16xf32>
      %ge3A_108 = arith.cmpf oge, %add3A_106, %ge3A_107 : vector<16xf32>
      %mul3A_109 = arith.constant 2.000000e-01 : f32
      %mul3A_110 = vector.broadcast %mul3A_109 : f32 to vector<16xf32>
      %mul3A_111 = arith.mulf %mul3A_110, %add3A_106 : vector<16xf32>
      %select_n3A = arith.select %ge3A_108, %add3A_106, %mul3A_111 : vector<16xi1>, vector<16xf32>
      %exp3A = math.exp %select_n3A : vector<16xf32>
      tpu.vector_store_idx %arg10[%get3A_104], %exp3A {add = true} : memref<10112xf32, #tpu.memory_space<vmem>>[vector<16xi32>], vector<16xf32>,
      %swap3A = arith.constant 0 : index
      %swap3A_112 = tpu.vector_load %arg12[%swap3A] {strides = array<i32>} : memref<128xf32, #tpu.memory_space<vmem>>, vector<16xf32>,
      tpu.vector_store %arg12[%swap3A], %exp3A {strides = array<i32>} : memref<128xf32, #tpu.memory_space<vmem>>, vector<16xf32>,
      %get3A_113 = arith.constant 0 : i64
      %get3A_114 = arith.index_cast %get3A_113 : i64 to index
      %get3A_115 = arith.constant 16 : index
      %get3A_116 = tpu.vector_load %arg9[%get3A_114, %get3A_115] {strides = array<i32>} : memref<2x128xi32, #tpu.memory_space<vmem>>, vector<16xi32>,
      %get3A_117 = arith.constant 1 : i64
      %get3A_118 = arith.index_cast %get3A_117 : i64 to index
      %get3A_119 = arith.constant 16 : index
      %get3A_120 = tpu.vector_load %arg9[%get3A_118, %get3A_119] {strides = array<i32>} : memref<2x128xi32, #tpu.memory_space<vmem>>, vector<16xi32>,
      %gather3A_121 = tpu.vector_load_idx %arg7[%get3A_116] : memref<10112xf32, #tpu.memory_space<vmem>>[vector<16xi32>], vector<16xf32>,
      %gather3A_122 = tpu.vector_load_idx %arg8[%get3A_120] : memref<10112xf32, #tpu.memory_space<vmem>>[vector<16xi32>], vector<16xf32>,
      %add3A_123 = arith.addf %gather3A_121, %gather3A_122 : vector<16xf32>
      %ge3A_124 = arith.constant 0.000000e+00 : f32
      %ge3A_125 = vector.broadcast %ge3A_124 : f32 to vector<16xf32>
      %ge3A_126 = arith.cmpf oge, %add3A_123, %ge3A_125 : vector<16xf32>
      %mul3A_127 = arith.constant 2.000000e-01 : f32
      %mul3A_128 = vector.broadcast %mul3A_127 : f32 to vector<16xf32>
      %mul3A_129 = arith.mulf %mul3A_128, %add3A_123 : vector<16xf32>
      %select_n3A_130 = arith.select %ge3A_126, %add3A_123, %mul3A_129 : vector<16xi1>, vector<16xf32>
      %exp3A_131 = math.exp %select_n3A_130 : vector<16xf32>
      tpu.vector_store_idx %arg10[%get3A_120], %exp3A_131 {add = true} : memref<10112xf32, #tpu.memory_space<vmem>>[vector<16xi32>], vector<16xf32>,
      %swap3A_132 = arith.constant 16 : index
      %swap3A_133 = tpu.vector_load %arg12[%swap3A_132] {strides = array<i32>} : memref<128xf32, #tpu.memory_space<vmem>>, vector<16xf32>,
      tpu.vector_store %arg12[%swap3A_132], %exp3A_131 {strides = array<i32>} : memref<128xf32, #tpu.memory_space<vmem>>, vector<16xf32>,
      %get3A_134 = arith.constant 0 : i64
      %get3A_135 = arith.index_cast %get3A_134 : i64 to index
      %get3A_136 = arith.constant 32 : index
      %get3A_137 = tpu.vector_load %arg9[%get3A_135, %get3A_136] {strides = array<i32>} : memref<2x128xi32, #tpu.memory_space<vmem>>, vector<16xi32>,
      %get3A_138 = arith.constant 1 : i64
      %get3A_139 = arith.index_cast %get3A_138 : i64 to index
      %get3A_140 = arith.constant 32 : index
      %get3A_141 = tpu.vector_load %arg9[%get3A_139, %get3A_140] {strides = array<i32>} : memref<2x128xi32, #tpu.memory_space<vmem>>, vector<16xi32>,
      %gather3A_142 = tpu.vector_load_idx %arg7[%get3A_137] : memref<10112xf32, #tpu.memory_space<vmem>>[vector<16xi32>], vector<16xf32>,
      %gather3A_143 = tpu.vector_load_idx %arg8[%get3A_141] : memref<10112xf32, #tpu.memory_space<vmem>>[vector<16xi32>], vector<16xf32>,
      %add3A_144 = arith.addf %gather3A_142, %gather3A_143 : vector<16xf32>
      %ge3A_145 = arith.constant 0.000000e+00 : f32
      %ge3A_146 = vector.broadcast %ge3A_145 : f32 to vector<16xf32>
      %ge3A_147 = arith.cmpf oge, %add3A_144, %ge3A_146 : vector<16xf32>
      %mul3A_148 = arith.constant 2.000000e-01 : f32
      %mul3A_149 = vector.broadcast %mul3A_148 : f32 to vector<16xf32>
      %mul3A_150 = arith.mulf %mul3A_149, %add3A_144 : vector<16xf32>
      %select_n3A_151 = arith.select %ge3A_147, %add3A_144, %mul3A_150 : vector<16xi1>, vector<16xf32>
      %exp3A_152 = math.exp %select_n3A_151 : vector<16xf32>
      tpu.vector_store_idx %arg10[%get3A_141], %exp3A_152 {add = true} : memref<10112xf32, #tpu.memory_space<vmem>>[vector<16xi32>], vector<16xf32>,
      %swap3A_153 = arith.constant 32 : index
      %swap3A_154 = tpu.vector_load %arg12[%swap3A_153] {strides = array<i32>} : memref<128xf32, #tpu.memory_space<vmem>>, vector<16xf32>,
      tpu.vector_store %arg12[%swap3A_153], %exp3A_152 {strides = array<i32>} : memref<128xf32, #tpu.memory_space<vmem>>, vector<16xf32>,
      %get3A_155 = arith.constant 0 : i64
      %get3A_156 = arith.index_cast %get3A_155 : i64 to index
      %get3A_157 = arith.constant 48 : index
      %get3A_158 = tpu.vector_load %arg9[%get3A_156, %get3A_157] {strides = array<i32>} : memref<2x128xi32, #tpu.memory_space<vmem>>, vector<16xi32>,
      %get3A_159 = arith.constant 1 : i64
      %get3A_160 = arith.index_cast %get3A_159 : i64 to index
      %get3A_161 = arith.constant 48 : index
      %get3A_162 = tpu.vector_load %arg9[%get3A_160, %get3A_161] {strides = array<i32>} : memref<2x128xi32, #tpu.memory_space<vmem>>, vector<16xi32>,
      %gather3A_163 = tpu.vector_load_idx %arg7[%get3A_158] : memref<10112xf32, #tpu.memory_space<vmem>>[vector<16xi32>], vector<16xf32>,
      %gather3A_164 = tpu.vector_load_idx %arg8[%get3A_162] : memref<10112xf32, #tpu.memory_space<vmem>>[vector<16xi32>], vector<16xf32>,
      %add3A_165 = arith.addf %gather3A_163, %gather3A_164 : vector<16xf32>
      %ge3A_166 = arith.constant 0.000000e+00 : f32
      %ge3A_167 = vector.broadcast %ge3A_166 : f32 to vector<16xf32>
      %ge3A_168 = arith.cmpf oge, %add3A_165, %ge3A_167 : vector<16xf32>
      %mul3A_169 = arith.constant 2.000000e-01 : f32
      %mul3A_170 = vector.broadcast %mul3A_169 : f32 to vector<16xf32>
      %mul3A_171 = arith.mulf %mul3A_170, %add3A_165 : vector<16xf32>
      %select_n3A_172 = arith.select %ge3A_168, %add3A_165, %mul3A_171 : vector<16xi1>, vector<16xf32>
      %exp3A_173 = math.exp %select_n3A_172 : vector<16xf32>
      tpu.vector_store_idx %arg10[%get3A_162], %exp3A_173 {add = true} : memref<10112xf32, #tpu.memory_space<vmem>>[vector<16xi32>], vector<16xf32>,
      %swap3A_174 = arith.constant 48 : index
      %swap3A_175 = tpu.vector_load %arg12[%swap3A_174] {strides = array<i32>} : memref<128xf32, #tpu.memory_space<vmem>>, vector<16xf32>,
      tpu.vector_store %arg12[%swap3A_174], %exp3A_173 {strides = array<i32>} : memref<128xf32, #tpu.memory_space<vmem>>, vector<16xf32>,
      %get3A_176 = arith.constant 0 : i64
      %get3A_177 = arith.index_cast %get3A_176 : i64 to index
      %get3A_178 = arith.constant 64 : index
      %get3A_179 = tpu.vector_load %arg9[%get3A_177, %get3A_178] {strides = array<i32>} : memref<2x128xi32, #tpu.memory_space<vmem>>, vector<16xi32>,
      %get3A_180 = arith.constant 1 : i64
      %get3A_181 = arith.index_cast %get3A_180 : i64 to index
      %get3A_182 = arith.constant 64 : index
      %get3A_183 = tpu.vector_load %arg9[%get3A_181, %get3A_182] {strides = array<i32>} : memref<2x128xi32, #tpu.memory_space<vmem>>, vector<16xi32>,
      %gather3A_184 = tpu.vector_load_idx %arg7[%get3A_179] : memref<10112xf32, #tpu.memory_space<vmem>>[vector<16xi32>], vector<16xf32>,
      %gather3A_185 = tpu.vector_load_idx %arg8[%get3A_183] : memref<10112xf32, #tpu.memory_space<vmem>>[vector<16xi32>], vector<16xf32>,
      %add3A_186 = arith.addf %gather3A_184, %gather3A_185 : vector<16xf32>
      %ge3A_187 = arith.constant 0.000000e+00 : f32
      %ge3A_188 = vector.broadcast %ge3A_187 : f32 to vector<16xf32>
      %ge3A_189 = arith.cmpf oge, %add3A_186, %ge3A_188 : vector<16xf32>
      %mul3A_190 = arith.constant 2.000000e-01 : f32
      %mul3A_191 = vector.broadcast %mul3A_190 : f32 to vector<16xf32>
      %mul3A_192 = arith.mulf %mul3A_191, %add3A_186 : vector<16xf32>
      %select_n3A_193 = arith.select %ge3A_189, %add3A_186, %mul3A_192 : vector<16xi1>, vector<16xf32>
      %exp3A_194 = math.exp %select_n3A_193 : vector<16xf32>
      tpu.vector_store_idx %arg10[%get3A_183], %exp3A_194 {add = true} : memref<10112xf32, #tpu.memory_space<vmem>>[vector<16xi32>], vector<16xf32>,
      %swap3A_195 = arith.constant 64 : index
      %swap3A_196 = tpu.vector_load %arg12[%swap3A_195] {strides = array<i32>} : memref<128xf32, #tpu.memory_space<vmem>>, vector<16xf32>,
      tpu.vector_store %arg12[%swap3A_195], %exp3A_194 {strides = array<i32>} : memref<128xf32, #tpu.memory_space<vmem>>, vector<16xf32>,
      %get3A_197 = arith.constant 0 : i64
      %get3A_198 = arith.index_cast %get3A_197 : i64 to index
      %get3A_199 = arith.constant 80 : index
      %get3A_200 = tpu.vector_load %arg9[%get3A_198, %get3A_199] {strides = array<i32>} : memref<2x128xi32, #tpu.memory_space<vmem>>, vector<16xi32>,
      %get3A_201 = arith.constant 1 : i64
      %get3A_202 = arith.index_cast %get3A_201 : i64 to index
      %get3A_203 = arith.constant 80 : index
      %get3A_204 = tpu.vector_load %arg9[%get3A_202, %get3A_203] {strides = array<i32>} : memref<2x128xi32, #tpu.memory_space<vmem>>, vector<16xi32>,
      %gather3A_205 = tpu.vector_load_idx %arg7[%get3A_200] : memref<10112xf32, #tpu.memory_space<vmem>>[vector<16xi32>], vector<16xf32>,
      %gather3A_206 = tpu.vector_load_idx %arg8[%get3A_204] : memref<10112xf32, #tpu.memory_space<vmem>>[vector<16xi32>], vector<16xf32>,
      %add3A_207 = arith.addf %gather3A_205, %gather3A_206 : vector<16xf32>
      %ge3A_208 = arith.constant 0.000000e+00 : f32
      %ge3A_209 = vector.broadcast %ge3A_208 : f32 to vector<16xf32>
      %ge3A_210 = arith.cmpf oge, %add3A_207, %ge3A_209 : vector<16xf32>
      %mul3A_211 = arith.constant 2.000000e-01 : f32
      %mul3A_212 = vector.broadcast %mul3A_211 : f32 to vector<16xf32>
      %mul3A_213 = arith.mulf %mul3A_212, %add3A_207 : vector<16xf32>
      %select_n3A_214 = arith.select %ge3A_210, %add3A_207, %mul3A_213 : vector<16xi1>, vector<16xf32>
      %exp3A_215 = math.exp %select_n3A_214 : vector<16xf32>
      tpu.vector_store_idx %arg10[%get3A_204], %exp3A_215 {add = true} : memref<10112xf32, #tpu.memory_space<vmem>>[vector<16xi32>], vector<16xf32>,
      %swap3A_216 = arith.constant 80 : index
      %swap3A_217 = tpu.vector_load %arg12[%swap3A_216] {strides = array<i32>} : memref<128xf32, #tpu.memory_space<vmem>>, vector<16xf32>,
      tpu.vector_store %arg12[%swap3A_216], %exp3A_215 {strides = array<i32>} : memref<128xf32, #tpu.memory_space<vmem>>, vector<16xf32>,
      %get3A_218 = arith.constant 0 : i64
      %get3A_219 = arith.index_cast %get3A_218 : i64 to index
      %get3A_220 = arith.constant 96 : index
      %get3A_221 = tpu.vector_load %arg9[%get3A_219, %get3A_220] {strides = array<i32>} : memref<2x128xi32, #tpu.memory_space<vmem>>, vector<16xi32>,
      %get3A_222 = arith.constant 1 : i64
      %get3A_223 = arith.index_cast %get3A_222 : i64 to index
      %get3A_224 = arith.constant 96 : index
      %get3A_225 = tpu.vector_load %arg9[%get3A_223, %get3A_224] {strides = array<i32>} : memref<2x128xi32, #tpu.memory_space<vmem>>, vector<16xi32>,
      %gather3A_226 = tpu.vector_load_idx %arg7[%get3A_221] : memref<10112xf32, #tpu.memory_space<vmem>>[vector<16xi32>], vector<16xf32>,
      %gather3A_227 = tpu.vector_load_idx %arg8[%get3A_225] : memref<10112xf32, #tpu.memory_space<vmem>>[vector<16xi32>], vector<16xf32>,
      %add3A_228 = arith.addf %gather3A_226, %gather3A_227 : vector<16xf32>
      %ge3A_229 = arith.constant 0.000000e+00 : f32
      %ge3A_230 = vector.broadcast %ge3A_229 : f32 to vector<16xf32>
      %ge3A_231 = arith.cmpf oge, %add3A_228, %ge3A_230 : vector<16xf32>
      %mul3A_232 = arith.constant 2.000000e-01 : f32
      %mul3A_233 = vector.broadcast %mul3A_232 : f32 to vector<16xf32>
      %mul3A_234 = arith.mulf %mul3A_233, %add3A_228 : vector<16xf32>
      %select_n3A_235 = arith.select %ge3A_231, %add3A_228, %mul3A_234 : vector<16xi1>, vector<16xf32>
      %exp3A_236 = math.exp %select_n3A_235 : vector<16xf32>
      tpu.vector_store_idx %arg10[%get3A_225], %exp3A_236 {add = true} : memref<10112xf32, #tpu.memory_space<vmem>>[vector<16xi32>], vector<16xf32>,
      %swap3A_237 = arith.constant 96 : index
      %swap3A_238 = tpu.vector_load %arg12[%swap3A_237] {strides = array<i32>} : memref<128xf32, #tpu.memory_space<vmem>>, vector<16xf32>,
      tpu.vector_store %arg12[%swap3A_237], %exp3A_236 {strides = array<i32>} : memref<128xf32, #tpu.memory_space<vmem>>, vector<16xf32>,
      %get3A_239 = arith.constant 0 : i64
      %get3A_240 = arith.index_cast %get3A_239 : i64 to index
      %get3A_241 = arith.constant 112 : index
      %get3A_242 = tpu.vector_load %arg9[%get3A_240, %get3A_241] {strides = array<i32>} : memref<2x128xi32, #tpu.memory_space<vmem>>, vector<16xi32>,
      %get3A_243 = arith.constant 1 : i64
      %get3A_244 = arith.index_cast %get3A_243 : i64 to index
      %get3A_245 = arith.constant 112 : index
      %get3A_246 = tpu.vector_load %arg9[%get3A_244, %get3A_245] {strides = array<i32>} : memref<2x128xi32, #tpu.memory_space<vmem>>, vector<16xi32>,
      %gather3A_247 = tpu.vector_load_idx %arg7[%get3A_242] : memref<10112xf32, #tpu.memory_space<vmem>>[vector<16xi32>], vector<16xf32>,
      %gather3A_248 = tpu.vector_load_idx %arg8[%get3A_246] : memref<10112xf32, #tpu.memory_space<vmem>>[vector<16xi32>], vector<16xf32>,
      %add3A_249 = arith.addf %gather3A_247, %gather3A_248 : vector<16xf32>
      %ge3A_250 = arith.constant 0.000000e+00 : f32
      %ge3A_251 = vector.broadcast %ge3A_250 : f32 to vector<16xf32>
      %ge3A_252 = arith.cmpf oge, %add3A_249, %ge3A_251 : vector<16xf32>
      %mul3A_253 = arith.constant 2.000000e-01 : f32
      %mul3A_254 = vector.broadcast %mul3A_253 : f32 to vector<16xf32>
      %mul3A_255 = arith.mulf %mul3A_254, %add3A_249 : vector<16xf32>
      %select_n3A_256 = arith.select %ge3A_252, %add3A_249, %mul3A_255 : vector<16xi1>, vector<16xf32>
      %exp3A_257 = math.exp %select_n3A_256 : vector<16xf32>
      tpu.vector_store_idx %arg10[%get3A_246], %exp3A_257 {add = true} : memref<10112xf32, #tpu.memory_space<vmem>>[vector<16xi32>], vector<16xf32>,
      %swap3A_258 = arith.constant 112 : index
      %swap3A_259 = tpu.vector_load %arg12[%swap3A_258] {strides = array<i32>} : memref<128xf32, #tpu.memory_space<vmem>>, vector<16xf32>,
      tpu.vector_store %arg12[%swap3A_258], %exp3A_257 {strides = array<i32>} : memref<128xf32, #tpu.memory_space<vmem>>, vector<16xf32>,
      %dma_wait3A = arith.constant 0 : i32
      %dma_wait3A_260 = arith.constant 0 : i32
      %dma_wait3A_261 = tpu.memref_slice %arg9[%dma_wait3A, %dma_wait3A_260] : memref<2x128xi32, #tpu.memory_space<vmem>> -> memref<1x128xi32, #tpu.memory_space<vmem>>
      %dma_wait3A_262 = tpu.memref_squeeze %dma_wait3A_261 : memref<1x128xi32, #tpu.memory_space<vmem>> -> memref<128xi32, #tpu.memory_space<vmem>>
      %dma_wait3A_263 = arith.constant 0 : i32
      %dma_wait3A_264 = arith.constant 0 : i32
      %dma_wait3A_265 = tpu.memref_slice %arg2[%dma_wait3A_263, %dma_wait3A_264] : memref<10000x128xf32, #tpu.memory_space<hbm>> -> memref<10000x128xf32, #tpu.memory_space<hbm>>
      tpu.wait_indirect_dma semaphore(%arg14 : memref<!tpu.dma_semaphore, #tpu.memory_space<semaphore_mem>>) src(%dma_wait3A_265 : memref<10000x128xf32, #tpu.memory_space<hbm>>) dst(%arg11 : memref<128x128xf32, #tpu.memory_space<vmem>>)
      %sub3A_266 = arith.constant 32 : i32
      %sub3A_267 = arith.constant 0 : i32
      %sub3A_268 = arith.subi %sub3A_266, %sub3A_267 : i32
      %sub3A_269 = arith.constant 1 : i32
      %sub3A_270 = arith.constant 1 : i32
      %sub3A_271 = arith.subi %sub3A_269, %sub3A_270 : i32
      %add3A_272 = arith.addi %sub3A_268, %sub3A_271 : i32
      %div3A_273 = arith.constant 1 : i32
      %div3A_274 = arith.divsi %add3A_272, %div3A_273 : i32
      %while3A_275 = arith.constant 1 : i32
      %while3A_276 = arith.constant 0 : i32
      %while3A_277 = arith.constant 0 : i32
      %while3A_278 = arith.subi %div3A_274, %while3A_277 : i32
      %while3A_279 = arith.addi %while3A_277, %while3A_278 : i32
      %while3A_280 = arith.constant 1 : i32
      %while3A_281 = arith.divsi %while3A_278, %while3A_280 : i32
      %while3A_282 = arith.muli %while3A_281, %while3A_280 : i32
      %while3A_283 = arith.addi %while3A_277, %while3A_282 : i32
      %while3A_284 = arith.constant 1 : i32
      scf.for %while3A_287 = %while3A_277 to %while3A_283 step %while3A_284  : i32 {
        %mul3A_288 = arith.muli %while3A_287, %while3A_275 : i32
        %add3A_289 = arith.addi %while3A_276, %mul3A_288 : i32
        %mul3A_290 = arith.constant 4 : i32
        %mul3A_291 = arith.muli %add3A_289, %mul3A_290 : i32
        %add3A_292 = arith.constant 0 : i32
        %add3A_293 = arith.addi %mul3A_291, %add3A_292 : i32
        %broadcast_in_dim3A_294 = vector.broadcast %add3A_293 : i32 to vector<16xi32>
        %gather3A_295 = tpu.vector_load_idx %arg12[%broadcast_in_dim3A_294] : memref<128xf32, #tpu.memory_space<vmem>>[vector<16xi32>], vector<16xf32>,
        %add3A_296 = arith.constant 0 : i32
        %add3A_297 = arith.addi %mul3A_291, %add3A_296 : i32
        %get3A_298 = arith.index_cast %add3A_297 : i32 to index
        %get3A_299 = arith.constant 0 : index
        %get3A_300 = tpu.vector_load %arg11[%get3A_298, %get3A_299] {strides = array<i32>} : memref<128x128xf32, #tpu.memory_space<vmem>>, vector<16xf32>,
        %mul3A_301 = arith.mulf %get3A_300, %gather3A_295 : vector<16xf32>
        %add3A_302 = arith.constant 0 : i32
        %add3A_303 = arith.addi %mul3A_291, %add3A_302 : i32
        %swap3A_304 = arith.index_cast %add3A_303 : i32 to index
        %swap3A_305 = arith.constant 0 : index
        %swap3A_306 = tpu.vector_load %arg11[%swap3A_304, %swap3A_305] {strides = array<i32>} : memref<128x128xf32, #tpu.memory_space<vmem>>, vector<16xf32>,
        tpu.vector_store %arg11[%swap3A_304, %swap3A_305], %mul3A_301 {strides = array<i32>} : memref<128x128xf32, #tpu.memory_space<vmem>>, vector<16xf32>,
        %add3A_307 = arith.constant 0 : i32
        %add3A_308 = arith.addi %mul3A_291, %add3A_307 : i32
        %get3A_309 = arith.index_cast %add3A_308 : i32 to index
        %get3A_310 = arith.constant 16 : index
        %get3A_311 = tpu.vector_load %arg11[%get3A_309, %get3A_310] {strides = array<i32>} : memref<128x128xf32, #tpu.memory_space<vmem>>, vector<16xf32>,
        %mul3A_312 = arith.mulf %get3A_311, %gather3A_295 : vector<16xf32>
        %add3A_313 = arith.constant 0 : i32
        %add3A_314 = arith.addi %mul3A_291, %add3A_313 : i32
        %swap3A_315 = arith.index_cast %add3A_314 : i32 to index
        %swap3A_316 = arith.constant 16 : index
        %swap3A_317 = tpu.vector_load %arg11[%swap3A_315, %swap3A_316] {strides = array<i32>} : memref<128x128xf32, #tpu.memory_space<vmem>>, vector<16xf32>,
        tpu.vector_store %arg11[%swap3A_315, %swap3A_316], %mul3A_312 {strides = array<i32>} : memref<128x128xf32, #tpu.memory_space<vmem>>, vector<16xf32>,
        %add3A_318 = arith.constant 0 : i32
        %add3A_319 = arith.addi %mul3A_291, %add3A_318 : i32
        %get3A_320 = arith.index_cast %add3A_319 : i32 to index
        %get3A_321 = arith.constant 32 : index
        %get3A_322 = tpu.vector_load %arg11[%get3A_320, %get3A_321] {strides = array<i32>} : memref<128x128xf32, #tpu.memory_space<vmem>>, vector<16xf32>,
        %mul3A_323 = arith.mulf %get3A_322, %gather3A_295 : vector<16xf32>
        %add3A_324 = arith.constant 0 : i32
        %add3A_325 = arith.addi %mul3A_291, %add3A_324 : i32
        %swap3A_326 = arith.index_cast %add3A_325 : i32 to index
        %swap3A_327 = arith.constant 32 : index
        %swap3A_328 = tpu.vector_load %arg11[%swap3A_326, %swap3A_327] {strides = array<i32>} : memref<128x128xf32, #tpu.memory_space<vmem>>, vector<16xf32>,
        tpu.vector_store %arg11[%swap3A_326, %swap3A_327], %mul3A_323 {strides = array<i32>} : memref<128x128xf32, #tpu.memory_space<vmem>>, vector<16xf32>,
        %add3A_329 = arith.constant 0 : i32
        %add3A_330 = arith.addi %mul3A_291, %add3A_329 : i32
        %get3A_331 = arith.index_cast %add3A_330 : i32 to index
        %get3A_332 = arith.constant 48 : index
        %get3A_333 = tpu.vector_load %arg11[%get3A_331, %get3A_332] {strides = array<i32>} : memref<128x128xf32, #tpu.memory_space<vmem>>, vector<16xf32>,
        %mul3A_334 = arith.mulf %get3A_333, %gather3A_295 : vector<16xf32>
        %add3A_335 = arith.constant 0 : i32
        %add3A_336 = arith.addi %mul3A_291, %add3A_335 : i32
        %swap3A_337 = arith.index_cast %add3A_336 : i32 to index
        %swap3A_338 = arith.constant 48 : index
        %swap3A_339 = tpu.vector_load %arg11[%swap3A_337, %swap3A_338] {strides = array<i32>} : memref<128x128xf32, #tpu.memory_space<vmem>>, vector<16xf32>,
        tpu.vector_store %arg11[%swap3A_337, %swap3A_338], %mul3A_334 {strides = array<i32>} : memref<128x128xf32, #tpu.memory_space<vmem>>, vector<16xf32>,
        %add3A_340 = arith.constant 0 : i32
        %add3A_341 = arith.addi %mul3A_291, %add3A_340 : i32
        %get3A_342 = arith.index_cast %add3A_341 : i32 to index
        %get3A_343 = arith.constant 64 : index
        %get3A_344 = tpu.vector_load %arg11[%get3A_342, %get3A_343] {strides = array<i32>} : memref<128x128xf32, #tpu.memory_space<vmem>>, vector<16xf32>,
        %mul3A_345 = arith.mulf %get3A_344, %gather3A_295 : vector<16xf32>
        %add3A_346 = arith.constant 0 : i32
        %add3A_347 = arith.addi %mul3A_291, %add3A_346 : i32
        %swap3A_348 = arith.index_cast %add3A_347 : i32 to index
        %swap3A_349 = arith.constant 64 : index
        %swap3A_350 = tpu.vector_load %arg11[%swap3A_348, %swap3A_349] {strides = array<i32>} : memref<128x128xf32, #tpu.memory_space<vmem>>, vector<16xf32>,
        tpu.vector_store %arg11[%swap3A_348, %swap3A_349], %mul3A_345 {strides = array<i32>} : memref<128x128xf32, #tpu.memory_space<vmem>>, vector<16xf32>,
        %add3A_351 = arith.constant 0 : i32
        %add3A_352 = arith.addi %mul3A_291, %add3A_351 : i32
        %get3A_353 = arith.index_cast %add3A_352 : i32 to index
        %get3A_354 = arith.constant 80 : index
        %get3A_355 = tpu.vector_load %arg11[%get3A_353, %get3A_354] {strides = array<i32>} : memref<128x128xf32, #tpu.memory_space<vmem>>, vector<16xf32>,
        %mul3A_356 = arith.mulf %get3A_355, %gather3A_295 : vector<16xf32>
        %add3A_357 = arith.constant 0 : i32
        %add3A_358 = arith.addi %mul3A_291, %add3A_357 : i32
        %swap3A_359 = arith.index_cast %add3A_358 : i32 to index
        %swap3A_360 = arith.constant 80 : index
        %swap3A_361 = tpu.vector_load %arg11[%swap3A_359, %swap3A_360] {strides = array<i32>} : memref<128x128xf32, #tpu.memory_space<vmem>>, vector<16xf32>,
        tpu.vector_store %arg11[%swap3A_359, %swap3A_360], %mul3A_356 {strides = array<i32>} : memref<128x128xf32, #tpu.memory_space<vmem>>, vector<16xf32>,
        %add3A_362 = arith.constant 0 : i32
        %add3A_363 = arith.addi %mul3A_291, %add3A_362 : i32
        %get3A_364 = arith.index_cast %add3A_363 : i32 to index
        %get3A_365 = arith.constant 96 : index
        %get3A_366 = tpu.vector_load %arg11[%get3A_364, %get3A_365] {strides = array<i32>} : memref<128x128xf32, #tpu.memory_space<vmem>>, vector<16xf32>,
        %mul3A_367 = arith.mulf %get3A_366, %gather3A_295 : vector<16xf32>
        %add3A_368 = arith.constant 0 : i32
        %add3A_369 = arith.addi %mul3A_291, %add3A_368 : i32
        %swap3A_370 = arith.index_cast %add3A_369 : i32 to index
        %swap3A_371 = arith.constant 96 : index
        %swap3A_372 = tpu.vector_load %arg11[%swap3A_370, %swap3A_371] {strides = array<i32>} : memref<128x128xf32, #tpu.memory_space<vmem>>, vector<16xf32>,
        tpu.vector_store %arg11[%swap3A_370, %swap3A_371], %mul3A_367 {strides = array<i32>} : memref<128x128xf32, #tpu.memory_space<vmem>>, vector<16xf32>,
        %add3A_373 = arith.constant 0 : i32
        %add3A_374 = arith.addi %mul3A_291, %add3A_373 : i32
        %get3A_375 = arith.index_cast %add3A_374 : i32 to index
        %get3A_376 = arith.constant 112 : index
        %get3A_377 = tpu.vector_load %arg11[%get3A_375, %get3A_376] {strides = array<i32>} : memref<128x128xf32, #tpu.memory_space<vmem>>, vector<16xf32>,
        %mul3A_378 = arith.mulf %get3A_377, %gather3A_295 : vector<16xf32>
        %add3A_379 = arith.constant 0 : i32
        %add3A_380 = arith.addi %mul3A_291, %add3A_379 : i32
        %swap3A_381 = arith.index_cast %add3A_380 : i32 to index
        %swap3A_382 = arith.constant 112 : index
        %swap3A_383 = tpu.vector_load %arg11[%swap3A_381, %swap3A_382] {strides = array<i32>} : memref<128x128xf32, #tpu.memory_space<vmem>>, vector<16xf32>,
        tpu.vector_store %arg11[%swap3A_381, %swap3A_382], %mul3A_378 {strides = array<i32>} : memref<128x128xf32, #tpu.memory_space<vmem>>, vector<16xf32>,
        %add3A_384 = arith.constant 1 : i32
        %add3A_385 = arith.addi %mul3A_291, %add3A_384 : i32
        %broadcast_in_dim3A_386 = vector.broadcast %add3A_385 : i32 to vector<16xi32>
        %gather3A_387 = tpu.vector_load_idx %arg12[%broadcast_in_dim3A_386] : memref<128xf32, #tpu.memory_space<vmem>>[vector<16xi32>], vector<16xf32>,
        %add3A_388 = arith.constant 1 : i32
        %add3A_389 = arith.addi %mul3A_291, %add3A_388 : i32
        %get3A_390 = arith.index_cast %add3A_389 : i32 to index
        %get3A_391 = arith.constant 0 : index
        %get3A_392 = tpu.vector_load %arg11[%get3A_390, %get3A_391] {strides = array<i32>} : memref<128x128xf32, #tpu.memory_space<vmem>>, vector<16xf32>,
        %mul3A_393 = arith.mulf %get3A_392, %gather3A_387 : vector<16xf32>
        %add3A_394 = arith.constant 1 : i32
        %add3A_395 = arith.addi %mul3A_291, %add3A_394 : i32
        %swap3A_396 = arith.index_cast %add3A_395 : i32 to index
        %swap3A_397 = arith.constant 0 : index
        %swap3A_398 = tpu.vector_load %arg11[%swap3A_396, %swap3A_397] {strides = array<i32>} : memref<128x128xf32, #tpu.memory_space<vmem>>, vector<16xf32>,
        tpu.vector_store %arg11[%swap3A_396, %swap3A_397], %mul3A_393 {strides = array<i32>} : memref<128x128xf32, #tpu.memory_space<vmem>>, vector<16xf32>,
        %add3A_399 = arith.constant 1 : i32
        %add3A_400 = arith.addi %mul3A_291, %add3A_399 : i32
        %get3A_401 = arith.index_cast %add3A_400 : i32 to index
        %get3A_402 = arith.constant 16 : index
        %get3A_403 = tpu.vector_load %arg11[%get3A_401, %get3A_402] {strides = array<i32>} : memref<128x128xf32, #tpu.memory_space<vmem>>, vector<16xf32>,
        %mul3A_404 = arith.mulf %get3A_403, %gather3A_387 : vector<16xf32>
        %add3A_405 = arith.constant 1 : i32
        %add3A_406 = arith.addi %mul3A_291, %add3A_405 : i32
        %swap3A_407 = arith.index_cast %add3A_406 : i32 to index
        %swap3A_408 = arith.constant 16 : index
        %swap3A_409 = tpu.vector_load %arg11[%swap3A_407, %swap3A_408] {strides = array<i32>} : memref<128x128xf32, #tpu.memory_space<vmem>>, vector<16xf32>,
        tpu.vector_store %arg11[%swap3A_407, %swap3A_408], %mul3A_404 {strides = array<i32>} : memref<128x128xf32, #tpu.memory_space<vmem>>, vector<16xf32>,
        %add3A_410 = arith.constant 1 : i32
        %add3A_411 = arith.addi %mul3A_291, %add3A_410 : i32
        %get3A_412 = arith.index_cast %add3A_411 : i32 to index
        %get3A_413 = arith.constant 32 : index
        %get3A_414 = tpu.vector_load %arg11[%get3A_412, %get3A_413] {strides = array<i32>} : memref<128x128xf32, #tpu.memory_space<vmem>>, vector<16xf32>,
        %mul3A_415 = arith.mulf %get3A_414, %gather3A_387 : vector<16xf32>
        %add3A_416 = arith.constant 1 : i32
        %add3A_417 = arith.addi %mul3A_291, %add3A_416 : i32
        %swap3A_418 = arith.index_cast %add3A_417 : i32 to index
        %swap3A_419 = arith.constant 32 : index
        %swap3A_420 = tpu.vector_load %arg11[%swap3A_418, %swap3A_419] {strides = array<i32>} : memref<128x128xf32, #tpu.memory_space<vmem>>, vector<16xf32>,
        tpu.vector_store %arg11[%swap3A_418, %swap3A_419], %mul3A_415 {strides = array<i32>} : memref<128x128xf32, #tpu.memory_space<vmem>>, vector<16xf32>,
        %add3A_421 = arith.constant 1 : i32
        %add3A_422 = arith.addi %mul3A_291, %add3A_421 : i32
        %get3A_423 = arith.index_cast %add3A_422 : i32 to index
        %get3A_424 = arith.constant 48 : index
        %get3A_425 = tpu.vector_load %arg11[%get3A_423, %get3A_424] {strides = array<i32>} : memref<128x128xf32, #tpu.memory_space<vmem>>, vector<16xf32>,
        %mul3A_426 = arith.mulf %get3A_425, %gather3A_387 : vector<16xf32>
        %add3A_427 = arith.constant 1 : i32
        %add3A_428 = arith.addi %mul3A_291, %add3A_427 : i32
        %swap3A_429 = arith.index_cast %add3A_428 : i32 to index
        %swap3A_430 = arith.constant 48 : index
        %swap3A_431 = tpu.vector_load %arg11[%swap3A_429, %swap3A_430] {strides = array<i32>} : memref<128x128xf32, #tpu.memory_space<vmem>>, vector<16xf32>,
        tpu.vector_store %arg11[%swap3A_429, %swap3A_430], %mul3A_426 {strides = array<i32>} : memref<128x128xf32, #tpu.memory_space<vmem>>, vector<16xf32>,
        %add3A_432 = arith.constant 1 : i32
        %add3A_433 = arith.addi %mul3A_291, %add3A_432 : i32
        %get3A_434 = arith.index_cast %add3A_433 : i32 to index
        %get3A_435 = arith.constant 64 : index
        %get3A_436 = tpu.vector_load %arg11[%get3A_434, %get3A_435] {strides = array<i32>} : memref<128x128xf32, #tpu.memory_space<vmem>>, vector<16xf32>,
        %mul3A_437 = arith.mulf %get3A_436, %gather3A_387 : vector<16xf32>
        %add3A_438 = arith.constant 1 : i32
        %add3A_439 = arith.addi %mul3A_291, %add3A_438 : i32
        %swap3A_440 = arith.index_cast %add3A_439 : i32 to index
        %swap3A_441 = arith.constant 64 : index
        %swap3A_442 = tpu.vector_load %arg11[%swap3A_440, %swap3A_441] {strides = array<i32>} : memref<128x128xf32, #tpu.memory_space<vmem>>, vector<16xf32>,
        tpu.vector_store %arg11[%swap3A_440, %swap3A_441], %mul3A_437 {strides = array<i32>} : memref<128x128xf32, #tpu.memory_space<vmem>>, vector<16xf32>,
        %add3A_443 = arith.constant 1 : i32
        %add3A_444 = arith.addi %mul3A_291, %add3A_443 : i32
        %get3A_445 = arith.index_cast %add3A_444 : i32 to index
        %get3A_446 = arith.constant 80 : index
        %get3A_447 = tpu.vector_load %arg11[%get3A_445, %get3A_446] {strides = array<i32>} : memref<128x128xf32, #tpu.memory_space<vmem>>, vector<16xf32>,
        %mul3A_448 = arith.mulf %get3A_447, %gather3A_387 : vector<16xf32>
        %add3A_449 = arith.constant 1 : i32
        %add3A_450 = arith.addi %mul3A_291, %add3A_449 : i32
        %swap3A_451 = arith.index_cast %add3A_450 : i32 to index
        %swap3A_452 = arith.constant 80 : index
        %swap3A_453 = tpu.vector_load %arg11[%swap3A_451, %swap3A_452] {strides = array<i32>} : memref<128x128xf32, #tpu.memory_space<vmem>>, vector<16xf32>,
        tpu.vector_store %arg11[%swap3A_451, %swap3A_452], %mul3A_448 {strides = array<i32>} : memref<128x128xf32, #tpu.memory_space<vmem>>, vector<16xf32>,
        %add3A_454 = arith.constant 1 : i32
        %add3A_455 = arith.addi %mul3A_291, %add3A_454 : i32
        %get3A_456 = arith.index_cast %add3A_455 : i32 to index
        %get3A_457 = arith.constant 96 : index
        %get3A_458 = tpu.vector_load %arg11[%get3A_456, %get3A_457] {strides = array<i32>} : memref<128x128xf32, #tpu.memory_space<vmem>>, vector<16xf32>,
        %mul3A_459 = arith.mulf %get3A_458, %gather3A_387 : vector<16xf32>
        %add3A_460 = arith.constant 1 : i32
        %add3A_461 = arith.addi %mul3A_291, %add3A_460 : i32
        %swap3A_462 = arith.index_cast %add3A_461 : i32 to index
        %swap3A_463 = arith.constant 96 : index
        %swap3A_464 = tpu.vector_load %arg11[%swap3A_462, %swap3A_463] {strides = array<i32>} : memref<128x128xf32, #tpu.memory_space<vmem>>, vector<16xf32>,
        tpu.vector_store %arg11[%swap3A_462, %swap3A_463], %mul3A_459 {strides = array<i32>} : memref<128x128xf32, #tpu.memory_space<vmem>>, vector<16xf32>,
        %add3A_465 = arith.constant 1 : i32
        %add3A_466 = arith.addi %mul3A_291, %add3A_465 : i32
        %get3A_467 = arith.index_cast %add3A_466 : i32 to index
        %get3A_468 = arith.constant 112 : index
        %get3A_469 = tpu.vector_load %arg11[%get3A_467, %get3A_468] {strides = array<i32>} : memref<128x128xf32, #tpu.memory_space<vmem>>, vector<16xf32>,
        %mul3A_470 = arith.mulf %get3A_469, %gather3A_387 : vector<16xf32>
        %add3A_471 = arith.constant 1 : i32
        %add3A_472 = arith.addi %mul3A_291, %add3A_471 : i32
        %swap3A_473 = arith.index_cast %add3A_472 : i32 to index
        %swap3A_474 = arith.constant 112 : index
        %swap3A_475 = tpu.vector_load %arg11[%swap3A_473, %swap3A_474] {strides = array<i32>} : memref<128x128xf32, #tpu.memory_space<vmem>>, vector<16xf32>,
        tpu.vector_store %arg11[%swap3A_473, %swap3A_474], %mul3A_470 {strides = array<i32>} : memref<128x128xf32, #tpu.memory_space<vmem>>, vector<16xf32>,
        %add3A_476 = arith.constant 2 : i32
        %add3A_477 = arith.addi %mul3A_291, %add3A_476 : i32
        %broadcast_in_dim3A_478 = vector.broadcast %add3A_477 : i32 to vector<16xi32>
        %gather3A_479 = tpu.vector_load_idx %arg12[%broadcast_in_dim3A_478] : memref<128xf32, #tpu.memory_space<vmem>>[vector<16xi32>], vector<16xf32>,
        %add3A_480 = arith.constant 2 : i32
        %add3A_481 = arith.addi %mul3A_291, %add3A_480 : i32
        %get3A_482 = arith.index_cast %add3A_481 : i32 to index
        %get3A_483 = arith.constant 0 : index
        %get3A_484 = tpu.vector_load %arg11[%get3A_482, %get3A_483] {strides = array<i32>} : memref<128x128xf32, #tpu.memory_space<vmem>>, vector<16xf32>,
        %mul3A_485 = arith.mulf %get3A_484, %gather3A_479 : vector<16xf32>
        %add3A_486 = arith.constant 2 : i32
        %add3A_487 = arith.addi %mul3A_291, %add3A_486 : i32
        %swap3A_488 = arith.index_cast %add3A_487 : i32 to index
        %swap3A_489 = arith.constant 0 : index
        %swap3A_490 = tpu.vector_load %arg11[%swap3A_488, %swap3A_489] {strides = array<i32>} : memref<128x128xf32, #tpu.memory_space<vmem>>, vector<16xf32>,
        tpu.vector_store %arg11[%swap3A_488, %swap3A_489], %mul3A_485 {strides = array<i32>} : memref<128x128xf32, #tpu.memory_space<vmem>>, vector<16xf32>,
        %add3A_491 = arith.constant 2 : i32
        %add3A_492 = arith.addi %mul3A_291, %add3A_491 : i32
        %get3A_493 = arith.index_cast %add3A_492 : i32 to index
        %get3A_494 = arith.constant 16 : index
        %get3A_495 = tpu.vector_load %arg11[%get3A_493, %get3A_494] {strides = array<i32>} : memref<128x128xf32, #tpu.memory_space<vmem>>, vector<16xf32>,
        %mul3A_496 = arith.mulf %get3A_495, %gather3A_479 : vector<16xf32>
        %add3A_497 = arith.constant 2 : i32
        %add3A_498 = arith.addi %mul3A_291, %add3A_497 : i32
        %swap3A_499 = arith.index_cast %add3A_498 : i32 to index
        %swap3A_500 = arith.constant 16 : index
        %swap3A_501 = tpu.vector_load %arg11[%swap3A_499, %swap3A_500] {strides = array<i32>} : memref<128x128xf32, #tpu.memory_space<vmem>>, vector<16xf32>,
        tpu.vector_store %arg11[%swap3A_499, %swap3A_500], %mul3A_496 {strides = array<i32>} : memref<128x128xf32, #tpu.memory_space<vmem>>, vector<16xf32>,
        %add3A_502 = arith.constant 2 : i32
        %add3A_503 = arith.addi %mul3A_291, %add3A_502 : i32
        %get3A_504 = arith.index_cast %add3A_503 : i32 to index
        %get3A_505 = arith.constant 32 : index
        %get3A_506 = tpu.vector_load %arg11[%get3A_504, %get3A_505] {strides = array<i32>} : memref<128x128xf32, #tpu.memory_space<vmem>>, vector<16xf32>,
        %mul3A_507 = arith.mulf %get3A_506, %gather3A_479 : vector<16xf32>
        %add3A_508 = arith.constant 2 : i32
        %add3A_509 = arith.addi %mul3A_291, %add3A_508 : i32
        %swap3A_510 = arith.index_cast %add3A_509 : i32 to index
        %swap3A_511 = arith.constant 32 : index
        %swap3A_512 = tpu.vector_load %arg11[%swap3A_510, %swap3A_511] {strides = array<i32>} : memref<128x128xf32, #tpu.memory_space<vmem>>, vector<16xf32>,
        tpu.vector_store %arg11[%swap3A_510, %swap3A_511], %mul3A_507 {strides = array<i32>} : memref<128x128xf32, #tpu.memory_space<vmem>>, vector<16xf32>,
        %add3A_513 = arith.constant 2 : i32
        %add3A_514 = arith.addi %mul3A_291, %add3A_513 : i32
        %get3A_515 = arith.index_cast %add3A_514 : i32 to index
        %get3A_516 = arith.constant 48 : index
        %get3A_517 = tpu.vector_load %arg11[%get3A_515, %get3A_516] {strides = array<i32>} : memref<128x128xf32, #tpu.memory_space<vmem>>, vector<16xf32>,
        %mul3A_518 = arith.mulf %get3A_517, %gather3A_479 : vector<16xf32>
        %add3A_519 = arith.constant 2 : i32
        %add3A_520 = arith.addi %mul3A_291, %add3A_519 : i32
        %swap3A_521 = arith.index_cast %add3A_520 : i32 to index
        %swap3A_522 = arith.constant 48 : index
        %swap3A_523 = tpu.vector_load %arg11[%swap3A_521, %swap3A_522] {strides = array<i32>} : memref<128x128xf32, #tpu.memory_space<vmem>>, vector<16xf32>,
        tpu.vector_store %arg11[%swap3A_521, %swap3A_522], %mul3A_518 {strides = array<i32>} : memref<128x128xf32, #tpu.memory_space<vmem>>, vector<16xf32>,
        %add3A_524 = arith.constant 2 : i32
        %add3A_525 = arith.addi %mul3A_291, %add3A_524 : i32
        %get3A_526 = arith.index_cast %add3A_525 : i32 to index
        %get3A_527 = arith.constant 64 : index
        %get3A_528 = tpu.vector_load %arg11[%get3A_526, %get3A_527] {strides = array<i32>} : memref<128x128xf32, #tpu.memory_space<vmem>>, vector<16xf32>,
        %mul3A_529 = arith.mulf %get3A_528, %gather3A_479 : vector<16xf32>
        %add3A_530 = arith.constant 2 : i32
        %add3A_531 = arith.addi %mul3A_291, %add3A_530 : i32
        %swap3A_532 = arith.index_cast %add3A_531 : i32 to index
        %swap3A_533 = arith.constant 64 : index
        %swap3A_534 = tpu.vector_load %arg11[%swap3A_532, %swap3A_533] {strides = array<i32>} : memref<128x128xf32, #tpu.memory_space<vmem>>, vector<16xf32>,
        tpu.vector_store %arg11[%swap3A_532, %swap3A_533], %mul3A_529 {strides = array<i32>} : memref<128x128xf32, #tpu.memory_space<vmem>>, vector<16xf32>,
        %add3A_535 = arith.constant 2 : i32
        %add3A_536 = arith.addi %mul3A_291, %add3A_535 : i32
        %get3A_537 = arith.index_cast %add3A_536 : i32 to index
        %get3A_538 = arith.constant 80 : index
        %get3A_539 = tpu.vector_load %arg11[%get3A_537, %get3A_538] {strides = array<i32>} : memref<128x128xf32, #tpu.memory_space<vmem>>, vector<16xf32>,
        %mul3A_540 = arith.mulf %get3A_539, %gather3A_479 : vector<16xf32>
        %add3A_541 = arith.constant 2 : i32
        %add3A_542 = arith.addi %mul3A_291, %add3A_541 : i32
        %swap3A_543 = arith.index_cast %add3A_542 : i32 to index
        %swap3A_544 = arith.constant 80 : index
        %swap3A_545 = tpu.vector_load %arg11[%swap3A_543, %swap3A_544] {strides = array<i32>} : memref<128x128xf32, #tpu.memory_space<vmem>>, vector<16xf32>,
        tpu.vector_store %arg11[%swap3A_543, %swap3A_544], %mul3A_540 {strides = array<i32>} : memref<128x128xf32, #tpu.memory_space<vmem>>, vector<16xf32>,
        %add3A_546 = arith.constant 2 : i32
        %add3A_547 = arith.addi %mul3A_291, %add3A_546 : i32
        %get3A_548 = arith.index_cast %add3A_547 : i32 to index
        %get3A_549 = arith.constant 96 : index
        %get3A_550 = tpu.vector_load %arg11[%get3A_548, %get3A_549] {strides = array<i32>} : memref<128x128xf32, #tpu.memory_space<vmem>>, vector<16xf32>,
        %mul3A_551 = arith.mulf %get3A_550, %gather3A_479 : vector<16xf32>
        %add3A_552 = arith.constant 2 : i32
        %add3A_553 = arith.addi %mul3A_291, %add3A_552 : i32
        %swap3A_554 = arith.index_cast %add3A_553 : i32 to index
        %swap3A_555 = arith.constant 96 : index
        %swap3A_556 = tpu.vector_load %arg11[%swap3A_554, %swap3A_555] {strides = array<i32>} : memref<128x128xf32, #tpu.memory_space<vmem>>, vector<16xf32>,
        tpu.vector_store %arg11[%swap3A_554, %swap3A_555], %mul3A_551 {strides = array<i32>} : memref<128x128xf32, #tpu.memory_space<vmem>>, vector<16xf32>,
        %add3A_557 = arith.constant 2 : i32
        %add3A_558 = arith.addi %mul3A_291, %add3A_557 : i32
        %get3A_559 = arith.index_cast %add3A_558 : i32 to index
        %get3A_560 = arith.constant 112 : index
        %get3A_561 = tpu.vector_load %arg11[%get3A_559, %get3A_560] {strides = array<i32>} : memref<128x128xf32, #tpu.memory_space<vmem>>, vector<16xf32>,
        %mul3A_562 = arith.mulf %get3A_561, %gather3A_479 : vector<16xf32>
        %add3A_563 = arith.constant 2 : i32
        %add3A_564 = arith.addi %mul3A_291, %add3A_563 : i32
        %swap3A_565 = arith.index_cast %add3A_564 : i32 to index
        %swap3A_566 = arith.constant 112 : index
        %swap3A_567 = tpu.vector_load %arg11[%swap3A_565, %swap3A_566] {strides = array<i32>} : memref<128x128xf32, #tpu.memory_space<vmem>>, vector<16xf32>,
        tpu.vector_store %arg11[%swap3A_565, %swap3A_566], %mul3A_562 {strides = array<i32>} : memref<128x128xf32, #tpu.memory_space<vmem>>, vector<16xf32>,
        %add3A_568 = arith.constant 3 : i32
        %add3A_569 = arith.addi %mul3A_291, %add3A_568 : i32
        %broadcast_in_dim3A_570 = vector.broadcast %add3A_569 : i32 to vector<16xi32>
        %gather3A_571 = tpu.vector_load_idx %arg12[%broadcast_in_dim3A_570] : memref<128xf32, #tpu.memory_space<vmem>>[vector<16xi32>], vector<16xf32>,
        %add3A_572 = arith.constant 3 : i32
        %add3A_573 = arith.addi %mul3A_291, %add3A_572 : i32
        %get3A_574 = arith.index_cast %add3A_573 : i32 to index
        %get3A_575 = arith.constant 0 : index
        %get3A_576 = tpu.vector_load %arg11[%get3A_574, %get3A_575] {strides = array<i32>} : memref<128x128xf32, #tpu.memory_space<vmem>>, vector<16xf32>,
        %mul3A_577 = arith.mulf %get3A_576, %gather3A_571 : vector<16xf32>
        %add3A_578 = arith.constant 3 : i32
        %add3A_579 = arith.addi %mul3A_291, %add3A_578 : i32
        %swap3A_580 = arith.index_cast %add3A_579 : i32 to index
        %swap3A_581 = arith.constant 0 : index
        %swap3A_582 = tpu.vector_load %arg11[%swap3A_580, %swap3A_581] {strides = array<i32>} : memref<128x128xf32, #tpu.memory_space<vmem>>, vector<16xf32>,
        tpu.vector_store %arg11[%swap3A_580, %swap3A_581], %mul3A_577 {strides = array<i32>} : memref<128x128xf32, #tpu.memory_space<vmem>>, vector<16xf32>,
        %add3A_583 = arith.constant 3 : i32
        %add3A_584 = arith.addi %mul3A_291, %add3A_583 : i32
        %get3A_585 = arith.index_cast %add3A_584 : i32 to index
        %get3A_586 = arith.constant 16 : index
        %get3A_587 = tpu.vector_load %arg11[%get3A_585, %get3A_586] {strides = array<i32>} : memref<128x128xf32, #tpu.memory_space<vmem>>, vector<16xf32>,
        %mul3A_588 = arith.mulf %get3A_587, %gather3A_571 : vector<16xf32>
        %add3A_589 = arith.constant 3 : i32
        %add3A_590 = arith.addi %mul3A_291, %add3A_589 : i32
        %swap3A_591 = arith.index_cast %add3A_590 : i32 to index
        %swap3A_592 = arith.constant 16 : index
        %swap3A_593 = tpu.vector_load %arg11[%swap3A_591, %swap3A_592] {strides = array<i32>} : memref<128x128xf32, #tpu.memory_space<vmem>>, vector<16xf32>,
        tpu.vector_store %arg11[%swap3A_591, %swap3A_592], %mul3A_588 {strides = array<i32>} : memref<128x128xf32, #tpu.memory_space<vmem>>, vector<16xf32>,
        %add3A_594 = arith.constant 3 : i32
        %add3A_595 = arith.addi %mul3A_291, %add3A_594 : i32
        %get3A_596 = arith.index_cast %add3A_595 : i32 to index
        %get3A_597 = arith.constant 32 : index
        %get3A_598 = tpu.vector_load %arg11[%get3A_596, %get3A_597] {strides = array<i32>} : memref<128x128xf32, #tpu.memory_space<vmem>>, vector<16xf32>,
        %mul3A_599 = arith.mulf %get3A_598, %gather3A_571 : vector<16xf32>
        %add3A_600 = arith.constant 3 : i32
        %add3A_601 = arith.addi %mul3A_291, %add3A_600 : i32
        %swap3A_602 = arith.index_cast %add3A_601 : i32 to index
        %swap3A_603 = arith.constant 32 : index
        %swap3A_604 = tpu.vector_load %arg11[%swap3A_602, %swap3A_603] {strides = array<i32>} : memref<128x128xf32, #tpu.memory_space<vmem>>, vector<16xf32>,
        tpu.vector_store %arg11[%swap3A_602, %swap3A_603], %mul3A_599 {strides = array<i32>} : memref<128x128xf32, #tpu.memory_space<vmem>>, vector<16xf32>,
        %add3A_605 = arith.constant 3 : i32
        %add3A_606 = arith.addi %mul3A_291, %add3A_605 : i32
        %get3A_607 = arith.index_cast %add3A_606 : i32 to index
        %get3A_608 = arith.constant 48 : index
        %get3A_609 = tpu.vector_load %arg11[%get3A_607, %get3A_608] {strides = array<i32>} : memref<128x128xf32, #tpu.memory_space<vmem>>, vector<16xf32>,
        %mul3A_610 = arith.mulf %get3A_609, %gather3A_571 : vector<16xf32>
        %add3A_611 = arith.constant 3 : i32
        %add3A_612 = arith.addi %mul3A_291, %add3A_611 : i32
        %swap3A_613 = arith.index_cast %add3A_612 : i32 to index
        %swap3A_614 = arith.constant 48 : index
        %swap3A_615 = tpu.vector_load %arg11[%swap3A_613, %swap3A_614] {strides = array<i32>} : memref<128x128xf32, #tpu.memory_space<vmem>>, vector<16xf32>,
        tpu.vector_store %arg11[%swap3A_613, %swap3A_614], %mul3A_610 {strides = array<i32>} : memref<128x128xf32, #tpu.memory_space<vmem>>, vector<16xf32>,
        %add3A_616 = arith.constant 3 : i32
        %add3A_617 = arith.addi %mul3A_291, %add3A_616 : i32
        %get3A_618 = arith.index_cast %add3A_617 : i32 to index
        %get3A_619 = arith.constant 64 : index
        %get3A_620 = tpu.vector_load %arg11[%get3A_618, %get3A_619] {strides = array<i32>} : memref<128x128xf32, #tpu.memory_space<vmem>>, vector<16xf32>,
        %mul3A_621 = arith.mulf %get3A_620, %gather3A_571 : vector<16xf32>
        %add3A_622 = arith.constant 3 : i32
        %add3A_623 = arith.addi %mul3A_291, %add3A_622 : i32
        %swap3A_624 = arith.index_cast %add3A_623 : i32 to index
        %swap3A_625 = arith.constant 64 : index
        %swap3A_626 = tpu.vector_load %arg11[%swap3A_624, %swap3A_625] {strides = array<i32>} : memref<128x128xf32, #tpu.memory_space<vmem>>, vector<16xf32>,
        tpu.vector_store %arg11[%swap3A_624, %swap3A_625], %mul3A_621 {strides = array<i32>} : memref<128x128xf32, #tpu.memory_space<vmem>>, vector<16xf32>,
        %add3A_627 = arith.constant 3 : i32
        %add3A_628 = arith.addi %mul3A_291, %add3A_627 : i32
        %get3A_629 = arith.index_cast %add3A_628 : i32 to index
        %get3A_630 = arith.constant 80 : index
        %get3A_631 = tpu.vector_load %arg11[%get3A_629, %get3A_630] {strides = array<i32>} : memref<128x128xf32, #tpu.memory_space<vmem>>, vector<16xf32>,
        %mul3A_632 = arith.mulf %get3A_631, %gather3A_571 : vector<16xf32>
        %add3A_633 = arith.constant 3 : i32
        %add3A_634 = arith.addi %mul3A_291, %add3A_633 : i32
        %swap3A_635 = arith.index_cast %add3A_634 : i32 to index
        %swap3A_636 = arith.constant 80 : index
        %swap3A_637 = tpu.vector_load %arg11[%swap3A_635, %swap3A_636] {strides = array<i32>} : memref<128x128xf32, #tpu.memory_space<vmem>>, vector<16xf32>,
        tpu.vector_store %arg11[%swap3A_635, %swap3A_636], %mul3A_632 {strides = array<i32>} : memref<128x128xf32, #tpu.memory_space<vmem>>, vector<16xf32>,
        %add3A_638 = arith.constant 3 : i32
        %add3A_639 = arith.addi %mul3A_291, %add3A_638 : i32
        %get3A_640 = arith.index_cast %add3A_639 : i32 to index
        %get3A_641 = arith.constant 96 : index
        %get3A_642 = tpu.vector_load %arg11[%get3A_640, %get3A_641] {strides = array<i32>} : memref<128x128xf32, #tpu.memory_space<vmem>>, vector<16xf32>,
        %mul3A_643 = arith.mulf %get3A_642, %gather3A_571 : vector<16xf32>
        %add3A_644 = arith.constant 3 : i32
        %add3A_645 = arith.addi %mul3A_291, %add3A_644 : i32
        %swap3A_646 = arith.index_cast %add3A_645 : i32 to index
        %swap3A_647 = arith.constant 96 : index
        %swap3A_648 = tpu.vector_load %arg11[%swap3A_646, %swap3A_647] {strides = array<i32>} : memref<128x128xf32, #tpu.memory_space<vmem>>, vector<16xf32>,
        tpu.vector_store %arg11[%swap3A_646, %swap3A_647], %mul3A_643 {strides = array<i32>} : memref<128x128xf32, #tpu.memory_space<vmem>>, vector<16xf32>,
        %add3A_649 = arith.constant 3 : i32
        %add3A_650 = arith.addi %mul3A_291, %add3A_649 : i32
        %get3A_651 = arith.index_cast %add3A_650 : i32 to index
        %get3A_652 = arith.constant 112 : index
        %get3A_653 = tpu.vector_load %arg11[%get3A_651, %get3A_652] {strides = array<i32>} : memref<128x128xf32, #tpu.memory_space<vmem>>, vector<16xf32>,
        %mul3A_654 = arith.mulf %get3A_653, %gather3A_571 : vector<16xf32>
        %add3A_655 = arith.constant 3 : i32
        %add3A_656 = arith.addi %mul3A_291, %add3A_655 : i32
        %swap3A_657 = arith.index_cast %add3A_656 : i32 to index
        %swap3A_658 = arith.constant 112 : index
        %swap3A_659 = tpu.vector_load %arg11[%swap3A_657, %swap3A_658] {strides = array<i32>} : memref<128x128xf32, #tpu.memory_space<vmem>>, vector<16xf32>,
        tpu.vector_store %arg11[%swap3A_657, %swap3A_658], %mul3A_654 {strides = array<i32>} : memref<128x128xf32, #tpu.memory_space<vmem>>, vector<16xf32>,
      }
      %while3A_285 = arith.constant 1 : i32
      scf.for %while3A_287 = %while3A_283 to %while3A_279 step %while3A_285  : i32 {
        %mul3A_288 = arith.muli %while3A_287, %while3A_275 : i32
        %add3A_289 = arith.addi %while3A_276, %mul3A_288 : i32
        %mul3A_290 = arith.constant 4 : i32
        %mul3A_291 = arith.muli %add3A_289, %mul3A_290 : i32
        %add3A_292 = arith.constant 0 : i32
        %add3A_293 = arith.addi %mul3A_291, %add3A_292 : i32
        %broadcast_in_dim3A_294 = vector.broadcast %add3A_293 : i32 to vector<16xi32>
        %gather3A_295 = tpu.vector_load_idx %arg12[%broadcast_in_dim3A_294] : memref<128xf32, #tpu.memory_space<vmem>>[vector<16xi32>], vector<16xf32>,
        %add3A_296 = arith.constant 0 : i32
        %add3A_297 = arith.addi %mul3A_291, %add3A_296 : i32
        %get3A_298 = arith.index_cast %add3A_297 : i32 to index
        %get3A_299 = arith.constant 0 : index
        %get3A_300 = tpu.vector_load %arg11[%get3A_298, %get3A_299] {strides = array<i32>} : memref<128x128xf32, #tpu.memory_space<vmem>>, vector<16xf32>,
        %mul3A_301 = arith.mulf %get3A_300, %gather3A_295 : vector<16xf32>
        %add3A_302 = arith.constant 0 : i32
        %add3A_303 = arith.addi %mul3A_291, %add3A_302 : i32
        %swap3A_304 = arith.index_cast %add3A_303 : i32 to index
        %swap3A_305 = arith.constant 0 : index
        %swap3A_306 = tpu.vector_load %arg11[%swap3A_304, %swap3A_305] {strides = array<i32>} : memref<128x128xf32, #tpu.memory_space<vmem>>, vector<16xf32>,
        tpu.vector_store %arg11[%swap3A_304, %swap3A_305], %mul3A_301 {strides = array<i32>} : memref<128x128xf32, #tpu.memory_space<vmem>>, vector<16xf32>,
        %add3A_307 = arith.constant 0 : i32
        %add3A_308 = arith.addi %mul3A_291, %add3A_307 : i32
        %get3A_309 = arith.index_cast %add3A_308 : i32 to index
        %get3A_310 = arith.constant 16 : index
        %get3A_311 = tpu.vector_load %arg11[%get3A_309, %get3A_310] {strides = array<i32>} : memref<128x128xf32, #tpu.memory_space<vmem>>, vector<16xf32>,
        %mul3A_312 = arith.mulf %get3A_311, %gather3A_295 : vector<16xf32>
        %add3A_313 = arith.constant 0 : i32
        %add3A_314 = arith.addi %mul3A_291, %add3A_313 : i32
        %swap3A_315 = arith.index_cast %add3A_314 : i32 to index
        %swap3A_316 = arith.constant 16 : index
        %swap3A_317 = tpu.vector_load %arg11[%swap3A_315, %swap3A_316] {strides = array<i32>} : memref<128x128xf32, #tpu.memory_space<vmem>>, vector<16xf32>,
        tpu.vector_store %arg11[%swap3A_315, %swap3A_316], %mul3A_312 {strides = array<i32>} : memref<128x128xf32, #tpu.memory_space<vmem>>, vector<16xf32>,
        %add3A_318 = arith.constant 0 : i32
        %add3A_319 = arith.addi %mul3A_291, %add3A_318 : i32
        %get3A_320 = arith.index_cast %add3A_319 : i32 to index
        %get3A_321 = arith.constant 32 : index
        %get3A_322 = tpu.vector_load %arg11[%get3A_320, %get3A_321] {strides = array<i32>} : memref<128x128xf32, #tpu.memory_space<vmem>>, vector<16xf32>,
        %mul3A_323 = arith.mulf %get3A_322, %gather3A_295 : vector<16xf32>
        %add3A_324 = arith.constant 0 : i32
        %add3A_325 = arith.addi %mul3A_291, %add3A_324 : i32
        %swap3A_326 = arith.index_cast %add3A_325 : i32 to index
        %swap3A_327 = arith.constant 32 : index
        %swap3A_328 = tpu.vector_load %arg11[%swap3A_326, %swap3A_327] {strides = array<i32>} : memref<128x128xf32, #tpu.memory_space<vmem>>, vector<16xf32>,
        tpu.vector_store %arg11[%swap3A_326, %swap3A_327], %mul3A_323 {strides = array<i32>} : memref<128x128xf32, #tpu.memory_space<vmem>>, vector<16xf32>,
        %add3A_329 = arith.constant 0 : i32
        %add3A_330 = arith.addi %mul3A_291, %add3A_329 : i32
        %get3A_331 = arith.index_cast %add3A_330 : i32 to index
        %get3A_332 = arith.constant 48 : index
        %get3A_333 = tpu.vector_load %arg11[%get3A_331, %get3A_332] {strides = array<i32>} : memref<128x128xf32, #tpu.memory_space<vmem>>, vector<16xf32>,
        %mul3A_334 = arith.mulf %get3A_333, %gather3A_295 : vector<16xf32>
        %add3A_335 = arith.constant 0 : i32
        %add3A_336 = arith.addi %mul3A_291, %add3A_335 : i32
        %swap3A_337 = arith.index_cast %add3A_336 : i32 to index
        %swap3A_338 = arith.constant 48 : index
        %swap3A_339 = tpu.vector_load %arg11[%swap3A_337, %swap3A_338] {strides = array<i32>} : memref<128x128xf32, #tpu.memory_space<vmem>>, vector<16xf32>,
        tpu.vector_store %arg11[%swap3A_337, %swap3A_338], %mul3A_334 {strides = array<i32>} : memref<128x128xf32, #tpu.memory_space<vmem>>, vector<16xf32>,
        %add3A_340 = arith.constant 0 : i32
        %add3A_341 = arith.addi %mul3A_291, %add3A_340 : i32
        %get3A_342 = arith.index_cast %add3A_341 : i32 to index
        %get3A_343 = arith.constant 64 : index
        %get3A_344 = tpu.vector_load %arg11[%get3A_342, %get3A_343] {strides = array<i32>} : memref<128x128xf32, #tpu.memory_space<vmem>>, vector<16xf32>,
        %mul3A_345 = arith.mulf %get3A_344, %gather3A_295 : vector<16xf32>
        %add3A_346 = arith.constant 0 : i32
        %add3A_347 = arith.addi %mul3A_291, %add3A_346 : i32
        %swap3A_348 = arith.index_cast %add3A_347 : i32 to index
        %swap3A_349 = arith.constant 64 : index
        %swap3A_350 = tpu.vector_load %arg11[%swap3A_348, %swap3A_349] {strides = array<i32>} : memref<128x128xf32, #tpu.memory_space<vmem>>, vector<16xf32>,
        tpu.vector_store %arg11[%swap3A_348, %swap3A_349], %mul3A_345 {strides = array<i32>} : memref<128x128xf32, #tpu.memory_space<vmem>>, vector<16xf32>,
        %add3A_351 = arith.constant 0 : i32
        %add3A_352 = arith.addi %mul3A_291, %add3A_351 : i32
        %get3A_353 = arith.index_cast %add3A_352 : i32 to index
        %get3A_354 = arith.constant 80 : index
        %get3A_355 = tpu.vector_load %arg11[%get3A_353, %get3A_354] {strides = array<i32>} : memref<128x128xf32, #tpu.memory_space<vmem>>, vector<16xf32>,
        %mul3A_356 = arith.mulf %get3A_355, %gather3A_295 : vector<16xf32>
        %add3A_357 = arith.constant 0 : i32
        %add3A_358 = arith.addi %mul3A_291, %add3A_357 : i32
        %swap3A_359 = arith.index_cast %add3A_358 : i32 to index
        %swap3A_360 = arith.constant 80 : index
        %swap3A_361 = tpu.vector_load %arg11[%swap3A_359, %swap3A_360] {strides = array<i32>} : memref<128x128xf32, #tpu.memory_space<vmem>>, vector<16xf32>,
        tpu.vector_store %arg11[%swap3A_359, %swap3A_360], %mul3A_356 {strides = array<i32>} : memref<128x128xf32, #tpu.memory_space<vmem>>, vector<16xf32>,
        %add3A_362 = arith.constant 0 : i32
        %add3A_363 = arith.addi %mul3A_291, %add3A_362 : i32
        %get3A_364 = arith.index_cast %add3A_363 : i32 to index
        %get3A_365 = arith.constant 96 : index
        %get3A_366 = tpu.vector_load %arg11[%get3A_364, %get3A_365] {strides = array<i32>} : memref<128x128xf32, #tpu.memory_space<vmem>>, vector<16xf32>,
        %mul3A_367 = arith.mulf %get3A_366, %gather3A_295 : vector<16xf32>
        %add3A_368 = arith.constant 0 : i32
        %add3A_369 = arith.addi %mul3A_291, %add3A_368 : i32
        %swap3A_370 = arith.index_cast %add3A_369 : i32 to index
        %swap3A_371 = arith.constant 96 : index
        %swap3A_372 = tpu.vector_load %arg11[%swap3A_370, %swap3A_371] {strides = array<i32>} : memref<128x128xf32, #tpu.memory_space<vmem>>, vector<16xf32>,
        tpu.vector_store %arg11[%swap3A_370, %swap3A_371], %mul3A_367 {strides = array<i32>} : memref<128x128xf32, #tpu.memory_space<vmem>>, vector<16xf32>,
        %add3A_373 = arith.constant 0 : i32
        %add3A_374 = arith.addi %mul3A_291, %add3A_373 : i32
        %get3A_375 = arith.index_cast %add3A_374 : i32 to index
        %get3A_376 = arith.constant 112 : index
        %get3A_377 = tpu.vector_load %arg11[%get3A_375, %get3A_376] {strides = array<i32>} : memref<128x128xf32, #tpu.memory_space<vmem>>, vector<16xf32>,
        %mul3A_378 = arith.mulf %get3A_377, %gather3A_295 : vector<16xf32>
        %add3A_379 = arith.constant 0 : i32
        %add3A_380 = arith.addi %mul3A_291, %add3A_379 : i32
        %swap3A_381 = arith.index_cast %add3A_380 : i32 to index
        %swap3A_382 = arith.constant 112 : index
        %swap3A_383 = tpu.vector_load %arg11[%swap3A_381, %swap3A_382] {strides = array<i32>} : memref<128x128xf32, #tpu.memory_space<vmem>>, vector<16xf32>,
        tpu.vector_store %arg11[%swap3A_381, %swap3A_382], %mul3A_378 {strides = array<i32>} : memref<128x128xf32, #tpu.memory_space<vmem>>, vector<16xf32>,
        %add3A_384 = arith.constant 1 : i32
        %add3A_385 = arith.addi %mul3A_291, %add3A_384 : i32
        %broadcast_in_dim3A_386 = vector.broadcast %add3A_385 : i32 to vector<16xi32>
        %gather3A_387 = tpu.vector_load_idx %arg12[%broadcast_in_dim3A_386] : memref<128xf32, #tpu.memory_space<vmem>>[vector<16xi32>], vector<16xf32>,
        %add3A_388 = arith.constant 1 : i32
        %add3A_389 = arith.addi %mul3A_291, %add3A_388 : i32
        %get3A_390 = arith.index_cast %add3A_389 : i32 to index
        %get3A_391 = arith.constant 0 : index
        %get3A_392 = tpu.vector_load %arg11[%get3A_390, %get3A_391] {strides = array<i32>} : memref<128x128xf32, #tpu.memory_space<vmem>>, vector<16xf32>,
        %mul3A_393 = arith.mulf %get3A_392, %gather3A_387 : vector<16xf32>
        %add3A_394 = arith.constant 1 : i32
        %add3A_395 = arith.addi %mul3A_291, %add3A_394 : i32
        %swap3A_396 = arith.index_cast %add3A_395 : i32 to index
        %swap3A_397 = arith.constant 0 : index
        %swap3A_398 = tpu.vector_load %arg11[%swap3A_396, %swap3A_397] {strides = array<i32>} : memref<128x128xf32, #tpu.memory_space<vmem>>, vector<16xf32>,
        tpu.vector_store %arg11[%swap3A_396, %swap3A_397], %mul3A_393 {strides = array<i32>} : memref<128x128xf32, #tpu.memory_space<vmem>>, vector<16xf32>,
        %add3A_399 = arith.constant 1 : i32
        %add3A_400 = arith.addi %mul3A_291, %add3A_399 : i32
        %get3A_401 = arith.index_cast %add3A_400 : i32 to index
        %get3A_402 = arith.constant 16 : index
        %get3A_403 = tpu.vector_load %arg11[%get3A_401, %get3A_402] {strides = array<i32>} : memref<128x128xf32, #tpu.memory_space<vmem>>, vector<16xf32>,
        %mul3A_404 = arith.mulf %get3A_403, %gather3A_387 : vector<16xf32>
        %add3A_405 = arith.constant 1 : i32
        %add3A_406 = arith.addi %mul3A_291, %add3A_405 : i32
        %swap3A_407 = arith.index_cast %add3A_406 : i32 to index
        %swap3A_408 = arith.constant 16 : index
        %swap3A_409 = tpu.vector_load %arg11[%swap3A_407, %swap3A_408] {strides = array<i32>} : memref<128x128xf32, #tpu.memory_space<vmem>>, vector<16xf32>,
        tpu.vector_store %arg11[%swap3A_407, %swap3A_408], %mul3A_404 {strides = array<i32>} : memref<128x128xf32, #tpu.memory_space<vmem>>, vector<16xf32>,
        %add3A_410 = arith.constant 1 : i32
        %add3A_411 = arith.addi %mul3A_291, %add3A_410 : i32
        %get3A_412 = arith.index_cast %add3A_411 : i32 to index
        %get3A_413 = arith.constant 32 : index
        %get3A_414 = tpu.vector_load %arg11[%get3A_412, %get3A_413] {strides = array<i32>} : memref<128x128xf32, #tpu.memory_space<vmem>>, vector<16xf32>,
        %mul3A_415 = arith.mulf %get3A_414, %gather3A_387 : vector<16xf32>
        %add3A_416 = arith.constant 1 : i32
        %add3A_417 = arith.addi %mul3A_291, %add3A_416 : i32
        %swap3A_418 = arith.index_cast %add3A_417 : i32 to index
        %swap3A_419 = arith.constant 32 : index
        %swap3A_420 = tpu.vector_load %arg11[%swap3A_418, %swap3A_419] {strides = array<i32>} : memref<128x128xf32, #tpu.memory_space<vmem>>, vector<16xf32>,
        tpu.vector_store %arg11[%swap3A_418, %swap3A_419], %mul3A_415 {strides = array<i32>} : memref<128x128xf32, #tpu.memory_space<vmem>>, vector<16xf32>,
        %add3A_421 = arith.constant 1 : i32
        %add3A_422 = arith.addi %mul3A_291, %add3A_421 : i32
        %get3A_423 = arith.index_cast %add3A_422 : i32 to index
        %get3A_424 = arith.constant 48 : index
        %get3A_425 = tpu.vector_load %arg11[%get3A_423, %get3A_424] {strides = array<i32>} : memref<128x128xf32, #tpu.memory_space<vmem>>, vector<16xf32>,
        %mul3A_426 = arith.mulf %get3A_425, %gather3A_387 : vector<16xf32>
        %add3A_427 = arith.constant 1 : i32
        %add3A_428 = arith.addi %mul3A_291, %add3A_427 : i32
        %swap3A_429 = arith.index_cast %add3A_428 : i32 to index
        %swap3A_430 = arith.constant 48 : index
        %swap3A_431 = tpu.vector_load %arg11[%swap3A_429, %swap3A_430] {strides = array<i32>} : memref<128x128xf32, #tpu.memory_space<vmem>>, vector<16xf32>,
        tpu.vector_store %arg11[%swap3A_429, %swap3A_430], %mul3A_426 {strides = array<i32>} : memref<128x128xf32, #tpu.memory_space<vmem>>, vector<16xf32>,
        %add3A_432 = arith.constant 1 : i32
        %add3A_433 = arith.addi %mul3A_291, %add3A_432 : i32
        %get3A_434 = arith.index_cast %add3A_433 : i32 to index
        %get3A_435 = arith.constant 64 : index
        %get3A_436 = tpu.vector_load %arg11[%get3A_434, %get3A_435] {strides = array<i32>} : memref<128x128xf32, #tpu.memory_space<vmem>>, vector<16xf32>,
        %mul3A_437 = arith.mulf %get3A_436, %gather3A_387 : vector<16xf32>
        %add3A_438 = arith.constant 1 : i32
        %add3A_439 = arith.addi %mul3A_291, %add3A_438 : i32
        %swap3A_440 = arith.index_cast %add3A_439 : i32 to index
        %swap3A_441 = arith.constant 64 : index
        %swap3A_442 = tpu.vector_load %arg11[%swap3A_440, %swap3A_441] {strides = array<i32>} : memref<128x128xf32, #tpu.memory_space<vmem>>, vector<16xf32>,
        tpu.vector_store %arg11[%swap3A_440, %swap3A_441], %mul3A_437 {strides = array<i32>} : memref<128x128xf32, #tpu.memory_space<vmem>>, vector<16xf32>,
        %add3A_443 = arith.constant 1 : i32
        %add3A_444 = arith.addi %mul3A_291, %add3A_443 : i32
        %get3A_445 = arith.index_cast %add3A_444 : i32 to index
        %get3A_446 = arith.constant 80 : index
        %get3A_447 = tpu.vector_load %arg11[%get3A_445, %get3A_446] {strides = array<i32>} : memref<128x128xf32, #tpu.memory_space<vmem>>, vector<16xf32>,
        %mul3A_448 = arith.mulf %get3A_447, %gather3A_387 : vector<16xf32>
        %add3A_449 = arith.constant 1 : i32
        %add3A_450 = arith.addi %mul3A_291, %add3A_449 : i32
        %swap3A_451 = arith.index_cast %add3A_450 : i32 to index
        %swap3A_452 = arith.constant 80 : index
        %swap3A_453 = tpu.vector_load %arg11[%swap3A_451, %swap3A_452] {strides = array<i32>} : memref<128x128xf32, #tpu.memory_space<vmem>>, vector<16xf32>,
        tpu.vector_store %arg11[%swap3A_451, %swap3A_452], %mul3A_448 {strides = array<i32>} : memref<128x128xf32, #tpu.memory_space<vmem>>, vector<16xf32>,
        %add3A_454 = arith.constant 1 : i32
        %add3A_455 = arith.addi %mul3A_291, %add3A_454 : i32
        %get3A_456 = arith.index_cast %add3A_455 : i32 to index
        %get3A_457 = arith.constant 96 : index
        %get3A_458 = tpu.vector_load %arg11[%get3A_456, %get3A_457] {strides = array<i32>} : memref<128x128xf32, #tpu.memory_space<vmem>>, vector<16xf32>,
        %mul3A_459 = arith.mulf %get3A_458, %gather3A_387 : vector<16xf32>
        %add3A_460 = arith.constant 1 : i32
        %add3A_461 = arith.addi %mul3A_291, %add3A_460 : i32
        %swap3A_462 = arith.index_cast %add3A_461 : i32 to index
        %swap3A_463 = arith.constant 96 : index
        %swap3A_464 = tpu.vector_load %arg11[%swap3A_462, %swap3A_463] {strides = array<i32>} : memref<128x128xf32, #tpu.memory_space<vmem>>, vector<16xf32>,
        tpu.vector_store %arg11[%swap3A_462, %swap3A_463], %mul3A_459 {strides = array<i32>} : memref<128x128xf32, #tpu.memory_space<vmem>>, vector<16xf32>,
        %add3A_465 = arith.constant 1 : i32
        %add3A_466 = arith.addi %mul3A_291, %add3A_465 : i32
        %get3A_467 = arith.index_cast %add3A_466 : i32 to index
        %get3A_468 = arith.constant 112 : index
        %get3A_469 = tpu.vector_load %arg11[%get3A_467, %get3A_468] {strides = array<i32>} : memref<128x128xf32, #tpu.memory_space<vmem>>, vector<16xf32>,
        %mul3A_470 = arith.mulf %get3A_469, %gather3A_387 : vector<16xf32>
        %add3A_471 = arith.constant 1 : i32
        %add3A_472 = arith.addi %mul3A_291, %add3A_471 : i32
        %swap3A_473 = arith.index_cast %add3A_472 : i32 to index
        %swap3A_474 = arith.constant 112 : index
        %swap3A_475 = tpu.vector_load %arg11[%swap3A_473, %swap3A_474] {strides = array<i32>} : memref<128x128xf32, #tpu.memory_space<vmem>>, vector<16xf32>,
        tpu.vector_store %arg11[%swap3A_473, %swap3A_474], %mul3A_470 {strides = array<i32>} : memref<128x128xf32, #tpu.memory_space<vmem>>, vector<16xf32>,
        %add3A_476 = arith.constant 2 : i32
        %add3A_477 = arith.addi %mul3A_291, %add3A_476 : i32
        %broadcast_in_dim3A_478 = vector.broadcast %add3A_477 : i32 to vector<16xi32>
        %gather3A_479 = tpu.vector_load_idx %arg12[%broadcast_in_dim3A_478] : memref<128xf32, #tpu.memory_space<vmem>>[vector<16xi32>], vector<16xf32>,
        %add3A_480 = arith.constant 2 : i32
        %add3A_481 = arith.addi %mul3A_291, %add3A_480 : i32
        %get3A_482 = arith.index_cast %add3A_481 : i32 to index
        %get3A_483 = arith.constant 0 : index
        %get3A_484 = tpu.vector_load %arg11[%get3A_482, %get3A_483] {strides = array<i32>} : memref<128x128xf32, #tpu.memory_space<vmem>>, vector<16xf32>,
        %mul3A_485 = arith.mulf %get3A_484, %gather3A_479 : vector<16xf32>
        %add3A_486 = arith.constant 2 : i32
        %add3A_487 = arith.addi %mul3A_291, %add3A_486 : i32
        %swap3A_488 = arith.index_cast %add3A_487 : i32 to index
        %swap3A_489 = arith.constant 0 : index
        %swap3A_490 = tpu.vector_load %arg11[%swap3A_488, %swap3A_489] {strides = array<i32>} : memref<128x128xf32, #tpu.memory_space<vmem>>, vector<16xf32>,
        tpu.vector_store %arg11[%swap3A_488, %swap3A_489], %mul3A_485 {strides = array<i32>} : memref<128x128xf32, #tpu.memory_space<vmem>>, vector<16xf32>,
        %add3A_491 = arith.constant 2 : i32
        %add3A_492 = arith.addi %mul3A_291, %add3A_491 : i32
        %get3A_493 = arith.index_cast %add3A_492 : i32 to index
        %get3A_494 = arith.constant 16 : index
        %get3A_495 = tpu.vector_load %arg11[%get3A_493, %get3A_494] {strides = array<i32>} : memref<128x128xf32, #tpu.memory_space<vmem>>, vector<16xf32>,
        %mul3A_496 = arith.mulf %get3A_495, %gather3A_479 : vector<16xf32>
        %add3A_497 = arith.constant 2 : i32
        %add3A_498 = arith.addi %mul3A_291, %add3A_497 : i32
        %swap3A_499 = arith.index_cast %add3A_498 : i32 to index
        %swap3A_500 = arith.constant 16 : index
        %swap3A_501 = tpu.vector_load %arg11[%swap3A_499, %swap3A_500] {strides = array<i32>} : memref<128x128xf32, #tpu.memory_space<vmem>>, vector<16xf32>,
        tpu.vector_store %arg11[%swap3A_499, %swap3A_500], %mul3A_496 {strides = array<i32>} : memref<128x128xf32, #tpu.memory_space<vmem>>, vector<16xf32>,
        %add3A_502 = arith.constant 2 : i32
        %add3A_503 = arith.addi %mul3A_291, %add3A_502 : i32
        %get3A_504 = arith.index_cast %add3A_503 : i32 to index
        %get3A_505 = arith.constant 32 : index
        %get3A_506 = tpu.vector_load %arg11[%get3A_504, %get3A_505] {strides = array<i32>} : memref<128x128xf32, #tpu.memory_space<vmem>>, vector<16xf32>,
        %mul3A_507 = arith.mulf %get3A_506, %gather3A_479 : vector<16xf32>
        %add3A_508 = arith.constant 2 : i32
        %add3A_509 = arith.addi %mul3A_291, %add3A_508 : i32
        %swap3A_510 = arith.index_cast %add3A_509 : i32 to index
        %swap3A_511 = arith.constant 32 : index
        %swap3A_512 = tpu.vector_load %arg11[%swap3A_510, %swap3A_511] {strides = array<i32>} : memref<128x128xf32, #tpu.memory_space<vmem>>, vector<16xf32>,
        tpu.vector_store %arg11[%swap3A_510, %swap3A_511], %mul3A_507 {strides = array<i32>} : memref<128x128xf32, #tpu.memory_space<vmem>>, vector<16xf32>,
        %add3A_513 = arith.constant 2 : i32
        %add3A_514 = arith.addi %mul3A_291, %add3A_513 : i32
        %get3A_515 = arith.index_cast %add3A_514 : i32 to index
        %get3A_516 = arith.constant 48 : index
        %get3A_517 = tpu.vector_load %arg11[%get3A_515, %get3A_516] {strides = array<i32>} : memref<128x128xf32, #tpu.memory_space<vmem>>, vector<16xf32>,
        %mul3A_518 = arith.mulf %get3A_517, %gather3A_479 : vector<16xf32>
        %add3A_519 = arith.constant 2 : i32
        %add3A_520 = arith.addi %mul3A_291, %add3A_519 : i32
        %swap3A_521 = arith.index_cast %add3A_520 : i32 to index
        %swap3A_522 = arith.constant 48 : index
        %swap3A_523 = tpu.vector_load %arg11[%swap3A_521, %swap3A_522] {strides = array<i32>} : memref<128x128xf32, #tpu.memory_space<vmem>>, vector<16xf32>,
        tpu.vector_store %arg11[%swap3A_521, %swap3A_522], %mul3A_518 {strides = array<i32>} : memref<128x128xf32, #tpu.memory_space<vmem>>, vector<16xf32>,
        %add3A_524 = arith.constant 2 : i32
        %add3A_525 = arith.addi %mul3A_291, %add3A_524 : i32
        %get3A_526 = arith.index_cast %add3A_525 : i32 to index
        %get3A_527 = arith.constant 64 : index
        %get3A_528 = tpu.vector_load %arg11[%get3A_526, %get3A_527] {strides = array<i32>} : memref<128x128xf32, #tpu.memory_space<vmem>>, vector<16xf32>,
        %mul3A_529 = arith.mulf %get3A_528, %gather3A_479 : vector<16xf32>
        %add3A_530 = arith.constant 2 : i32
        %add3A_531 = arith.addi %mul3A_291, %add3A_530 : i32
        %swap3A_532 = arith.index_cast %add3A_531 : i32 to index
        %swap3A_533 = arith.constant 64 : index
        %swap3A_534 = tpu.vector_load %arg11[%swap3A_532, %swap3A_533] {strides = array<i32>} : memref<128x128xf32, #tpu.memory_space<vmem>>, vector<16xf32>,
        tpu.vector_store %arg11[%swap3A_532, %swap3A_533], %mul3A_529 {strides = array<i32>} : memref<128x128xf32, #tpu.memory_space<vmem>>, vector<16xf32>,
        %add3A_535 = arith.constant 2 : i32
        %add3A_536 = arith.addi %mul3A_291, %add3A_535 : i32
        %get3A_537 = arith.index_cast %add3A_536 : i32 to index
        %get3A_538 = arith.constant 80 : index
        %get3A_539 = tpu.vector_load %arg11[%get3A_537, %get3A_538] {strides = array<i32>} : memref<128x128xf32, #tpu.memory_space<vmem>>, vector<16xf32>,
        %mul3A_540 = arith.mulf %get3A_539, %gather3A_479 : vector<16xf32>
        %add3A_541 = arith.constant 2 : i32
        %add3A_542 = arith.addi %mul3A_291, %add3A_541 : i32
        %swap3A_543 = arith.index_cast %add3A_542 : i32 to index
        %swap3A_544 = arith.constant 80 : index
        %swap3A_545 = tpu.vector_load %arg11[%swap3A_543, %swap3A_544] {strides = array<i32>} : memref<128x128xf32, #tpu.memory_space<vmem>>, vector<16xf32>,
        tpu.vector_store %arg11[%swap3A_543, %swap3A_544], %mul3A_540 {strides = array<i32>} : memref<128x128xf32, #tpu.memory_space<vmem>>, vector<16xf32>,
        %add3A_546 = arith.constant 2 : i32
        %add3A_547 = arith.addi %mul3A_291, %add3A_546 : i32
        %get3A_548 = arith.index_cast %add3A_547 : i32 to index
        %get3A_549 = arith.constant 96 : index
        %get3A_550 = tpu.vector_load %arg11[%get3A_548, %get3A_549] {strides = array<i32>} : memref<128x128xf32, #tpu.memory_space<vmem>>, vector<16xf32>,
        %mul3A_551 = arith.mulf %get3A_550, %gather3A_479 : vector<16xf32>
        %add3A_552 = arith.constant 2 : i32
        %add3A_553 = arith.addi %mul3A_291, %add3A_552 : i32
        %swap3A_554 = arith.index_cast %add3A_553 : i32 to index
        %swap3A_555 = arith.constant 96 : index
        %swap3A_556 = tpu.vector_load %arg11[%swap3A_554, %swap3A_555] {strides = array<i32>} : memref<128x128xf32, #tpu.memory_space<vmem>>, vector<16xf32>,
        tpu.vector_store %arg11[%swap3A_554, %swap3A_555], %mul3A_551 {strides = array<i32>} : memref<128x128xf32, #tpu.memory_space<vmem>>, vector<16xf32>,
        %add3A_557 = arith.constant 2 : i32
        %add3A_558 = arith.addi %mul3A_291, %add3A_557 : i32
        %get3A_559 = arith.index_cast %add3A_558 : i32 to index
        %get3A_560 = arith.constant 112 : index
        %get3A_561 = tpu.vector_load %arg11[%get3A_559, %get3A_560] {strides = array<i32>} : memref<128x128xf32, #tpu.memory_space<vmem>>, vector<16xf32>,
        %mul3A_562 = arith.mulf %get3A_561, %gather3A_479 : vector<16xf32>
        %add3A_563 = arith.constant 2 : i32
        %add3A_564 = arith.addi %mul3A_291, %add3A_563 : i32
        %swap3A_565 = arith.index_cast %add3A_564 : i32 to index
        %swap3A_566 = arith.constant 112 : index
        %swap3A_567 = tpu.vector_load %arg11[%swap3A_565, %swap3A_566] {strides = array<i32>} : memref<128x128xf32, #tpu.memory_space<vmem>>, vector<16xf32>,
        tpu.vector_store %arg11[%swap3A_565, %swap3A_566], %mul3A_562 {strides = array<i32>} : memref<128x128xf32, #tpu.memory_space<vmem>>, vector<16xf32>,
        %add3A_568 = arith.constant 3 : i32
        %add3A_569 = arith.addi %mul3A_291, %add3A_568 : i32
        %broadcast_in_dim3A_570 = vector.broadcast %add3A_569 : i32 to vector<16xi32>
        %gather3A_571 = tpu.vector_load_idx %arg12[%broadcast_in_dim3A_570] : memref<128xf32, #tpu.memory_space<vmem>>[vector<16xi32>], vector<16xf32>,
        %add3A_572 = arith.constant 3 : i32
        %add3A_573 = arith.addi %mul3A_291, %add3A_572 : i32
        %get3A_574 = arith.index_cast %add3A_573 : i32 to index
        %get3A_575 = arith.constant 0 : index
        %get3A_576 = tpu.vector_load %arg11[%get3A_574, %get3A_575] {strides = array<i32>} : memref<128x128xf32, #tpu.memory_space<vmem>>, vector<16xf32>,
        %mul3A_577 = arith.mulf %get3A_576, %gather3A_571 : vector<16xf32>
        %add3A_578 = arith.constant 3 : i32
        %add3A_579 = arith.addi %mul3A_291, %add3A_578 : i32
        %swap3A_580 = arith.index_cast %add3A_579 : i32 to index
        %swap3A_581 = arith.constant 0 : index
        %swap3A_582 = tpu.vector_load %arg11[%swap3A_580, %swap3A_581] {strides = array<i32>} : memref<128x128xf32, #tpu.memory_space<vmem>>, vector<16xf32>,
        tpu.vector_store %arg11[%swap3A_580, %swap3A_581], %mul3A_577 {strides = array<i32>} : memref<128x128xf32, #tpu.memory_space<vmem>>, vector<16xf32>,
        %add3A_583 = arith.constant 3 : i32
        %add3A_584 = arith.addi %mul3A_291, %add3A_583 : i32
        %get3A_585 = arith.index_cast %add3A_584 : i32 to index
        %get3A_586 = arith.constant 16 : index
        %get3A_587 = tpu.vector_load %arg11[%get3A_585, %get3A_586] {strides = array<i32>} : memref<128x128xf32, #tpu.memory_space<vmem>>, vector<16xf32>,
        %mul3A_588 = arith.mulf %get3A_587, %gather3A_571 : vector<16xf32>
        %add3A_589 = arith.constant 3 : i32
        %add3A_590 = arith.addi %mul3A_291, %add3A_589 : i32
        %swap3A_591 = arith.index_cast %add3A_590 : i32 to index
        %swap3A_592 = arith.constant 16 : index
        %swap3A_593 = tpu.vector_load %arg11[%swap3A_591, %swap3A_592] {strides = array<i32>} : memref<128x128xf32, #tpu.memory_space<vmem>>, vector<16xf32>,
        tpu.vector_store %arg11[%swap3A_591, %swap3A_592], %mul3A_588 {strides = array<i32>} : memref<128x128xf32, #tpu.memory_space<vmem>>, vector<16xf32>,
        %add3A_594 = arith.constant 3 : i32
        %add3A_595 = arith.addi %mul3A_291, %add3A_594 : i32
        %get3A_596 = arith.index_cast %add3A_595 : i32 to index
        %get3A_597 = arith.constant 32 : index
        %get3A_598 = tpu.vector_load %arg11[%get3A_596, %get3A_597] {strides = array<i32>} : memref<128x128xf32, #tpu.memory_space<vmem>>, vector<16xf32>,
        %mul3A_599 = arith.mulf %get3A_598, %gather3A_571 : vector<16xf32>
        %add3A_600 = arith.constant 3 : i32
        %add3A_601 = arith.addi %mul3A_291, %add3A_600 : i32
        %swap3A_602 = arith.index_cast %add3A_601 : i32 to index
        %swap3A_603 = arith.constant 32 : index
        %swap3A_604 = tpu.vector_load %arg11[%swap3A_602, %swap3A_603] {strides = array<i32>} : memref<128x128xf32, #tpu.memory_space<vmem>>, vector<16xf32>,
        tpu.vector_store %arg11[%swap3A_602, %swap3A_603], %mul3A_599 {strides = array<i32>} : memref<128x128xf32, #tpu.memory_space<vmem>>, vector<16xf32>,
        %add3A_605 = arith.constant 3 : i32
        %add3A_606 = arith.addi %mul3A_291, %add3A_605 : i32
        %get3A_607 = arith.index_cast %add3A_606 : i32 to index
        %get3A_608 = arith.constant 48 : index
        %get3A_609 = tpu.vector_load %arg11[%get3A_607, %get3A_608] {strides = array<i32>} : memref<128x128xf32, #tpu.memory_space<vmem>>, vector<16xf32>,
        %mul3A_610 = arith.mulf %get3A_609, %gather3A_571 : vector<16xf32>
        %add3A_611 = arith.constant 3 : i32
        %add3A_612 = arith.addi %mul3A_291, %add3A_611 : i32
        %swap3A_613 = arith.index_cast %add3A_612 : i32 to index
        %swap3A_614 = arith.constant 48 : index
        %swap3A_615 = tpu.vector_load %arg11[%swap3A_613, %swap3A_614] {strides = array<i32>} : memref<128x128xf32, #tpu.memory_space<vmem>>, vector<16xf32>,
        tpu.vector_store %arg11[%swap3A_613, %swap3A_614], %mul3A_610 {strides = array<i32>} : memref<128x128xf32, #tpu.memory_space<vmem>>, vector<16xf32>,
        %add3A_616 = arith.constant 3 : i32
        %add3A_617 = arith.addi %mul3A_291, %add3A_616 : i32
        %get3A_618 = arith.index_cast %add3A_617 : i32 to index
        %get3A_619 = arith.constant 64 : index
        %get3A_620 = tpu.vector_load %arg11[%get3A_618, %get3A_619] {strides = array<i32>} : memref<128x128xf32, #tpu.memory_space<vmem>>, vector<16xf32>,
        %mul3A_621 = arith.mulf %get3A_620, %gather3A_571 : vector<16xf32>
        %add3A_622 = arith.constant 3 : i32
        %add3A_623 = arith.addi %mul3A_291, %add3A_622 : i32
        %swap3A_624 = arith.index_cast %add3A_623 : i32 to index
        %swap3A_625 = arith.constant 64 : index
        %swap3A_626 = tpu.vector_load %arg11[%swap3A_624, %swap3A_625] {strides = array<i32>} : memref<128x128xf32, #tpu.memory_space<vmem>>, vector<16xf32>,
        tpu.vector_store %arg11[%swap3A_624, %swap3A_625], %mul3A_621 {strides = array<i32>} : memref<128x128xf32, #tpu.memory_space<vmem>>, vector<16xf32>,
        %add3A_627 = arith.constant 3 : i32
        %add3A_628 = arith.addi %mul3A_291, %add3A_627 : i32
        %get3A_629 = arith.index_cast %add3A_628 : i32 to index
        %get3A_630 = arith.constant 80 : index
        %get3A_631 = tpu.vector_load %arg11[%get3A_629, %get3A_630] {strides = array<i32>} : memref<128x128xf32, #tpu.memory_space<vmem>>, vector<16xf32>,
        %mul3A_632 = arith.mulf %get3A_631, %gather3A_571 : vector<16xf32>
        %add3A_633 = arith.constant 3 : i32
        %add3A_634 = arith.addi %mul3A_291, %add3A_633 : i32
        %swap3A_635 = arith.index_cast %add3A_634 : i32 to index
        %swap3A_636 = arith.constant 80 : index
        %swap3A_637 = tpu.vector_load %arg11[%swap3A_635, %swap3A_636] {strides = array<i32>} : memref<128x128xf32, #tpu.memory_space<vmem>>, vector<16xf32>,
        tpu.vector_store %arg11[%swap3A_635, %swap3A_636], %mul3A_632 {strides = array<i32>} : memref<128x128xf32, #tpu.memory_space<vmem>>, vector<16xf32>,
        %add3A_638 = arith.constant 3 : i32
        %add3A_639 = arith.addi %mul3A_291, %add3A_638 : i32
        %get3A_640 = arith.index_cast %add3A_639 : i32 to index
        %get3A_641 = arith.constant 96 : index
        %get3A_642 = tpu.vector_load %arg11[%get3A_640, %get3A_641] {strides = array<i32>} : memref<128x128xf32, #tpu.memory_space<vmem>>, vector<16xf32>,
        %mul3A_643 = arith.mulf %get3A_642, %gather3A_571 : vector<16xf32>
        %add3A_644 = arith.constant 3 : i32
        %add3A_645 = arith.addi %mul3A_291, %add3A_644 : i32
        %swap3A_646 = arith.index_cast %add3A_645 : i32 to index
        %swap3A_647 = arith.constant 96 : index
        %swap3A_648 = tpu.vector_load %arg11[%swap3A_646, %swap3A_647] {strides = array<i32>} : memref<128x128xf32, #tpu.memory_space<vmem>>, vector<16xf32>,
        tpu.vector_store %arg11[%swap3A_646, %swap3A_647], %mul3A_643 {strides = array<i32>} : memref<128x128xf32, #tpu.memory_space<vmem>>, vector<16xf32>,
        %add3A_649 = arith.constant 3 : i32
        %add3A_650 = arith.addi %mul3A_291, %add3A_649 : i32
        %get3A_651 = arith.index_cast %add3A_650 : i32 to index
        %get3A_652 = arith.constant 112 : index
        %get3A_653 = tpu.vector_load %arg11[%get3A_651, %get3A_652] {strides = array<i32>} : memref<128x128xf32, #tpu.memory_space<vmem>>, vector<16xf32>,
        %mul3A_654 = arith.mulf %get3A_653, %gather3A_571 : vector<16xf32>
        %add3A_655 = arith.constant 3 : i32
        %add3A_656 = arith.addi %mul3A_291, %add3A_655 : i32
        %swap3A_657 = arith.index_cast %add3A_656 : i32 to index
        %swap3A_658 = arith.constant 112 : index
        %swap3A_659 = tpu.vector_load %arg11[%swap3A_657, %swap3A_658] {strides = array<i32>} : memref<128x128xf32, #tpu.memory_space<vmem>>, vector<16xf32>,
        tpu.vector_store %arg11[%swap3A_657, %swap3A_658], %mul3A_654 {strides = array<i32>} : memref<128x128xf32, #tpu.memory_space<vmem>>, vector<16xf32>,
      }
      %run_scoped3A_286 = arith.constant 1 : i32
      "tpu.region"() ({
        %run_scoped3A_287 = tpu.sem_alloc : memref<!tpu.dma_semaphore, #tpu.memory_space<semaphore_mem>>
        %dma_start3A_288 = arith.constant 0 : i32
        %dma_start3A_289 = tpu.memref_slice %arg9[%run_scoped3A_286, %dma_start3A_288] : memref<2x128xi32, #tpu.memory_space<vmem>> -> memref<1x128xi32, #tpu.memory_space<vmem>>
        %dma_start3A_290 = tpu.memref_squeeze %dma_start3A_289 : memref<1x128xi32, #tpu.memory_space<vmem>> -> memref<128xi32, #tpu.memory_space<vmem>>
        %dma_start3A_291 = arith.constant 0 : i32
        %dma_start3A_292 = arith.constant 0 : i32
        %dma_start3A_293 = tpu.memref_slice %arg13[%dma_start3A_291, %dma_start3A_292] : memref<10112x128xf32, #tpu.memory_space<vmem_shared>> -> memref<10112x128xf32, #tpu.memory_space<vmem_shared>>
        tpu.enqueue_indirect_dma source(%arg11 : memref<128x128xf32, #tpu.memory_space<vmem>>) target(%dma_start3A_293 : memref<10112x128xf32, #tpu.memory_space<vmem_shared>>) offsets(%dma_start3A_290 : memref<128xi32, #tpu.memory_space<vmem>>) semaphore(%run_scoped3A_287 : memref<!tpu.dma_semaphore, #tpu.memory_space<semaphore_mem>>) {add = true}
        %dma_wait3A_294 = arith.constant 0 : i32
        %dma_wait3A_295 = tpu.memref_slice %arg9[%run_scoped3A_286, %dma_wait3A_294] : memref<2x128xi32, #tpu.memory_space<vmem>> -> memref<1x128xi32, #tpu.memory_space<vmem>>
        %dma_wait3A_296 = tpu.memref_squeeze %dma_wait3A_295 : memref<1x128xi32, #tpu.memory_space<vmem>> -> memref<128xi32, #tpu.memory_space<vmem>>
        %dma_wait3A_297 = arith.constant 0 : i32
        %dma_wait3A_298 = arith.constant 0 : i32
        %dma_wait3A_299 = tpu.memref_slice %arg13[%dma_wait3A_297, %dma_wait3A_298] : memref<10112x128xf32, #tpu.memory_space<vmem_shared>> -> memref<10112x128xf32, #tpu.memory_space<vmem_shared>>
        tpu.wait_indirect_dma semaphore(%run_scoped3A_287 : memref<!tpu.dma_semaphore, #tpu.memory_space<semaphore_mem>>) src(%arg11 : memref<128x128xf32, #tpu.memory_space<vmem>>) dst(%dma_wait3A_299 : memref<10112x128xf32, #tpu.memory_space<vmem_shared>>)
        tpu.yield
      }) : () -> ()
    }
    %barrier3A_84 = arith.constant 0 : index
    tpu.barrier barrier_id(%barrier3A_84)
    %mul3A_85 = arith.constant 632 : i32
    %mul3A_86 = arith.muli %arg1, %mul3A_85 : i32
    %mul3A_87 = arith.constant 632 : i32
    %mul3A_88 = arith.muli %arg1, %mul3A_87 : i32
    "tpu.region"() ({
      %run_scoped3A_89 = tpu.sem_alloc : memref<!tpu.dma_semaphore, #tpu.memory_space<semaphore_mem>>
      %dma_start3A = arith.constant 0 : i32
      %dma_start3A_90 = tpu.memref_slice %arg5[%arg0, %mul3A_88, %dma_start3A] : memref<2x10112x128xf32, #tpu.memory_space<hbm>> -> memref<1x632x128xf32, #tpu.memory_space<hbm>>
      %dma_start3A_91 = tpu.memref_squeeze %dma_start3A_90 : memref<1x632x128xf32, #tpu.memory_space<hbm>> -> memref<632x128xf32, #tpu.memory_space<hbm>>
      %dma_start3A_92 = arith.constant 0 : i32
      %dma_start3A_93 = tpu.memref_slice %arg13[%mul3A_86, %dma_start3A_92] : memref<10112x128xf32, #tpu.memory_space<vmem_shared>> -> memref<632x128xf32, #tpu.memory_space<vmem_shared>>
      tpu.enqueue_dma source(%dma_start3A_93 : memref<632x128xf32, #tpu.memory_space<vmem_shared>>) target(%dma_start3A_91 : memref<632x128xf32, #tpu.memory_space<hbm>>) target_semaphore(%run_scoped3A_89 : memref<!tpu.dma_semaphore, #tpu.memory_space<semaphore_mem>>)
      %dma_wait3A = arith.constant 0 : i32
      %dma_wait3A_94 = tpu.memref_slice %arg5[%arg0, %mul3A_88, %dma_wait3A] : memref<2x10112x128xf32, #tpu.memory_space<hbm>> -> memref<1x632x128xf32, #tpu.memory_space<hbm>>
      %dma_wait3A_95 = tpu.memref_squeeze %dma_wait3A_94 : memref<1x632x128xf32, #tpu.memory_space<hbm>> -> memref<632x128xf32, #tpu.memory_space<hbm>>
      %dma_wait3A_96 = arith.constant 0 : i32
      %dma_wait3A_97 = tpu.memref_slice %arg13[%mul3A_86, %dma_wait3A_96] : memref<10112x128xf32, #tpu.memory_space<vmem_shared>> -> memref<632x128xf32, #tpu.memory_space<vmem_shared>>
      tpu.wait_dma2 semaphore(%run_scoped3A_89 : memref<!tpu.dma_semaphore, #tpu.memory_space<semaphore_mem>>) src(%dma_wait3A_97 : memref<632x128xf32, #tpu.memory_space<vmem_shared>>) dst(%dma_wait3A_95 : memref<632x128xf32, #tpu.memory_space<hbm>>)
      tpu.yield
    }) : () -> ()
    "tpu.region"() ({
      %run_scoped3A_89 = tpu.sem_alloc : memref<!tpu.dma_semaphore, #tpu.memory_space<semaphore_mem>>
      %dma_start3A = arith.constant 0 : i32
      %dma_start3A_90 = tpu.memref_slice %arg6[%add3A, %dma_start3A] : memref<32x10112xf32, #tpu.memory_space<hbm>> -> memref<1x10112xf32, #tpu.memory_space<hbm>>
      %dma_start3A_91 = tpu.memref_squeeze %dma_start3A_90 : memref<1x10112xf32, #tpu.memory_space<hbm>> -> memref<10112xf32, #tpu.memory_space<hbm>>
      %dma_start3A_92 = arith.constant 0 : i32
      %dma_start3A_93 = tpu.memref_slice %arg6[%add3A, %dma_start3A_92] : memref<32x10112xf32, #tpu.memory_space<hbm>> -> memref<1x10112xf32, #tpu.memory_space<hbm>>
      %dma_start3A_94 = tpu.memref_squeeze %dma_start3A_93 : memref<1x10112xf32, #tpu.memory_space<hbm>> -> memref<10112xf32, #tpu.memory_space<hbm>>
      tpu.enqueue_dma source(%arg10 : memref<10112xf32, #tpu.memory_space<vmem>>) target(%dma_start3A_94 : memref<10112xf32, #tpu.memory_space<hbm>>) target_semaphore(%run_scoped3A_89 : memref<!tpu.dma_semaphore, #tpu.memory_space<semaphore_mem>>)
      %dma_wait3A = arith.constant 0 : i32
      %dma_wait3A_95 = tpu.memref_slice %arg6[%add3A, %dma_wait3A] : memref<32x10112xf32, #tpu.memory_space<hbm>> -> memref<1x10112xf32, #tpu.memory_space<hbm>>
      %dma_wait3A_96 = tpu.memref_squeeze %dma_wait3A_95 : memref<1x10112xf32, #tpu.memory_space<hbm>> -> memref<10112xf32, #tpu.memory_space<hbm>>
      %dma_wait3A_97 = arith.constant 0 : i32
      %dma_wait3A_98 = tpu.memref_slice %arg6[%add3A, %dma_wait3A_97] : memref<32x10112xf32, #tpu.memory_space<hbm>> -> memref<1x10112xf32, #tpu.memory_space<hbm>>
      %dma_wait3A_99 = tpu.memref_squeeze %dma_wait3A_98 : memref<1x10112xf32, #tpu.memory_space<hbm>> -> memref<10112xf32, #tpu.memory_space<hbm>>
      tpu.wait_dma2 semaphore(%run_scoped3A_89 : memref<!tpu.dma_semaphore, #tpu.memory_space<semaphore_mem>>) src(%arg10 : memref<10112xf32, #tpu.memory_space<vmem>>) dst(%dma_wait3A_99 : memref<10112xf32, #tpu.memory_space<hbm>>)
      tpu.yield
    }) : () -> ()
    return
  }
}

module attributes {stable_mosaic.version = 14 : i64} {
  func.func @body(%arg0: memref<10000x128xf32, #tpu.memory_space<vmem>>, %arg1: memref<128x128xf32, #tpu.memory_space<vmem>>, %arg2: memref<2x128xf32, #tpu.memory_space<vmem>>, %arg3: memref<10000x128xf32, #tpu.memory_space<vmem>>, %arg4: memref<2x10112xf32, #tpu.memory_space<vmem>>) attributes {dimension_semantics = [], scalar_prefetch = 0 : i64, scratch_operands = 0 : i64, tpu.core_type = #tpu.core_type<tc>} {
    %get3A = arith.constant 0 : index
    %get3A_0 = arith.constant 0 : index
    %get3A_1 = vector.load %arg0[%get3A, %get3A_0] : memref<10000x128xf32, #tpu.memory_space<vmem>>, vector<10000x128xf32>
    %get3A_2 = arith.constant 0 : index
    %get3A_3 = arith.constant 0 : index
    %get3A_4 = vector.load %arg1[%get3A_2, %get3A_3] : memref<128x128xf32, #tpu.memory_space<vmem>>, vector<128x128xf32>
    %dot_general3A = arith.constant dense<0.000000e+00> : vector<10000x128xf32>
    %dot_general3A_5 = tpu.matmul %get3A_1, %get3A_4, %dot_general3A {dimension_numbers = #tpu.dot_dimension_numbers<[1], [0], [0], [1], [0, 0, 1, 1], [], []>, precision = #tpu.contract_precision<fp32>, transpose_lhs_hint = false} : vector<10000x128xf32>, vector<128x128xf32>, vector<10000x128xf32> -> vector<10000x128xf32>
    %swap3A = arith.constant 0 : index
    %swap3A_6 = arith.constant 0 : index
    %swap3A_7 = vector.load %arg3[%swap3A, %swap3A_6] : memref<10000x128xf32, #tpu.memory_space<vmem>>, vector<10000x128xf32>
    tpu.vector_store %arg3[%swap3A, %swap3A_6], %dot_general3A_5 {strides = array<i32>} : memref<10000x128xf32, #tpu.memory_space<vmem>>, vector<10000x128xf32>,
    %get3A_8 = arith.constant 0 : index
    %get3A_9 = arith.constant 0 : index
    %get3A_10 = vector.load %arg2[%get3A_8, %get3A_9] : memref<2x128xf32, #tpu.memory_space<vmem>>, vector<2x128xf32>
    %dot_general3A_11 = arith.constant dense<0.000000e+00> : vector<2x10000xf32>
    %dot_general3A_12 = tpu.matmul %get3A_10, %dot_general3A_5, %dot_general3A_11 {dimension_numbers = #tpu.dot_dimension_numbers<[1], [1], [0], [0], [0, 0, 1, 0], [], []>, precision = #tpu.contract_precision<fp32>, transpose_lhs_hint = false} : vector<2x128xf32>, vector<10000x128xf32>, vector<2x10000xf32> -> vector<2x10000xf32>
    %broadcast_in_dim3A = arith.constant 0.000000e+00 : f32
    %broadcast_in_dim3A_13 = vector.broadcast %broadcast_in_dim3A : f32 to vector<2x112xf32>
    %concatenate3A = tpu.concatenate %dot_general3A_12, %broadcast_in_dim3A_13 in 1 : vector<2x10000xf32>, vector<2x112xf32> -> vector<2x10112xf32>
    %swap3A_14 = arith.constant 0 : index
    %swap3A_15 = arith.constant 0 : index
    %swap3A_16 = vector.load %arg4[%swap3A_14, %swap3A_15] : memref<2x10112xf32, #tpu.memory_space<vmem>>, vector<2x10112xf32>
    tpu.vector_store %arg4[%swap3A_14, %swap3A_15], %concatenate3A {strides = array<i32>} : memref<2x10112xf32, #tpu.memory_space<vmem>>, vector<2x10112xf32>,
    return
  }
}

module attributes {stable_mosaic.version = 14 : i64} {
  func.func @body(%arg0: memref<2x10112x128xf32, #tpu.memory_space<vmem>>, %arg1: memref<32x10112xf32, #tpu.memory_space<vmem>>, %arg2: memref<1x128xf32, #tpu.memory_space<vmem>>, %arg3: memref<10000x128xf32, #tpu.memory_space<vmem>>) attributes {dimension_semantics = [], scalar_prefetch = 0 : i64, scratch_operands = 0 : i64, tpu.core_type = #tpu.core_type<tc>} {
    %get3A = arith.constant 0 : index
    %get3A_0 = arith.constant 0 : index
    %get3A_1 = arith.constant 0 : index
    %get3A_2 = vector.load %arg0[%get3A, %get3A_0, %get3A_1] : memref<2x10112x128xf32, #tpu.memory_space<vmem>>, vector<1x10112x128xf32>
    %get3A_3 = vector.shape_cast %get3A_2 : vector<1x10112x128xf32> to vector<10112x128xf32>
    %get3A_4 = arith.constant 1 : index
    %get3A_5 = arith.constant 0 : index
    %get3A_6 = arith.constant 0 : index
    %get3A_7 = vector.load %arg0[%get3A_4, %get3A_5, %get3A_6] : memref<2x10112x128xf32, #tpu.memory_space<vmem>>, vector<1x10112x128xf32>
    %get3A_8 = vector.shape_cast %get3A_7 : vector<1x10112x128xf32> to vector<10112x128xf32>
    %add3A = arith.addf %get3A_3, %get3A_8 : vector<10112x128xf32>
    %get3A_9 = arith.constant 0 : index
    %get3A_10 = arith.constant 0 : index
    %get3A_11 = vector.load %arg1[%get3A_9, %get3A_10] : memref<32x10112xf32, #tpu.memory_space<vmem>>, vector<32x10112xf32>
    %reduce_sum3A = arith.constant dense<0.000000e+00> : vector<10112xf32>
    %reduce_sum3A_12 = vector.multi_reduction <add>, %get3A_11, %reduce_sum3A [0] : vector<32x10112xf32> to vector<10112xf32>
    %slice3A = vector.extract_strided_slice %add3A {offsets = [0, 0], sizes = [10000, 128], strides = [1, 1]} : vector<10112x128xf32> to vector<10000x128xf32>
    %slice3A_13 = vector.extract_strided_slice %reduce_sum3A_12 {offsets = [0], sizes = [10000], strides = [1]} : vector<10112xf32> to vector<10000xf32>
    %broadcast_in_dim3A = vector.shape_cast %slice3A_13 : vector<10000xf32> to vector<10000x1xf32>
    %add3A_14 = arith.constant 1.000000e-16 : f32
    %add3A_15 = vector.broadcast %add3A_14 : f32 to vector<10000x1xf32>
    %add3A_16 = arith.addf %broadcast_in_dim3A, %add3A_15 : vector<10000x1xf32>
    %div3A = vector.broadcast %add3A_16 : vector<10000x1xf32> to vector<10000x128xf32>
    %div3A_17 = arith.divf %slice3A, %div3A : vector<10000x128xf32>
    %get3A_18 = arith.constant 0 : index
    %get3A_19 = arith.constant 0 : index
    %get3A_20 = vector.load %arg2[%get3A_18, %get3A_19] : memref<1x128xf32, #tpu.memory_space<vmem>>, vector<1x128xf32>
    %add3A_21 = vector.broadcast %get3A_20 : vector<1x128xf32> to vector<10000x128xf32>
    %add3A_22 = arith.addf %div3A_17, %add3A_21 : vector<10000x128xf32>
    %tanh3A = math.tanh %add3A_22 : vector<10000x128xf32>
    %swap3A = arith.constant 0 : index
    %swap3A_23 = arith.constant 0 : index
    %swap3A_24 = vector.load %arg3[%swap3A, %swap3A_23] : memref<10000x128xf32, #tpu.memory_space<vmem>>, vector<10000x128xf32>
    tpu.vector_store %arg3[%swap3A, %swap3A_23], %tanh3A {strides = array<i32>} : memref<10000x128xf32, #tpu.memory_space<vmem>>, vector<10000x128xf32>,
    return
  }
}

</mosaic_0001>

<sc_bundles>
// kernel: kernel.5.cloned.1.call-start
scs
__scs_entry_jumppad:
0x0: {  	(pc) =	sbr.rel $0x88, $3  }
0x1: {  	(tag) =	ssettag $0x0;
	lr =	simm.s32 $0x1  }
0x2: {  	[smem:$0x3F9B] =	sst lr;
	_ =	strace $0xD0000000  }
0x3: {  	_ = 	snop  }
0x4: {  	_ = 	snop  }
0x5: {  	_ = 	snop  }
0x6: {  	_ = 	snop  }
0x7: {  	_ = 	snop  }
__scs_overlays_trampoline_lowered:
0x8: {  	[smem:$0x3FAA] =	sst s0  }
0x9: {  	[smem:$0x3FAB] =	sst s1  }
0xa: {  	[smem:$0x3FAC] =	sst s2  }
0xb: {  	[smem:$0x3FAD] =	sst s3  }
0xc: {  	[smem:$0x3FAE] =	sst s4  }
0xd: {  	[smem:$0x3FAF] =	sst s5  }
0xe: {  	[smem:$0x3FB0] =	sst s6  }
0xf: {  	[smem:$0x3FB1] =	sst s7  }
0x10: {  	[smem:$0x3FB2] =	sst s8  }
0x11: {  	[smem:$0x3FB3] =	sst s9;
	s0 =	simm.s32 @!p0 $0x0  }
0x12: {  	s1 =	sld [smem:$0x3F99];
	s0 =	simm.s32 @p0 $0x1  }
0x13: {  	[smem:$0x3FB4] =	sst s0;
	s0 =	simm.s32 @!p1 $0x0  }
0x14: {  	s2 =	sld [smem:$0x3F98];
	s0 =	simm.s32 @p1 $0x1  }
0x15: {  	[smem:$0x3FB5] =	sst s0;
	s0 =	simm.s32 @!p2 $0x0  }
0x16: {  	s3 =	sld [smem:$0x3FDB];
	s0 =	simm.s32 @p2 $0x1  }
0x17: {  	s4 =	simm.s32 $0x1BF5;
	[smem:$0x3FB7] =	sst s0  }
0x18: {  	s0 =	sld [smem:$0x3F9A];
	_ =	swait.ge [sflag:s4], $0x0  }
0x19: {  	s7 =	sld [smem:$0x3F9B]  }
0x1a: {  	s8 =	sadd.s32 $0xFFFFE003, lr  }
0x1b: {  	s9 =	sadd.s32 $0xFFFFFEF7, lr;
	s5 =	simm.s32 $0xFFFFFFFF;
	p2 =	slt.u32 s8, $0xFFFFF086  }
0x1c: {  	p1 =	slt.u32 s9, $0xF7A;
	s5 =	simm.s32 @!p2 $0x0  }
0x1d: {  	s5 =	simm.s32 @p1 $0x1;
	p0 =	seq.s32 s7, s2  }
0x1e: {  	s7 =	smul.u32 @!p0 $0xF7A, s2;
	p2 =	seq.s32 @!p0 s5, $0x0  }
0x1f: {  	s9 =	smul.u32 $0xF7A, s1;
	s8 =	simm.s32 @!p0 $0x1BF5;
	p2 =	por !p2, p0  }
0x20: {  	[sflag:s8] =	ssyncset.s32 @!p0 $0xFFFFF086;
	s6 =	sadd.s32 @!p0 s3, s7;
	s7 =	simm.s32 @!p0 $0x108  }
0x21: {  	s3 =	sadd.s32 s3, s9;
	s6 =	sadd.s32 @!p0 $0x88, s6;
	s7 =	simm.s32 @p2 $0x1082  }
0x22: {  	[simem:s7], [sflag:s8] =	dma.local @!p0 [hbm:s6], $0xF7A  }
0x23: {  	s9 =	sor.u32 $0xD0000000, s2;
	s6 =	simm.s32 $0x108;
	_ =	swait.ge @!p0 [sflag:s8], $0x0  }
0x24: {  	s3 =	sadd.s32 $0x88, s3;
	s6 =	simm.s32 @!p1 $0x1082;
	[sflag:s4] =	ssyncset.s32 $0xFFFFF086  }
0x25: {  	[simem:s6], [sflag:s4] =	dma.local [hbm:s3], $0xF7A  }
0x26: {  	[smem:$0x3F9B] =	sst s1;
	(tag) =	ssettag s2;
	_ =	strace s9  }
0x27: {  	s1 =	sld [smem:$0x3FAB]  }
0x28: {  	s2 =	sld [smem:$0x3FAC]  }
0x29: {  	s4 =	sld [smem:$0x3FAE]  }
0x2a: {  	p0 =	seq.s32 s5, $0x0;
	s5 =	sld [smem:$0x3FAF]  }
0x2b: {  	s6 =	sld [smem:$0x3FB0]  }
0x2c: {  	s7 =	sld [smem:$0x3FB1]  }
0x2d: {  	s3 =	simm.s32 $0x108;
	s8 =	sld [smem:$0x3FB2]  }
0x2e: {  	s3 =	simm.s32 @!p0 $0x1082;
	s9 =	sld [smem:$0x3FB3]  }
0x2f: {  	lr =	sadd.s32 s0, s3;
	s0 =	sld [smem:$0x3FAA]  }
0x30: {  	s3 =	sld [smem:$0x3FAD]  }
0x31: {  	[smem:$0x3FB6] =	sst s10  }
0x32: {  	s10 =	sld [smem:$0x3FB4];
	_ =	sdelay $0x3  }
0x33: {  	p0 =	seq.s32 s10, $0x1;
	s10 =	sld [smem:$0x3FB6];
	_ =	sdelay $0x3  }
0x34: {  	[smem:$0x3FB6] =	sst s10  }
0x35: {  	s10 =	sld [smem:$0x3FB5];
	_ =	sdelay $0x3  }
0x36: {  	p1 =	seq.s32 s10, $0x1;
	s10 =	sld [smem:$0x3FB6];
	_ =	sdelay $0x3  }
0x37: {  	[smem:$0x3FB6] =	sst s10  }
0x38: {  	s10 =	sld [smem:$0x3FB7]  }
0x39: {  	_ = 	snop;
	(pc) =	sbr.ind lr, $3  }
0x3a: {  	_ = 	snop  }
0x3b: {  	_ = 	snop  }
0x3c: {  	p2 =	seq.s32 s10, $0x1;
	s10 =	sld [smem:$0x3FB6]  }
0x3d: {  	_ =	shalt  }
0x3e: {  	_ =	shalt  }
0x3f: {  	_ =	shalt  }
0x40: {  	_ =	shalt  }
0x41: {  	_ =	shalt  }
0x42: {  	_ =	shalt  }
0x43: {  	_ =	shalt  }
0x44: {  	_ =	shalt  }
0x45: {  	_ =	shalt  }
0x46: {  	_ =	shalt  }
0x47: {  	_ =	shalt  }
0x48: {  	_ =	shalt  }
0x49: {  	_ =	shalt  }
0x4a: {  	_ =	shalt  }
0x4b: {  	_ =	shalt  }
0x4c: {  	_ =	shalt  }
0x4d: {  	_ =	shalt  }
0x4e: {  	_ =	shalt  }
0x4f: {  	_ =	shalt  }
0x50: {  	_ =	shalt  }
0x51: {  	_ =	shalt  }
0x52: {  	_ =	shalt  }
0x53: {  	_ =	shalt  }
0x54: {  	_ =	shalt  }
0x55: {  	_ =	shalt  }
0x56: {  	_ =	shalt  }
0x57: {  	_ =	shalt  }
0x58: {  	_ =	shalt  }
0x59: {  	_ =	shalt  }
0x5a: {  	_ =	shalt  }
0x5b: {  	_ =	shalt  }
0x5c: {  	_ =	shalt  }
0x5d: {  	_ =	shalt  }
0x5e: {  	_ =	shalt  }
0x5f: {  	_ =	shalt  }
0x60: {  	_ =	shalt  }
0x61: {  	_ =	shalt  }
0x62: {  	_ =	shalt  }
0x63: {  	_ =	shalt  }
0x64: {  	_ =	shalt  }
0x65: {  	_ =	shalt  }
0x66: {  	_ =	shalt  }
0x67: {  	_ =	shalt  }
0x68: {  	_ =	shalt  }
0x69: {  	_ =	shalt  }
0x6a: {  	_ =	shalt  }
0x6b: {  	_ =	shalt  }
0x6c: {  	_ =	shalt  }
0x6d: {  	_ =	shalt  }
0x6e: {  	_ =	shalt  }
0x6f: {  	_ =	shalt  }
0x70: {  	_ =	shalt  }
0x71: {  	_ =	shalt  }
0x72: {  	_ =	shalt  }
0x73: {  	_ =	shalt  }
0x74: {  	_ =	shalt  }
0x75: {  	_ =	shalt  }
0x76: {  	_ =	shalt  }
0x77: {  	_ =	shalt  }
0x78: {  	_ =	shalt  }
0x79: {  	_ =	shalt  }
0x7a: {  	_ =	shalt  }
0x7b: {  	_ =	shalt  }
0x7c: {  	_ =	shalt  }
0x7d: {  	_ =	shalt  }
0x7e: {  	_ =	shalt  }
0x7f: {  	_ =	shalt  }
0x80: {  	_ =	shalt  }
0x81: {  	_ =	shalt  }
0x82: {  	_ =	shalt  }
0x83: {  	_ =	shalt  }
0x84: {  	_ =	shalt  }
0x85: {  	_ =	shalt  }
0x86: {  	_ =	shalt  }
0x87: {  	_ =	shalt  }
.Lfunc_end0:
.L_simem_size_0:
called_computation_lowered:
.L_overlay_start_0:
0x88: {  	s2 =	sld [smem:$0x3FD9]  }
0x89: {  	s3 =	sld [smem:$0x3FFE];
	_ =	sdelay $0x1  }
0x8a: {  	s1 =	srdreg.scid  }
0x8b: {  	s0 =	sand.u32 $0x1, s1  }
0x8c: {  	s17 =	sshll.u32 s0, $0xA;
	s2 =	sadd.s32 s3, s2  }
0x8d: {  	s2 =	sadd.s32 s2, s17  }
0x8e: {  	[smem:$0x3FC2] =	sst s2  }
0x8f: {  	_ = 	snop  }
0x90: {  	s2 =	sld [smem:$0x3FD0];
	(tm) =	ssettm $0x1  }
0x91: {  	s18 =	sld [smem:$0x3FFB];
	_ =	sdelay $0x3  }
0x92: {  	_ =	strace s18  }
0x93: {  	s3 =	sld [smem:$0x3FFC];
	_ =	sdelay $0x3  }
0x94: {  	_ =	strace s3  }
0x95: {  	s3 =	sld [smem:$0x3FFD];
	_ =	sdelay $0x3  }
0x96: {  	_ =	strace s3  }
0x97: {  	_ =	strace $0x8FFFFFFF  }
0x98: {  	s19 =	sld [smem:$0x3FDB];
	_ =	sdelay $0x1  }
0x99: {  	s4 =	simm.s32 $_scs_section_size  }
0x9a: {  	s5 =	simm.s32 $_size__tile_overlayer_lowered;
	s6 =	simm.s32 $_tile_overlayer_lowered  }
0x9b: {  	s22 =	simm.s32 $0x1BFF;
	s21 =	sshll.u32 s6, $0x1;
	s3 =	sadd.s32 s4, s19  }
0x9c: {  	s7 =	simm.s32 $0x0;
	s20 =	sshll.u32 s5, $0x1;
	s5 =	sadd.s32 s21, s3  }
0x9d: {  	[timem:s7], [sflag:s22] =	dma.local [hbm:s5], s20  }
0x9e: {  	_ =	swait.ge [sflag:s22], s20  }
0x9f: {  	s4 =	ssub.s32 $0x0, s20;
	[sflag:s22] =	ssyncset.done $0x0  }
0xa0: {  	[sflag:s22] =	ssyncadd.s32 s4;
	_ =	sdelay $0x1  }
0xa1: {  	s23 =	simm.s32 $0x1B8B  }
0xa2: {  	_ =	swait.ge [sflag:s23], $0x1  }
0xa3: {  	[sflag:s23] =	ssyncset.done $0x0  }
0xa4: {  	s25 =	simm.s32 $0x1B8E;
	s24 =	sld [smem:$0x3FFE];
	[sflag:s23] =	ssyncadd.s32 $0xFFFFFFFF  }
0xa5: {  	s26 =	simm.s32 $execute0_lowered;
	[smem:$0x3FD2] =	sst s25  }
0xa6: {  	s5 =	sshll.u32 s26, $0x1;
	_ =	strace $0x80000046;
	[dreg:$0x1] =	wrdreg $0xFFFFFFFF  }
0xa7: {  	s28 =	simm.s32 $_size_execute0_lowered;
	s3 =	sadd.s32 s3, s5;
	[dreg:$0x0] =	wrdreg $0x0  }
0xa8: {  	s5 =	sshll.u32 s28, $0x1;
	[dreg:$0x2] =	wrdreg s3  }
0xa9: {  	[dreg:$0x3] =	wrdreg s5  }
0xaa: {  	[dreg:$0x4] =	wrdreg $0xC0  }
0xab: {  	_ =	task [dreg:s7], $0x5FFFF  }
0xac: {  	[dreg:$0x1] =	wrdreg $0xFFFFFFFF  }
0xad: {  	[dreg:$0x0] =	wrdreg $0x60  }
0xae: {  	[dreg:$0x2] =	wrdreg s2  }
0xaf: {  	[dreg:$0x3] =	wrdreg s24  }
0xb0: {  	[dreg:$0x4] =	wrdreg $0xB8000  }
0xb1: {  	[dreg:$0x5] =	wrdreg $0x9  }
0xb2: {  	_ =	task.clear_ibuf [dreg:s7], $0x6FFFF;
	_ =	strace $0x90000046  }
0xb3: {  	s29 =	simm.s32 $0x9;
	_ =	strace $0x80000048  }
0xb4: {  	_ =	swait.ge [sflag:s29], $0x1  }
0xb5: {  	[sflag:s29] =	ssyncadd.s32 $0xFFFFFFFF  }
0xb6: {  	_ =	strace $0x90000048  }
0xb7: {  	_ =	sfence  }
0xb8: {  	s30 =	sld [smem:$0x0];
	_ =	sdelay $0x2  }
0xb9: {  	s31 =	sshll.u32 s1, $0xD;
	s1 =	sshrl.u32 s1, $0x2  }
0xba: {  	s3 =	sand.u32 $0x4000, s31;
	s1 =	sadd.s32 s1, s30  }
0xbb: {  	s0 =	sor.u32 s3, s0;
	s1 =	sshll.u32 s1, $0x11  }
0xbc: {  	s0 =	sor.u32 s1, s0  }
0xbd: {  	s0 =	sadd.s32 $0x8F2B, s0  }
0xbe: {  	[sflag:s0] =	ssyncadd.remote.s32 $0x1  }
0xbf: {  	_ =	sfence.sel $0xFFFF  }
0xc0: {  	[dreg:$0x0] =	wrdreg $0xFFFFFFFF;
	(pc) =	sbr.abs _section_cstart, $3  }
0xc1: {  	[dreg:$0x1] =	wrdreg $0xFFFFFFFF  }
0xc2: {  	_ =	task.clear_ibuf [dreg:s7], $0x2FFFF;
	_ =	strace $0x9FFFFFFF  }
0xc3: {  	(tm) =	ssettm $0x7FFFFFFF  }
tec
execute0_lowered:
.L_overlay_start_1:
0x0: {  	(tag) =	ssettag $0x1  }
0x1: {  	s1 =	rddreg [dreg:$0x0]  }
0x2: {  	s0 =	rddreg [dreg:$0x1]  }
0x3: {  	s2 =	rddreg [dreg:$0x2];
	s3 =	srdreg.scid;
	s4 =	simm.s32 $0x0  }
0x4: {  	s11 =	stileid.u32;
	s17 =	simm.s32 $0x7780;
	s18 =	simm.s32 $0x2  }
0x5: {  	s19 =	simm.s32 $0x80;
	s20 =	simm.s32 $0x100;
	s21 =	simm.s32 $0x2780  }
0x6: {  	s22 =	simm.s32 $0x4F00;
	s23 =	simm.s32 $0x5000;
	s29 =	simm.s32 $0x0  }
0x7: {  	s3 =	sand.u32 $0x1, s3;
	[smem:$0x7FF] =	sst s4;
	s7 =	smul.u32 $0x13C00, s11  }
0x8: {  	s24 =	sadd.s32 $0x15C00, s0;
	s26 =	sshll.u32 s11, $0x7;
	s6 =	smul.u32 $0x13C000, s3  }
0x9: {  	s5 =	sshll.u32 s3, $0x4;
	_ =	strace $0x80000047;
	[dreg:$0x4] =	wrdreg s24  }
0xa: {  	s3 =	ssub.s32 $0x2, s3;
	s24 =	simm.s32 $0x1;
	s10 =	sor.u32 s11, s5  }
0xb: {  	s11 =	smul.u32 $0x4F000, s11;
	s30 =	sshrl.u32 s3, $0x1;
	s8 =	sshrl.u32 s10, $0x3  }
0xc: {  	s6 =	sadd.s32 s7, s6;
	s3 =	ssub.s32 s3, s30;
	s25 =	smul.u32 $0x13C00, s8  }
0xd: {  	s10 =	smul.u32 $0x5100, s10;
	s9 =	sshrl.u32 s6, $0x3;
	s8 =	sand.u32 $0x380, s26  }
0xe: {  	s6 =	sadd.s32 $0x1800, s0;
	s28 =	sshrl.u32 s11, $0x2;
	s7 =	sor.u32 s8, s25  }
0xf: {  	s26 =	simm.s32 $0x4F80;
	s12 =	sadd.s32 s9, s0;
	s7 =	sshrl.u32 s7, $0x3  }
0x10: {  	s9 =	sadd.s32 $0x15C10, s0;
	s13 =	sadd.s32 s7, s0;
	s7 =	sadd.s32 s28, s2  }
0x11: {  	s11 =	sadd.s32 $0x16600, s12;
	s25 =	simm.s32 $0xB780;
	s31 =	sadd.s32 $0x10000, s7  }
0x12: {  	s12 =	sadd.s32 $0x65600, s13;
	s13 =	smax.u32 s3, $0x1;
	s14 =	sadd.s32 $0x4000, s7  }
0x13: {  	v0 =	vimm.f32 $0.0e+00;
	s15 =	sadd.s32 $0x8000, s7;
	s16 =	sadd.s32 $0xC000, s7;
	[dreg:$0x5] =	wrdreg s31  }
.LBB2_1:
0x14: {  	s0 =	simm.s32 $0x0  }
.LBB2_2:
0x15: {  	p0 =	sne.s32 s0, $0x9DC0  }
.Ltmp0:
0x16: {  	_ = 	snop;
	(pc) =	sbr.rel @p0 .LBB2_2-.Ltmp0, $3  }
0x17: {  	_ =	sdelay $0x1  }
0x18: {  	s3 =	sshra.s32 s0, $0x2  }
0x19: {  	s0 =	sadd.s32 $0x40, s0;
	[tilespmem:s3+$0x5000] =	vst v0  }
0x1a: {  	s0 =	simm.s32 $0x0;
	s3 =	simm.s32 $0x200  }
.LBB2_4:
0x1b: {  	p0 =	sne.s32 s3, $0xFE00;
	[tilespmem:s0+$0x77F0] =	vst v0  }
0x1c: {  	[tilespmem:s0+$0x7780] =	vst v0  }
0x1d: {  	[tilespmem:s0+$0x7790] =	vst v0  }
.Ltmp1:
0x1e: {  	[tilespmem:s0+$0x77A0] =	vst v0;
	(pc) =	sbr.rel @p0 .LBB2_4-.Ltmp1, $4  }
0x1f: {  	[tilespmem:s0+$0x77B0] =	vst v0  }
0x20: {  	[tilespmem:s0+$0x77C0] =	vst v0  }
0x21: {  	[tilespmem:s0+$0x77D0] =	vst v0  }
0x22: {  	[tilespmem:s0+$0x77E0] =	vst v0;
	s0 =	sshra.s32 s3, $0x2;
	s3 =	sadd.s32 $0x200, s3  }
0x23: {  	[tilespmem:s0+$0x77F0] =	vst v0  }
0x24: {  	[tilespmem:s0+$0x7780] =	vst v0  }
0x25: {  	[tilespmem:s0+$0x7790] =	vst v0  }
0x26: {  	[tilespmem:s0+$0x77A0] =	vst v0  }
0x27: {  	[tilespmem:s0+$0x77B0] =	vst v0  }
0x28: {  	[tilespmem:s0+$0x77C0] =	vst v0  }
0x29: {  	[tilespmem:s0+$0x77D0] =	vst v0  }
0x2a: {  	[tilespmem:s0+$0x77E0] =	vst v0  }
0x2b: {  	[spmem:s7] =	stream.linear.scatter [tilespmem:s17], [sflag:$0x2], $0x4000, $0x38;
	[tilespmem:$0x1F400] =	vst v63  }
0x2c: {  	_ =	swait.ge [sflag:s18], $0x4000  }
0x2d: {  	[sflag:s18] =	ssyncset.done $0x0  }
0x2e: {  	[sflag:s18] =	ssyncadd.s32 $0xFFFFC000  }
0x2f: {  	[spmem:s14] =	stream.linear.scatter [tilespmem:s17], [sflag:$0x2], $0x4000, $0x38;
	[tilespmem:$0x1F400] =	vst v63  }
0x30: {  	_ =	swait.ge [sflag:s18], $0x4000  }
0x31: {  	[sflag:s18] =	ssyncset.done $0x0  }
0x32: {  	[sflag:s18] =	ssyncadd.s32 $0xFFFFC000  }
0x33: {  	[spmem:s15] =	stream.linear.scatter [tilespmem:s17], [sflag:$0x2], $0x4000, $0x38;
	[tilespmem:$0x1F400] =	vst v63  }
0x34: {  	_ =	swait.ge [sflag:s18], $0x4000  }
0x35: {  	[sflag:s18] =	ssyncset.done $0x0  }
0x36: {  	[sflag:s18] =	ssyncadd.s32 $0xFFFFC000  }
0x37: {  	[spmem:s16] =	stream.linear.scatter [tilespmem:s17], [sflag:$0x2], $0x4000, $0x38;
	[tilespmem:$0x1F400] =	vst v63  }
0x38: {  	_ =	swait.ge [sflag:s18], $0x4000  }
0x39: {  	[sflag:s18] =	ssyncset.done $0x0  }
0x3a: {  	s28 =	rddreg [dreg:$0x5];
	[sflag:s18] =	ssyncadd.s32 $0xFFFFC000  }
0x3b: {  	[spmem:s28] =	stream.linear.scatter [tilespmem:s17], [sflag:$0x2], $0x3C00, $0x38;
	[tilespmem:$0x1F400] =	vst v63  }
0x3c: {  	_ =	swait.ge [sflag:s18], $0x3C00  }
0x3d: {  	[sflag:s18] =	ssyncset.done $0x0  }
0x3e: {  	s31 =	rddreg [dreg:$0x4];
	[sflag:s18] =	ssyncadd.s32 $0xFFFFC400  }
0x3f: {  	[tilespmem:s29], [sflag:$0x2] =	stream.strided.gather [hbm4b:s31+s19], $0x2780, s20, s19, $0x38;
	[tilespmem:$0x1F400] =	vst v63  }
0x40: {  	_ =	swait.ge [sflag:s18], $0x2780  }
0x41: {  	[sflag:s18] =	ssyncset.done $0x0  }
0x42: {  	[sflag:s18] =	ssyncadd.s32 $0xFFFFD880  }
0x43: {  	[tilespmem:s21], [sflag:$0x2] =	stream.strided.gather [hbm4b:s9+s19], $0x2780, s20, s19, $0x38;
	[tilespmem:$0x1F400] =	vst v63  }
0x44: {  	_ =	swait.ge [sflag:s18], $0x2780  }
0x45: {  	[sflag:s18] =	ssyncset.done $0x0  }
0x46: {  	[sflag:s18] =	ssyncadd.s32 $0xFFFFD880  }
0x47: {  	s30 =	simm.s32 $0x0;
	[bflag:$0x0] =	sbarrier.arrive $0xFFFF  }
.LBB2_6:
0x48: {  	s0 =	sshll.u32 s30, $0x8  }
0x49: {  	s0 =	sadd.s32 s10, s0  }
0x4a: {  	s0 =	sshrl.u32 s0, $0x3  }
0x4b: {  	s0 =	sadd.s32 s6, s0  }
0x4c: {  	[tilespmem:s22], [sflag:$0x2] =	stream.linear.gather [hbm4b:s0+s29], $0x100, $0x38;
	[tilespmem:$0x1F400] =	vst v63  }
0x4d: {  	_ =	swait.ge [sflag:s18], $0x100  }
0x4e: {  	[sflag:s18] =	ssyncset.done $0x0  }
0x4f: {  	[sflag:s18] =	ssyncadd.s32 $0xFFFFFF00  }
0x50: {  	[tilespmem:s17], [sflag:$0x1] =	stream.indirect.gather [hbm4b:s1+s19], $0x80, s22, s19, $0xb8;
	[tilespmem:$0x1F400] =	vst v63  }
0x51: {  	v1 =	vld [tilespmem:$0x4F00]  }
0x52: {  	v2 =	vld [tilespmem:$0x4F80];
	_ =	sdelay $0x6  }
0x53: {  	v1 =	vld.idx.msk [tilespmem:v1+s29+$0x0], $0xffff  }
0x54: {  	v3 =	vld.idx.msk [tilespmem:v2+s21+$0x0], $0xffff;
	_ =	sdelay $0x4  }
0x55: {  	v1 =	vadd.f32 v3, v1;
	_ =	sdelay $0x1  }
0x56: {  	v3 =	vmul.f32 $2.000000030e-01, v1  }
0x57: {  	vm0 =	vge.f32 v1, $0.0e+00  }
0x58: {  	v1 =	vsel vm0, v1, v3  }
0x59: {  	v1 =	vmul.f32 $1.442695020e+00, v1;
	_ =	sdelay $0x1  }
0x5a: {  	(erf) = vpow2.f32 v1;
	_ =	sdelay $0x8  }
0x5b: {  	v1 =	vpop (erf)  }
0x5c: {  	[tilespmem:v2+s23+$0x0] =	vst.idx.add.f32.msk $0xffff, v1  }
0x5d: {  	v2 =	vld [tilespmem:$0x4F10]  }
0x5e: {  	v3 =	vld [tilespmem:$0x4F90];
	_ =	sdelay $0x5  }
0x5f: {  	[tilespmem:$0xB780] =	vst v1  }
0x60: {  	v1 =	vld.idx.msk [tilespmem:v2+s29+$0x0], $0xffff  }
0x61: {  	v2 =	vld.idx.msk [tilespmem:v3+s21+$0x0], $0xffff;
	_ =	sdelay $0x4  }
0x62: {  	v1 =	vadd.f32 v2, v1;
	_ =	sdelay $0x1  }
0x63: {  	v2 =	vmul.f32 $2.000000030e-01, v1  }
0x64: {  	vm9 =	vge.f32 v1, $0.0e+00  }
0x65: {  	v1 =	vsel vm9, v1, v2  }
0x66: {  	v1 =	vmul.f32 $1.442695020e+00, v1;
	_ =	sdelay $0x1  }
0x67: {  	(erf) = vpow2.f32 v1;
	_ =	sdelay $0x8  }
0x68: {  	v1 =	vpop (erf)  }
0x69: {  	[tilespmem:v3+s23+$0x0] =	vst.idx.add.f32.msk $0xffff, v1  }
0x6a: {  	v2 =	vld [tilespmem:$0x4F20]  }
0x6b: {  	v3 =	vld [tilespmem:$0x4FA0];
	_ =	sdelay $0x5  }
0x6c: {  	[tilespmem:$0xB790] =	vst v1  }
0x6d: {  	v1 =	vld.idx.msk [tilespmem:v2+s29+$0x0], $0xffff  }
0x6e: {  	v2 =	vld.idx.msk [tilespmem:v3+s21+$0x0], $0xffff;
	_ =	sdelay $0x4  }
0x6f: {  	v1 =	vadd.f32 v2, v1;
	_ =	sdelay $0x1  }
0x70: {  	v2 =	vmul.f32 $2.000000030e-01, v1  }
0x71: {  	vm10 =	vge.f32 v1, $0.0e+00  }
0x72: {  	v1 =	vsel vm10, v1, v2  }
0x73: {  	v1 =	vmul.f32 $1.442695020e+00, v1;
	_ =	sdelay $0x1  }
0x74: {  	(erf) = vpow2.f32 v1;
	_ =	sdelay $0x8  }
0x75: {  	v1 =	vpop (erf)  }
0x76: {  	[tilespmem:v3+s23+$0x0] =	vst.idx.add.f32.msk $0xffff, v1  }
0x77: {  	v2 =	vld [tilespmem:$0x4F30]  }
0x78: {  	v3 =	vld [tilespmem:$0x4FB0];
	_ =	sdelay $0x5  }
0x79: {  	[tilespmem:$0xB7A0] =	vst v1  }
0x7a: {  	v1 =	vld.idx.msk [tilespmem:v2+s29+$0x0], $0xffff  }
0x7b: {  	v2 =	vld.idx.msk [tilespmem:v3+s21+$0x0], $0xffff;
	_ =	sdelay $0x4  }
0x7c: {  	v1 =	vadd.f32 v2, v1;
	_ =	sdelay $0x1  }
0x7d: {  	v2 =	vmul.f32 $2.000000030e-01, v1  }
0x7e: {  	vm11 =	vge.f32 v1, $0.0e+00  }
0x7f: {  	v1 =	vsel vm11, v1, v2  }
0x80: {  	v1 =	vmul.f32 $1.442695020e+00, v1;
	_ =	sdelay $0x1  }
0x81: {  	(erf) = vpow2.f32 v1;
	_ =	sdelay $0x8  }
0x82: {  	v1 =	vpop (erf)  }
0x83: {  	[tilespmem:v3+s23+$0x0] =	vst.idx.add.f32.msk $0xffff, v1  }
0x84: {  	v2 =	vld [tilespmem:$0x4F40]  }
0x85: {  	v3 =	vld [tilespmem:$0x4FC0];
	_ =	sdelay $0x5  }
0x86: {  	[tilespmem:$0xB7B0] =	vst v1  }
0x87: {  	v1 =	vld.idx.msk [tilespmem:v2+s29+$0x0], $0xffff  }
0x88: {  	v2 =	vld.idx.msk [tilespmem:v3+s21+$0x0], $0xffff;
	_ =	sdelay $0x4  }
0x89: {  	v1 =	vadd.f32 v2, v1;
	_ =	sdelay $0x1  }
0x8a: {  	v2 =	vmul.f32 $2.000000030e-01, v1  }
0x8b: {  	vm12 =	vge.f32 v1, $0.0e+00  }
0x8c: {  	v1 =	vsel vm12, v1, v2  }
0x8d: {  	v1 =	vmul.f32 $1.442695020e+00, v1;
	_ =	sdelay $0x1  }
0x8e: {  	(erf) = vpow2.f32 v1;
	_ =	sdelay $0x8  }
0x8f: {  	v1 =	vpop (erf)  }
0x90: {  	[tilespmem:v3+s23+$0x0] =	vst.idx.add.f32.msk $0xffff, v1  }
0x91: {  	v2 =	vld [tilespmem:$0x4F50]  }
0x92: {  	v3 =	vld [tilespmem:$0x4FD0];
	_ =	sdelay $0x5  }
0x93: {  	[tilespmem:$0xB7C0] =	vst v1  }
0x94: {  	v1 =	vld.idx.msk [tilespmem:v2+s29+$0x0], $0xffff  }
0x95: {  	v2 =	vld.idx.msk [tilespmem:v3+s21+$0x0], $0xffff;
	_ =	sdelay $0x4  }
0x96: {  	v1 =	vadd.f32 v2, v1;
	_ =	sdelay $0x1  }
0x97: {  	v2 =	vmul.f32 $2.000000030e-01, v1  }
0x98: {  	vm13 =	vge.f32 v1, $0.0e+00  }
0x99: {  	v1 =	vsel vm13, v1, v2  }
0x9a: {  	v1 =	vmul.f32 $1.442695020e+00, v1;
	_ =	sdelay $0x1  }
0x9b: {  	(erf) = vpow2.f32 v1;
	_ =	sdelay $0x8  }
0x9c: {  	v1 =	vpop (erf)  }
0x9d: {  	[tilespmem:v3+s23+$0x0] =	vst.idx.add.f32.msk $0xffff, v1  }
0x9e: {  	v2 =	vld [tilespmem:$0x4F60]  }
0x9f: {  	v3 =	vld [tilespmem:$0x4FE0];
	_ =	sdelay $0x5  }
0xa0: {  	[tilespmem:$0xB7D0] =	vst v1  }
0xa1: {  	v1 =	vld.idx.msk [tilespmem:v2+s29+$0x0], $0xffff  }
0xa2: {  	v2 =	vld.idx.msk [tilespmem:v3+s21+$0x0], $0xffff;
	_ =	sdelay $0x4  }
0xa3: {  	v1 =	vadd.f32 v2, v1;
	_ =	sdelay $0x1  }
0xa4: {  	v2 =	vmul.f32 $2.000000030e-01, v1  }
0xa5: {  	vm14 =	vge.f32 v1, $0.0e+00  }
0xa6: {  	v1 =	vsel vm14, v1, v2  }
0xa7: {  	v1 =	vmul.f32 $1.442695020e+00, v1;
	_ =	sdelay $0x1  }
0xa8: {  	(erf) = vpow2.f32 v1;
	_ =	sdelay $0x8  }
0xa9: {  	v1 =	vpop (erf)  }
0xaa: {  	[tilespmem:v3+s23+$0x0] =	vst.idx.add.f32.msk $0xffff, v1  }
0xab: {  	v2 =	vld [tilespmem:$0x4F70]  }
0xac: {  	v3 =	vld [tilespmem:$0x4FF0];
	_ =	sdelay $0x5  }
0xad: {  	[tilespmem:$0xB7E0] =	vst v1  }
0xae: {  	v1 =	vld.idx.msk [tilespmem:v2+s29+$0x0], $0xffff  }
0xaf: {  	v2 =	vld.idx.msk [tilespmem:v3+s21+$0x0], $0xffff;
	_ =	sdelay $0x4  }
0xb0: {  	v1 =	vadd.f32 v2, v1;
	_ =	sdelay $0x1  }
0xb1: {  	v2 =	vmul.f32 $2.000000030e-01, v1  }
0xb2: {  	vm15 =	vge.f32 v1, $0.0e+00  }
0xb3: {  	v1 =	vsel vm15, v1, v2  }
0xb4: {  	v1 =	vmul.f32 $1.442695020e+00, v1;
	_ =	sdelay $0x1  }
0xb5: {  	(erf) = vpow2.f32 v1;
	_ =	sdelay $0x7  }
0xb6: {  	v1 =	vmov s29  }
0xb7: {  	v1 =	vand.u32 $0xFFFFFFFC, v1;
	v2 =	vpop (erf)  }
0xb8: {  	v1 =	vbroadcast v1, $0x0;
	[tilespmem:v3+s23+$0x0] =	vst.idx.add.f32.msk $0xffff, v2  }
0xb9: {  	[tilespmem:$0xB7F0] =	vst v2  }
0xba: {  	_ =	swait.ge [sflag:s24], $0x4000  }
0xbb: {  	[sflag:s24] =	ssyncset.done $0x0  }
0xbc: {  	s31 =	simm.s32 $0x7880;
	[sflag:s24] =	ssyncadd.s32 $0xFFFFC000  }
0xbd: {  	v2 =	vld [tilespmem:s31+$0xFFFFFF70]  }
0xbe: {  	v1 =	vld.idx.msk [tilespmem:v1+s25+$0x0], $0xffff  }
0xbf: {  	v3 =	vld [tilespmem:s31+$0xFFFFFF00]  }
0xc0: {  	v4 =	vld [tilespmem:s31+$0xFFFFFF20]  }
0xc1: {  	v5 =	vld [tilespmem:s31+$0xFFFFFF50]  }
0xc2: {  	v6 =	vld [tilespmem:s31+$0xFFFFFF40]  }
0xc3: {  	v7 =	vld [tilespmem:s31+$0xFFFFFF60];
	v2 =	vmul.f32 v2, v1  }
0xc4: {  	s5 =	simm.s32 $0x1;
	v8 =	vld [tilespmem:s31+$0xFFFFFF30];
	v3 =	vmul.f32 v3, v1  }
0xc5: {  	v9 =	vld [tilespmem:s31+$0xFFFFFF10];
	v4 =	vmul.f32 v4, v1;
	[tilespmem:s31+$0xFFFFFF70] =	vst v2;
	v2 =	vmov s5  }
0xc6: {  	v5 =	vmul.f32 v5, v1;
	[tilespmem:s31+$0xFFFFFF00] =	vst v3;
	v2 =	vand.u32 $0xFFFFFFFD, v2  }
0xc7: {  	v3 =	vmul.f32 v6, v1;
	[tilespmem:s31+$0xFFFFFF20] =	vst v4;
	v2 =	vbroadcast v2, $0x0  }
0xc8: {  	v4 =	vmul.f32 v7, v1;
	[tilespmem:s31+$0xFFFFFF50] =	vst v5  }
0xc9: {  	v5 =	vmul.f32 v8, v1;
	[tilespmem:s31+$0xFFFFFF40] =	vst v3  }
0xca: {  	v1 =	vmul.f32 v9, v1;
	[tilespmem:s31+$0xFFFFFF60] =	vst v4  }
0xcb: {  	[tilespmem:s31+$0xFFFFFF30] =	vst v5  }
0xcc: {  	[tilespmem:s31+$0xFFFFFF10] =	vst v1;
	v1 =	vld [tilespmem:s31+$0xFFFFFF90]  }
0xcd: {  	v3 =	vld.idx.msk [tilespmem:v2+s25+$0x0], $0xffff  }
0xce: {  	v2 =	vld [tilespmem:s31+$0xFFFFFFA0]  }
0xcf: {  	v4 =	vld [tilespmem:s31+$0xFFFFFF80]  }
0xd0: {  	v5 =	vld [tilespmem:s31+$0xFFFFFFB0]  }
0xd1: {  	v6 =	vld [tilespmem:s31+$0xFFFFFFC0]  }
0xd2: {  	v7 =	vld [tilespmem:s31+$0xFFFFFFD0];
	v1 =	vmul.f32 v1, v3  }
0xd3: {  	s8 =	simm.s32 $0x2;
	v8 =	vld [tilespmem:s31+$0xFFFFFFF0];
	v2 =	vmul.f32 v2, v3  }
0xd4: {  	v63 =	vld [tilespmem:s31+$0xFFFFFFE0];
	v4 =	vmul.f32 v4, v3;
	[tilespmem:s31+$0xFFFFFF90] =	vst v1;
	v1 =	vmov s8  }
0xd5: {  	v5 =	vmul.f32 v5, v3;
	[tilespmem:s31+$0xFFFFFFA0] =	vst v2;
	v1 =	vand.u32 $0xFFFFFFFE, v1  }
0xd6: {  	v2 =	vmul.f32 v6, v3;
	[tilespmem:s31+$0xFFFFFF80] =	vst v4;
	v6 =	vld [tilespmem:s31+$0x60];
	v10 =	vbroadcast v1, $0x0  }
0xd7: {  	v4 =	vmul.f32 v7, v3;
	[tilespmem:s31+$0xFFFFFFB0] =	vst v5;
	v7 =	vld [tilespmem:s31+$0x0]  }
0xd8: {  	v5 =	vmul.f32 v8, v3;
	v1 =	vld [tilespmem:s31+$0x20];
	[tilespmem:s31+$0xFFFFFFC0] =	vst v2  }
0xd9: {  	v3 =	vmul.f32 v63, v3;
	v2 =	vld [tilespmem:s31+$0x30];
	[tilespmem:s31+$0xFFFFFFD0] =	vst v4  }
0xda: {  	[tilespmem:s31+$0xFFFFFFF0] =	vst v5;
	v4 =	vld [tilespmem:s31+$0x40]  }
0xdb: {  	[tilespmem:s31+$0xFFFFFFE0] =	vst v3;
	v5 =	vld [tilespmem:s31+$0x10]  }
0xdc: {  	s28 =	simm.s32 $0x4;
	s3 =	simm.s32 $0x7880;
	s0 =	simm.s32 $0x0;
	v3 =	vld.idx.msk [tilespmem:v10+s25+$0x0], $0xffff  }
.LBB2_7:
0xdd: {  	p0 =	sne.s32 s28, $0x7C  }
0xde: {  	v8 =	vld [tilespmem:s31+$0x50];
	s3 =	sadd.s32 $0x200, s3;
	s5 =	smov.u32 s28;
	s28 =	sadd.s32 $0x4, s28  }
0xdf: {  	v9 =	vld [tilespmem:s31+$0x70];
	_ =	sdelay $0x1  }
0xe0: {  	v6 =	vmul.f32 v6, v3;
	v7 =	vmul.f32 v7, v3  }
0xe1: {  	v4 =	vmul.f32 v4, v3;
	v5 =	vmul.f32 v5, v3  }
0xe2: {  	v1 =	vmul.f32 v1, v3;
	v2 =	vmul.f32 v2, v3;
	[tilespmem:s31+$0x60] =	vst v6  }
0xe3: {  	[tilespmem:s31+$0x40] =	vst v4;
	v4 =	vmul.f32 v8, v3;
	v3 =	vmul.f32 v9, v3  }
0xe4: {  	s8 =	sadd.s32 $0x3, s0;
	s0 =	smov.u32 s5;
	[tilespmem:s31+$0x20] =	vst v1;
	v6 =	vld [tilespmem:s31+$0x80]  }
0xe5: {  	v1 =	vld [tilespmem:s3+$0x20];
	[tilespmem:s31+$0x0] =	vst v7;
	v7 =	vmov s8  }
0xe6: {  	[tilespmem:s31+$0x50] =	vst v4;
	v4 =	vld [tilespmem:s31+$0xE0]  }
0xe7: {  	[tilespmem:s31+$0x30] =	vst v2;
	v8 =	vld [tilespmem:s31+$0xC0]  }
0xe8: {  	v2 =	vld [tilespmem:s3+$0x30];
	[tilespmem:s31+$0x10] =	vst v5  }
0xe9: {  	[tilespmem:s31+$0x70] =	vst v3;
	v3 =	vld [tilespmem:s31+$0xA0]  }
0xea: {  	v5 =	vld.idx.msk [tilespmem:v7+s25+$0x0], $0xffff  }
0xeb: {  	v7 =	vld [tilespmem:s31+$0x90]  }
0xec: {  	v9 =	vld [tilespmem:s31+$0xB0]  }
0xed: {  	v10 =	vld [tilespmem:s31+$0xD0]  }
0xee: {  	v11 =	vld [tilespmem:s31+$0xF0];
	_ =	sdelay $0x1  }
0xef: {  	v6 =	vmul.f32 v6, v5;
	v7 =	vmul.f32 v7, v5  }
0xf0: {  	v3 =	vmul.f32 v3, v5;
	v9 =	vmul.f32 v9, v5  }
0xf1: {  	v12 =	vmov s0;
	[tilespmem:s31+$0x80] =	vst v6;
	v6 =	vmul.f32 v8, v5;
	v8 =	vmul.f32 v10, v5  }
0xf2: {  	v10 =	vand.u32 $0xFFFFFFFC, v12;
	[tilespmem:s31+$0xA0] =	vst v3;
	v3 =	vmul.f32 v4, v5;
	v4 =	vmul.f32 v11, v5  }
0xf3: {  	v5 =	vbroadcast v10, $0x0;
	[tilespmem:s31+$0xC0] =	vst v6  }
0xf4: {  	[tilespmem:s31+$0xF0] =	vst v4  }
0xf5: {  	v4 =	vld [tilespmem:s3+$0xFFFFFF40];
	[tilespmem:s31+$0xE0] =	vst v3  }
0xf6: {  	v3 =	vld [tilespmem:s3+$0xFFFFFF50];
	[tilespmem:s31+$0x90] =	vst v7  }
0xf7: {  	v6 =	vld [tilespmem:s3+$0xFFFFFF60];
	[tilespmem:s31+$0xB0] =	vst v9  }
0xf8: {  	v7 =	vld [tilespmem:s3+$0xFFFFFF70];
	[tilespmem:s31+$0xD0] =	vst v8;
	s31 =	smov.u32 s3  }
0xf9: {  	v5 =	vld.idx.msk [tilespmem:v5+s25+$0x0], $0xffff  }
0xfa: {  	v8 =	vld [tilespmem:s3+$0xFFFFFF00]  }
0xfb: {  	v9 =	vld [tilespmem:s3+$0xFFFFFF20]  }
0xfc: {  	v10 =	vld [tilespmem:s3+$0xFFFFFF10]  }
0xfd: {  	v11 =	vld [tilespmem:s3+$0xFFFFFF30];
	_ =	sdelay $0x1  }
0xfe: {  	v7 =	vmul.f32 v7, v5;
	v8 =	vmul.f32 v8, v5  }
0xff: {  	s5 =	sadd.s32 $0x1, s0;
	v6 =	vmul.f32 v6, v5;
	v9 =	vmul.f32 v9, v5  }
0x100: {  	v3 =	vmul.f32 v3, v5;
	v10 =	vmul.f32 v10, v5;
	[tilespmem:s3+$0xFFFFFF70] =	vst v7;
	v7 =	vmov s5  }
0x101: {  	v4 =	vmul.f32 v4, v5;
	[tilespmem:s3+$0xFFFFFF00] =	vst v8;
	v8 =	vmul.f32 v11, v5;
	v5 =	vand.u32 $0xFFFFFFFD, v7  }
0x102: {  	[tilespmem:s3+$0xFFFFFF20] =	vst v9;
	v5 =	vbroadcast v5, $0x0  }
0x103: {  	[tilespmem:s3+$0xFFFFFF50] =	vst v3  }
0x104: {  	[tilespmem:s3+$0xFFFFFF40] =	vst v4;
	v3 =	vld [tilespmem:s3+$0xFFFFFFF0]  }
0x105: {  	[tilespmem:s3+$0xFFFFFF60] =	vst v6;
	v4 =	vld [tilespmem:s3+$0xFFFFFFC0]  }
0x106: {  	[tilespmem:s3+$0xFFFFFF30] =	vst v8;
	v6 =	vld [tilespmem:s3+$0xFFFFFFD0]  }
0x107: {  	[tilespmem:s3+$0xFFFFFF10] =	vst v10;
	v7 =	vld [tilespmem:s3+$0xFFFFFF90]  }
0x108: {  	v5 =	vld.idx.msk [tilespmem:v5+s25+$0x0], $0xffff  }
0x109: {  	v8 =	vld [tilespmem:s3+$0xFFFFFF80]  }
0x10a: {  	v9 =	vld [tilespmem:s3+$0xFFFFFFA0]  }
0x10b: {  	v10 =	vld [tilespmem:s3+$0xFFFFFFB0]  }
0x10c: {  	v11 =	vld [tilespmem:s3+$0xFFFFFFE0];
	_ =	sdelay $0x1  }
0x10d: {  	v7 =	vmul.f32 v7, v5;
	v8 =	vmul.f32 v8, v5  }
0x10e: {  	s5 =	sadd.s32 $0x2, s0;
	v6 =	vmul.f32 v6, v5;
	v9 =	vmul.f32 v9, v5  }
0x10f: {  	v4 =	vmul.f32 v4, v5;
	[tilespmem:s3+$0xFFFFFF90] =	vst v7;
	v7 =	vmul.f32 v10, v5;
	v10 =	vmov s5  }
0x110: {  	v3 =	vmul.f32 v3, v5;
	[tilespmem:s3+$0xFFFFFFA0] =	vst v9;
	v9 =	vmul.f32 v11, v5;
	v5 =	vand.u32 $0xFFFFFFFE, v10  }
0x111: {  	[tilespmem:s3+$0xFFFFFF80] =	vst v8;
	v5 =	vbroadcast v5, $0x0  }
0x112: {  	[tilespmem:s3+$0xFFFFFFB0] =	vst v7  }
0x113: {  	[tilespmem:s3+$0xFFFFFFC0] =	vst v4  }
0x114: {  	[tilespmem:s3+$0xFFFFFFD0] =	vst v6  }
.Ltmp2:
0x115: {  	[tilespmem:s3+$0xFFFFFFF0] =	vst v3;
	v4 =	vld [tilespmem:s3+$0x40];
	(pc) =	sbr.rel @p0 .LBB2_7-.Ltmp2, $4  }
0x116: {  	[tilespmem:s3+$0xFFFFFFE0] =	vst v9;
	v6 =	vld [tilespmem:s3+$0x60]  }
0x117: {  	v3 =	vld.idx.msk [tilespmem:v5+s25+$0x0], $0xffff  }
0x118: {  	v7 =	vld [tilespmem:s3+$0x0]  }
0x119: {  	v5 =	vld [tilespmem:s3+$0x10]  }
0x11a: {  	_ =	sdelay $0x1  }
0x11b: {  	v6 =	vmul.f32 v6, v3  }
0x11c: {  	v8 =	vld [tilespmem:s31+$0x50];
	v4 =	vmul.f32 v4, v3  }
0x11d: {  	v9 =	vld [tilespmem:s31+$0x70];
	v1 =	vmul.f32 v1, v3;
	[tilespmem:s31+$0x60] =	vst v6  }
0x11e: {  	v54 =	vmul.f32 v7, v3;
	[tilespmem:s31+$0x40] =	vst v4  }
0x11f: {  	s0 =	sadd.s32 $0x3, s0;
	[tilespmem:s31+$0x20] =	vst v1;
	v1 =	vmul.f32 v2, v3  }
0x120: {  	v56 =	vmov s0;
	v5 =	vmul.f32 v5, v3;
	[tilespmem:s31+$0x0] =	vst v54  }
0x121: {  	v55 =	vmul.f32 v8, v3;
	[tilespmem:s31+$0x30] =	vst v1  }
0x122: {  	v3 =	vmul.f32 v9, v3;
	[tilespmem:s31+$0x10] =	vst v5  }
0x123: {  	[tilespmem:s31+$0x50] =	vst v55  }
0x124: {  	v2 =	vld [tilespmem:s31+$0x80];
	[tilespmem:s31+$0x70] =	vst v3  }
0x125: {  	v1 =	vld.idx.msk [tilespmem:v56+s25+$0x0], $0xffff  }
0x126: {  	v3 =	vld [tilespmem:s31+$0xA0]  }
0x127: {  	v59 =	vld [tilespmem:s31+$0xE0]  }
0x128: {  	v57 =	vld [tilespmem:s31+$0xC0]  }
0x129: {  	v58 =	vld [tilespmem:s31+$0xF0]  }
0x12a: {  	v60 =	vld [tilespmem:s31+$0x90];
	v2 =	vmul.f32 v2, v1  }
0x12b: {  	v61 =	vld [tilespmem:s31+$0xB0];
	v3 =	vmul.f32 v3, v1  }
0x12c: {  	v62 =	vld [tilespmem:s31+$0xD0];
	v63 =	vmul.f32 v59, v1;
	[tilespmem:s31+$0x80] =	vst v2  }
0x12d: {  	v2 =	vmul.f32 v57, v1;
	[tilespmem:s31+$0xA0] =	vst v3  }
0x12e: {  	v3 =	vmul.f32 v58, v1;
	[tilespmem:s31+$0xE0] =	vst v63  }
0x12f: {  	[tilespmem:s31+$0xC0] =	vst v2;
	v2 =	vmul.f32 v60, v1  }
0x130: {  	[tilespmem:s31+$0xF0] =	vst v3;
	v3 =	vmul.f32 v61, v1  }
0x131: {  	s30 =	sadd.s32 $0x1, s30;
	v1 =	vmul.f32 v62, v1;
	[tilespmem:s31+$0x90] =	vst v2  }
0x132: {  	p0 =	sne.s32 s30, $0x51;
	[tilespmem:s31+$0xB0] =	vst v3  }
.Ltmp3:
0x133: {  	[tilespmem:s31+$0xD0] =	vst v1;
	(pc) =	sbr.rel @p0 .LBB2_6-.Ltmp3, $4  }
0x134: {  	[spmem:s2] =	stream.indirect.scatter.add.f32 [tilespmem:s17], [sflag:$0x2], $0x80, s26, s19, $0xb8;
	[tilespmem:$0x1F400] =	vst v63  }
0x135: {  	_ =	swait.ge [sflag:s18], $0x4000  }
0x136: {  	[sflag:s18] =	ssyncset.done $0x0  }
0x137: {  	[sflag:s18] =	ssyncadd.s32 $0xFFFFC000  }
0x138: {  	s0 =	stileid.u32  }
0x139: {  	s0 =	sshll.u32 s0, $0x6  }
0x13a: {  	[bflag:$0x0] =	sbarrier.arrive $0xFFFF;
	s3 =	sshrl.u32 s7, $0x3;
	s0 =	sor.u32 $0x1C02, s0  }
0x13b: {  	[hbm:s11], [sflag:s0] =	dma.local [spmem:s3], $0x2780  }
0x13c: {  	s4 =	sadd.s32 $0x1, s4;
	_ =	swait.ge [sflag:s18], $0x2780  }
0x13d: {  	p0 =	sne.s32 s4, s13;
	[sflag:s18] =	ssyncset.done $0x0  }
.Ltmp4:
0x13e: {  	s31 =	simm.s32 $0x400;
	[sflag:s18] =	ssyncadd.s32 $0xFFFFD880;
	(pc) =	sbr.rel @p0 .LBB2_1-.Ltmp4, $4  }
0x13f: {  	[hbm4b:s12+s19] =	stream.strided.scatter [tilespmem:s23], [sflag:$0x2], $0x2780, s31, s19, $0x38;
	[tilespmem:$0x1F400] =	vst v63  }
0x140: {  	_ =	swait.ge [sflag:s18], $0x2780  }
0x141: {  	[sflag:s18] =	ssyncset.done $0x0  }
0x142: {  	[sflag:s18] =	ssyncadd.s32 $0xFFFFD880  }
0x143: {  	_ =	sfence.sel $0x180000  }
0x144: {  	[bflag:$0x0] =	sbarrier.arrive $0xFFFF  }
0x145: {  	_ =	strace $0x90000047  }
0x146: {  	s0 =	stileid.u32;
	[bflag:$0x2] =	sbarrier.arrive $0xFFFF  }
0x147: {  	p0 =	sne.s32 s0, $0x0;
	s0 =	rddreg [dreg:$0x3]  }
0x148: {  	s0 =	sadd.s32 @!p0 $0x100000, s0  }
0x149: {  	[sflag:s0] =	ssyncadd.tile.s32 @!p0 $0x1;
	_ =	shalt  }
.Lfunc_end2:
_tile_overlayer_lowered:
.L_overlay_start_2:
0x14a: {  	(tag) =	ssettag $0x2  }
0x14b: {  	s0 =	rddreg [dreg:$0x0];
	s2 =	stileid.u32  }
0x14c: {  	s1 =	rddreg [dreg:$0x1];
	p0 =	sne.s32 s2, $0x0  }
0x14d: {  	s3 =	rddreg [dreg:$0x2];
	[bflag:$0x3] =	sbarrier.arrive $0xFFFF;
	s2 =	simm.s32 @!p0 $0x1C02  }
0x14e: {  	[timem:s3], [sflag:s2] =	dma.local @!p0 [hbm:s0], s1  }
0x14f: {  	s0 =	simm.s32 @!p0 $0x2  }
0x150: {  	_ =	swait.ge @!p0 [sflag:s0], s1  }
0x151: {  	s1 =	ssub.s32 @!p0 $0x0, s1;
	[sflag:s0] =	ssyncset.done @!p0 $0x0  }
0x152: {  	[sflag:s0] =	ssyncadd.s32 @!p0 s1  }
0x153: {  	[bflag:$0x3] =	sbarrier.arrive $0xFFFF  }
0x154: {  	_ =	shalt  }

</sc_bundles>
